<compile_context>
chip_gen: v7x
topology: tpu7x:2x2x1
jax: 0.10.2.dev20260603
libtpu: 0.0.44.dev20260713+nightly
codegen_flags: <defaults>
</compile_context>

<pallas_src>
import functools

import jax
import jax.numpy as jnp
from jax import lax
from jax.experimental import pallas as pl
from jax.experimental.pallas import tpu as pltpu
from jax.experimental.pallas import tpu_sc as plsc

N_NODES = 10000
D_FEAT = 128
E_HALF = 320000
E_TOTAL = 2 * E_HALF

NC = 2
NS = 16
L = 16
NW = NC * NS

CH = 128
CHUNKS_PER_W = 158
PW = CHUNKS_PER_W * CH
E_PAD = NW * PW


def _sc_scores(zi, table, src_idx, dst_idx):
    mesh = plsc.VectorSubcoreMesh(core_axis_name="c", subcore_axis_name="s")

    @functools.partial(
        pl.kernel,
        mesh=mesh,
        compiler_params=pltpu.CompilerParams(
            needs_layout_passes=False, use_tc_tiling_on_sc=False),
        out_type=jax.ShapeDtypeStruct((E_PAD,), jnp.float32),
        scratch_types=[
            pltpu.VMEM((PW,), jnp.int32),
            pltpu.VMEM((PW,), jnp.int32),
            pltpu.VMEM((CH, D_FEAT // 2), jnp.int32),
            pltpu.VMEM((CH, D_FEAT // 2), jnp.int32),
            pltpu.VMEM((CH, D_FEAT // 2), jnp.int32),
            pltpu.VMEM((CH, D_FEAT // 2), jnp.int32),
            pltpu.VMEM((L * L,), jnp.float32),
            pltpu.VMEM((PW,), jnp.float32),
            pltpu.SemaphoreType.DMA,
            pltpu.SemaphoreType.DMA,
        ],
    )
    def k(zi_hbm, tab_hbm, si_hbm, di_hbm, out_hbm,
          si_all, di_all, a0_v, b0_v, a1_v, b1_v, tmp_v, o_all, sem0, sem1):
        wid = lax.axis_index("s") * NC + lax.axis_index("c")
        base = wid * PW
        lane = lax.iota(jnp.int32, 16) * L

        pltpu.sync_copy(si_hbm.at[pl.ds(base, PW)], si_all)
        pltpu.sync_copy(di_hbm.at[pl.ds(base, PW)], di_all)

        def issue(t, a_v, b_v, sem):
            pltpu.async_copy(zi_hbm.at[si_all.at[pl.ds(t * CH, CH)]], a_v, sem)
            pltpu.async_copy(tab_hbm.at[di_all.at[pl.ds(t * CH, CH)]], b_v, sem)

        def drain(a_v, b_v, sem):
            pltpu.make_async_copy(
                zi_hbm.at[si_all.at[pl.ds(0, CH)]], a_v, sem).wait()
            pltpu.make_async_copy(
                tab_hbm.at[di_all.at[pl.ds(0, CH)]], b_v, sem).wait()

        def compute(t, a_v, b_v):
            @pl.loop(0, CH // L)
            def _(g):
                e0 = g * L
                for i in range(L):
                    e = e0 + i

                    def chunk(kk):
                        aa = plsc.bitcast(a_v[e, pl.ds(kk * L, L)], jnp.bfloat16)
                        bb = plsc.bitcast(b_v[e, pl.ds(kk * L, L)], jnp.bfloat16)
                        return aa * bb

                    acc = (chunk(0) + chunk(1)) + (chunk(2) + chunk(3))
                    lo, hi = plsc.unpack(
                        acc, format=plsc.PackFormat.INTERLEAVED,
                        preferred_element_type=jnp.float32)
                    tmp_v[pl.ds(i * L, L)] = lo + hi
                cols = [plsc.load_gather(tmp_v, [lane + d]) for d in range(L)]
                while len(cols) > 1:
                    cols = [cols[j] + cols[j + 1]
                            for j in range(0, len(cols), 2)]
                o_all[pl.ds(t * CH + e0, L)] = cols[0]

        issue(0, a0_v, b0_v, sem0)
        issue(1, a1_v, b1_v, sem1)

        @pl.loop(0, CHUNKS_PER_W, step=2)
        def _(t):
            drain(a0_v, b0_v, sem0)
            compute(t, a0_v, b0_v)

            @pl.when(t + 2 < CHUNKS_PER_W)
            def _():
                issue(t + 2, a0_v, b0_v, sem0)

            drain(a1_v, b1_v, sem1)
            compute(t + 1, a1_v, b1_v)

            @pl.when(t + 3 < CHUNKS_PER_W)
            def _():
                issue(t + 3, a1_v, b1_v, sem1)

        pltpu.sync_copy(o_all, out_hbm.at[pl.ds(base, PW)])

    return k(zi, table, src_idx, dst_idx)


def _tc_loss(scores):
    rows = E_PAD // 1024

    def body(s_ref, o_ref):
        s = s_ref[...]
        r = lax.broadcasted_iota(jnp.int32, (rows, 1024), 0)
        c = lax.broadcasted_iota(jnp.int32, (rows, 1024), 1)
        li = r * 1024 + c
        x = jnp.where(li < E_HALF, -s, s)
        sp = jnp.maximum(x, 0.0) + jnp.log1p(jnp.exp(-jnp.abs(x)))
        sp = jnp.where(li < E_TOTAL, sp, 0.0)
        o_ref[...] = (jnp.sum(sp) / E_TOTAL).reshape(1, 1)

    out = pl.pallas_call(
        body,
        out_shape=jax.ShapeDtypeStruct((1, 1), jnp.float32),
    )(scores.reshape(rows, 1024))
    return out[0, 0]


def kernel(zi, zj, zn, pos_edge_index, neg_edge_index, cuda):
    src = jnp.concatenate(
        [pos_edge_index[0], neg_edge_index[0]]).astype(jnp.int32)
    dst = jnp.concatenate(
        [pos_edge_index[1], neg_edge_index[1] + N_NODES]).astype(jnp.int32)
    pad = E_PAD - E_TOTAL
    src = jnp.concatenate([src, jnp.zeros((pad,), jnp.int32)])
    dst = jnp.concatenate([dst, jnp.zeros((pad,), jnp.int32)])
    def pack_bf16(x):
        xb = x.astype(jnp.bfloat16)
        return jax.lax.bitcast_convert_type(
            xb.reshape(x.shape[0], D_FEAT // 2, 2), jnp.int32)

    table = pack_bf16(jnp.concatenate([zj, zn], axis=0))
    scores = _sc_scores(pack_bf16(zi), table, src, dst)
    return _tc_loss(scores)

# --- scband reference (transcript-rebuilt; emitter-appended) ---
"""Pipeline reference for scband-unsuper-cross-entropy-38989713113532 (READ-ONLY COPY).

The authoritative reference and input builder live on the scoring server;
editing this copy changes nothing except your own understanding.
"""

import jax, jax.numpy as jnp
import numpy as np

N_NODES = 10000
D_FEAT = 128
N_EDGES = 320000


def setup_inputs(seed: int = 0) -> dict:
    key = jax.random.key(seed)
    k1, k2, k3, k4, k5 = jax.random.split(key, 5)
    zi = jax.random.normal(k1, (N_NODES, D_FEAT), dtype=jnp.float32)
    zj = jax.random.normal(k2, (N_NODES, D_FEAT), dtype=jnp.float32)
    zn = jax.random.normal(k3, (N_NODES, D_FEAT), dtype=jnp.float32)
    pos_edge_index = jax.random.randint(k4, (2, N_EDGES), 0, N_NODES, dtype=jnp.int64)
    neg_edge_index = jax.random.randint(k5, (2, N_EDGES), 0, N_NODES, dtype=jnp.int64)
    return {
        "zi": zi,
        "zj": zj,
        "zn": zn,
        "pos_edge_index": pos_edge_index,
        "neg_edge_index": neg_edge_index,
        "cuda": False,
    }


def _bce_with_logits(score, label):
    # Numerically stable binary cross entropy with logits (mean reduction),
    # matching F.binary_cross_entropy_with_logits.
    return jnp.mean(
        jnp.maximum(score, 0.0) - score * label + jnp.log1p(jnp.exp(-jnp.abs(score)))
    )


def reference(zi, zj, zn, pos_edge_index, neg_edge_index, cuda):
    # pos_graph.apply_edges(fn.u_dot_v('h','h','score')) with srcdata=zi, dstdata=zj
    pos_score = jnp.sum(
        jnp.take(zi, pos_edge_index[0], axis=0) * jnp.take(zj, pos_edge_index[1], axis=0),
        axis=-1,
    )
    # neg_graph.apply_edges(fn.u_dot_v('h','h','score')) with srcdata=zi, dstdata=zn
    neg_score = jnp.sum(
        jnp.take(zi, neg_edge_index[0], axis=0) * jnp.take(zn, neg_edge_index[1], axis=0),
        axis=-1,
    )
    score = jnp.concatenate([pos_score, neg_score])
    label = jnp.concatenate(
        [jnp.ones(pos_score.shape[0], dtype=jnp.float32),
         jnp.zeros(neg_score.shape[0], dtype=jnp.float32)]
    )
    loss = _bce_with_logits(score, label)
    return loss

if __name__ == "__main__":
    import jax
    _d = setup_inputs()
    print(jax.jit(kernel)(*tuple(_d.values())))

</pallas_src>

<mosaic_0001>
#map = affine_map<(d0, d1) -> (0, 0)>
#map1 = affine_map<(d0, d1) -> (0)>
module attributes {stable_mosaic.version = 14 : i64} {
  func.func @k(%arg0: i32, %arg1: i32, %arg2: memref<10000x64xi32, #tpu.memory_space<hbm>>, %arg3: memref<20000x64xi32, #tpu.memory_space<hbm>>, %arg4: memref<647168xi32, #tpu.memory_space<hbm>>, %arg5: memref<647168xi32, #tpu.memory_space<hbm>>, %arg6: memref<647168xf32, #tpu.memory_space<hbm>>, %arg7: memref<20224xi32, #tpu.memory_space<vmem>>, %arg8: memref<20224xi32, #tpu.memory_space<vmem>>, %arg9: memref<128x64xi32, #tpu.memory_space<vmem>>, %arg10: memref<128x64xi32, #tpu.memory_space<vmem>>, %arg11: memref<128x64xi32, #tpu.memory_space<vmem>>, %arg12: memref<128x64xi32, #tpu.memory_space<vmem>>, %arg13: memref<256xf32, #tpu.memory_space<vmem>>, %arg14: memref<20224xf32, #tpu.memory_space<vmem>>, %arg15: memref<!tpu.dma_semaphore, #tpu.memory_space<semaphore_mem>>, %arg16: memref<!tpu.dma_semaphore, #tpu.memory_space<semaphore_mem>>) attributes {dimension_semantics = [#tpu.dimension_semantics<core_parallel>, #tpu.dimension_semantics<subcore_parallel>], iteration_bounds = array<i64: 2, 16>, scalar_prefetch = 0 : i64, scratch_operands = 10 : i64, tpu.core_type = #tpu.core_type<sc_vector_subcore>, window_params = [{transform_indices = #map}, {transform_indices = #map}, {transform_indices = #map1}, {transform_indices = #map1}, {transform_indices = #map1}]} {
    %mul3A = arith.constant 2 : i32
    %mul3A_0 = arith.muli %arg1, %mul3A : i32
    %add3A = arith.addi %mul3A_0, %arg0 : i32
    %mul3A_1 = arith.constant 20224 : i32
    %mul3A_2 = arith.muli %add3A, %mul3A_1 : i32
    %iota3A = tpu.iota {dimensions = array<i32: 0>} : vector<16xi32>
    %mul3A_3 = arith.constant 16 : i32
    %mul3A_4 = vector.broadcast %mul3A_3 : i32 to vector<16xi32>
    %mul3A_5 = arith.muli %iota3A, %mul3A_4 : vector<16xi32>
    "tpu.region"() ({
      %run_scoped3A = tpu.sem_alloc : memref<!tpu.dma_semaphore, #tpu.memory_space<semaphore_mem>>
      %dma_start3A_29 = tpu.memref_slice %arg4[%mul3A_2] : memref<647168xi32, #tpu.memory_space<hbm>> -> memref<20224xi32, #tpu.memory_space<hbm>>
      %dma_start3A_30 = tpu.memref_slice %arg4[%mul3A_2] : memref<647168xi32, #tpu.memory_space<hbm>> -> memref<20224xi32, #tpu.memory_space<hbm>>
      tpu.enqueue_dma source(%dma_start3A_30 : memref<20224xi32, #tpu.memory_space<hbm>>) target(%arg7 : memref<20224xi32, #tpu.memory_space<vmem>>) target_semaphore(%run_scoped3A : memref<!tpu.dma_semaphore, #tpu.memory_space<semaphore_mem>>)
      %dma_wait3A = tpu.memref_slice %arg4[%mul3A_2] : memref<647168xi32, #tpu.memory_space<hbm>> -> memref<20224xi32, #tpu.memory_space<hbm>>
      %dma_wait3A_31 = tpu.memref_slice %arg4[%mul3A_2] : memref<647168xi32, #tpu.memory_space<hbm>> -> memref<20224xi32, #tpu.memory_space<hbm>>
      tpu.wait_dma2 semaphore(%run_scoped3A : memref<!tpu.dma_semaphore, #tpu.memory_space<semaphore_mem>>) src(%dma_wait3A_31 : memref<20224xi32, #tpu.memory_space<hbm>>) dst(%arg7 : memref<20224xi32, #tpu.memory_space<vmem>>)
      tpu.yield
    }) : () -> ()
    "tpu.region"() ({
      %run_scoped3A = tpu.sem_alloc : memref<!tpu.dma_semaphore, #tpu.memory_space<semaphore_mem>>
      %dma_start3A_29 = tpu.memref_slice %arg5[%mul3A_2] : memref<647168xi32, #tpu.memory_space<hbm>> -> memref<20224xi32, #tpu.memory_space<hbm>>
      %dma_start3A_30 = tpu.memref_slice %arg5[%mul3A_2] : memref<647168xi32, #tpu.memory_space<hbm>> -> memref<20224xi32, #tpu.memory_space<hbm>>
      tpu.enqueue_dma source(%dma_start3A_30 : memref<20224xi32, #tpu.memory_space<hbm>>) target(%arg8 : memref<20224xi32, #tpu.memory_space<vmem>>) target_semaphore(%run_scoped3A : memref<!tpu.dma_semaphore, #tpu.memory_space<semaphore_mem>>)
      %dma_wait3A = tpu.memref_slice %arg5[%mul3A_2] : memref<647168xi32, #tpu.memory_space<hbm>> -> memref<20224xi32, #tpu.memory_space<hbm>>
      %dma_wait3A_31 = tpu.memref_slice %arg5[%mul3A_2] : memref<647168xi32, #tpu.memory_space<hbm>> -> memref<20224xi32, #tpu.memory_space<hbm>>
      tpu.wait_dma2 semaphore(%run_scoped3A : memref<!tpu.dma_semaphore, #tpu.memory_space<semaphore_mem>>) src(%dma_wait3A_31 : memref<20224xi32, #tpu.memory_space<hbm>>) dst(%arg8 : memref<20224xi32, #tpu.memory_space<vmem>>)
      tpu.yield
    }) : () -> ()
    %dma_start3A = arith.constant 0 : i32
    %dma_start3A_6 = tpu.memref_slice %arg7[%dma_start3A] : memref<20224xi32, #tpu.memory_space<vmem>> -> memref<128xi32, #tpu.memory_space<vmem>>
    %dma_start3A_7 = arith.constant 0 : i32
    %dma_start3A_8 = arith.constant 0 : i32
    %dma_start3A_9 = tpu.memref_slice %arg2[%dma_start3A_7, %dma_start3A_8] : memref<10000x64xi32, #tpu.memory_space<hbm>> -> memref<10000x64xi32, #tpu.memory_space<hbm>>
    tpu.enqueue_indirect_dma source(%dma_start3A_9 : memref<10000x64xi32, #tpu.memory_space<hbm>>) target(%arg9 : memref<128x64xi32, #tpu.memory_space<vmem>>) offsets(%dma_start3A_6 : memref<128xi32, #tpu.memory_space<vmem>>) semaphore(%arg15 : memref<!tpu.dma_semaphore, #tpu.memory_space<semaphore_mem>>)
    %dma_start3A_10 = arith.constant 0 : i32
    %dma_start3A_11 = tpu.memref_slice %arg8[%dma_start3A_10] : memref<20224xi32, #tpu.memory_space<vmem>> -> memref<128xi32, #tpu.memory_space<vmem>>
    %dma_start3A_12 = arith.constant 0 : i32
    %dma_start3A_13 = arith.constant 0 : i32
    %dma_start3A_14 = tpu.memref_slice %arg3[%dma_start3A_12, %dma_start3A_13] : memref<20000x64xi32, #tpu.memory_space<hbm>> -> memref<20000x64xi32, #tpu.memory_space<hbm>>
    tpu.enqueue_indirect_dma source(%dma_start3A_14 : memref<20000x64xi32, #tpu.memory_space<hbm>>) target(%arg10 : memref<128x64xi32, #tpu.memory_space<vmem>>) offsets(%dma_start3A_11 : memref<128xi32, #tpu.memory_space<vmem>>) semaphore(%arg15 : memref<!tpu.dma_semaphore, #tpu.memory_space<semaphore_mem>>)
    %dma_start3A_15 = arith.constant 128 : i32
    %dma_start3A_16 = tpu.memref_slice %arg7[%dma_start3A_15] : memref<20224xi32, #tpu.memory_space<vmem>> -> memref<128xi32, #tpu.memory_space<vmem>>
    %dma_start3A_17 = arith.constant 0 : i32
    %dma_start3A_18 = arith.constant 0 : i32
    %dma_start3A_19 = tpu.memref_slice %arg2[%dma_start3A_17, %dma_start3A_18] : memref<10000x64xi32, #tpu.memory_space<hbm>> -> memref<10000x64xi32, #tpu.memory_space<hbm>>
    tpu.enqueue_indirect_dma source(%dma_start3A_19 : memref<10000x64xi32, #tpu.memory_space<hbm>>) target(%arg11 : memref<128x64xi32, #tpu.memory_space<vmem>>) offsets(%dma_start3A_16 : memref<128xi32, #tpu.memory_space<vmem>>) semaphore(%arg16 : memref<!tpu.dma_semaphore, #tpu.memory_space<semaphore_mem>>)
    %dma_start3A_20 = arith.constant 128 : i32
    %dma_start3A_21 = tpu.memref_slice %arg8[%dma_start3A_20] : memref<20224xi32, #tpu.memory_space<vmem>> -> memref<128xi32, #tpu.memory_space<vmem>>
    %dma_start3A_22 = arith.constant 0 : i32
    %dma_start3A_23 = arith.constant 0 : i32
    %dma_start3A_24 = tpu.memref_slice %arg3[%dma_start3A_22, %dma_start3A_23] : memref<20000x64xi32, #tpu.memory_space<hbm>> -> memref<20000x64xi32, #tpu.memory_space<hbm>>
    tpu.enqueue_indirect_dma source(%dma_start3A_24 : memref<20000x64xi32, #tpu.memory_space<hbm>>) target(%arg12 : memref<128x64xi32, #tpu.memory_space<vmem>>) offsets(%dma_start3A_21 : memref<128xi32, #tpu.memory_space<vmem>>) semaphore(%arg16 : memref<!tpu.dma_semaphore, #tpu.memory_space<semaphore_mem>>)
    %scan3A = arith.constant 0 : i32
    %scan3A_25 = arith.constant 79 : i32
    %scan3A_26 = arith.addi %scan3A, %scan3A_25 : i32
    %scan3A_27 = arith.constant 1 : i32
    scf.for %scan3A_29 = %scan3A to %scan3A_26 step %scan3A_27  : i32 {
      %mul3A_30 = arith.constant 2 : i32
      %mul3A_31 = arith.muli %scan3A_29, %mul3A_30 : i32
      %add3A_32 = arith.constant 0 : i32
      %add3A_33 = arith.addi %add3A_32, %mul3A_31 : i32
      %dma_wait3A = arith.constant 0 : i32
      %dma_wait3A_34 = tpu.memref_slice %arg7[%dma_wait3A] : memref<20224xi32, #tpu.memory_space<vmem>> -> memref<128xi32, #tpu.memory_space<vmem>>
      %dma_wait3A_35 = arith.constant 0 : i32
      %dma_wait3A_36 = arith.constant 0 : i32
      %dma_wait3A_37 = tpu.memref_slice %arg2[%dma_wait3A_35, %dma_wait3A_36] : memref<10000x64xi32, #tpu.memory_space<hbm>> -> memref<10000x64xi32, #tpu.memory_space<hbm>>
      tpu.wait_indirect_dma semaphore(%arg15 : memref<!tpu.dma_semaphore, #tpu.memory_space<semaphore_mem>>) src(%dma_wait3A_37 : memref<10000x64xi32, #tpu.memory_space<hbm>>) dst(%arg9 : memref<128x64xi32, #tpu.memory_space<vmem>>)
      %dma_wait3A_38 = arith.constant 0 : i32
      %dma_wait3A_39 = tpu.memref_slice %arg8[%dma_wait3A_38] : memref<20224xi32, #tpu.memory_space<vmem>> -> memref<128xi32, #tpu.memory_space<vmem>>
      %dma_wait3A_40 = arith.constant 0 : i32
      %dma_wait3A_41 = arith.constant 0 : i32
      %dma_wait3A_42 = tpu.memref_slice %arg3[%dma_wait3A_40, %dma_wait3A_41] : memref<20000x64xi32, #tpu.memory_space<hbm>> -> memref<20000x64xi32, #tpu.memory_space<hbm>>
      tpu.wait_indirect_dma semaphore(%arg15 : memref<!tpu.dma_semaphore, #tpu.memory_space<semaphore_mem>>) src(%dma_wait3A_42 : memref<20000x64xi32, #tpu.memory_space<hbm>>) dst(%arg10 : memref<128x64xi32, #tpu.memory_space<vmem>>)
      %scan3A_43 = arith.constant 0 : i32
      %scan3A_44 = arith.constant 8 : i32
      %scan3A_45 = arith.addi %scan3A_43, %scan3A_44 : i32
      %scan3A_46 = arith.constant 1 : i32
      scf.for %scan3A_76 = %scan3A_43 to %scan3A_45 step %scan3A_46  : i32 {
        %mul3A_77 = arith.constant 1 : i32
        %mul3A_78 = arith.muli %scan3A_76, %mul3A_77 : i32
        %add3A_79 = arith.constant 0 : i32
        %add3A_80 = arith.addi %add3A_79, %mul3A_78 : i32
        %mul3A_81 = arith.constant 16 : i32
        %mul3A_82 = arith.muli %add3A_80, %mul3A_81 : i32
        %add3A_83 = arith.constant 0 : i32
        %add3A_84 = arith.addi %mul3A_82, %add3A_83 : i32
        %get3A = arith.index_cast %add3A_84 : i32 to index
        %get3A_85 = arith.constant 0 : index
        %get3A_86 = tpu.vector_load %arg9[%get3A, %get3A_85] {strides = array<i32>} : memref<128x64xi32, #tpu.memory_space<vmem>>, vector<16xi32>,
        %bitcast3A = vector.bitcast %get3A_86 : vector<16xi32> to vector<32xbf16>
        %get3A_87 = arith.index_cast %add3A_84 : i32 to index
        %get3A_88 = arith.constant 0 : index
        %get3A_89 = tpu.vector_load %arg10[%get3A_87, %get3A_88] {strides = array<i32>} : memref<128x64xi32, #tpu.memory_space<vmem>>, vector<16xi32>,
        %bitcast3A_90 = vector.bitcast %get3A_89 : vector<16xi32> to vector<32xbf16>
        %mul3A_91 = arith.mulf %bitcast3A, %bitcast3A_90 : vector<32xbf16>
        %get3A_92 = arith.index_cast %add3A_84 : i32 to index
        %get3A_93 = arith.constant 16 : index
        %get3A_94 = tpu.vector_load %arg9[%get3A_92, %get3A_93] {strides = array<i32>} : memref<128x64xi32, #tpu.memory_space<vmem>>, vector<16xi32>,
        %bitcast3A_95 = vector.bitcast %get3A_94 : vector<16xi32> to vector<32xbf16>
        %get3A_96 = arith.index_cast %add3A_84 : i32 to index
        %get3A_97 = arith.constant 16 : index
        %get3A_98 = tpu.vector_load %arg10[%get3A_96, %get3A_97] {strides = array<i32>} : memref<128x64xi32, #tpu.memory_space<vmem>>, vector<16xi32>,
        %bitcast3A_99 = vector.bitcast %get3A_98 : vector<16xi32> to vector<32xbf16>
        %mul3A_100 = arith.mulf %bitcast3A_95, %bitcast3A_99 : vector<32xbf16>
        %add3A_101 = arith.addf %mul3A_91, %mul3A_100 : vector<32xbf16>
        %get3A_102 = arith.index_cast %add3A_84 : i32 to index
        %get3A_103 = arith.constant 32 : index
        %get3A_104 = tpu.vector_load %arg9[%get3A_102, %get3A_103] {strides = array<i32>} : memref<128x64xi32, #tpu.memory_space<vmem>>, vector<16xi32>,
        %bitcast3A_105 = vector.bitcast %get3A_104 : vector<16xi32> to vector<32xbf16>
        %get3A_106 = arith.index_cast %add3A_84 : i32 to index
        %get3A_107 = arith.constant 32 : index
        %get3A_108 = tpu.vector_load %arg10[%get3A_106, %get3A_107] {strides = array<i32>} : memref<128x64xi32, #tpu.memory_space<vmem>>, vector<16xi32>,
        %bitcast3A_109 = vector.bitcast %get3A_108 : vector<16xi32> to vector<32xbf16>
        %mul3A_110 = arith.mulf %bitcast3A_105, %bitcast3A_109 : vector<32xbf16>
        %get3A_111 = arith.index_cast %add3A_84 : i32 to index
        %get3A_112 = arith.constant 48 : index
        %get3A_113 = tpu.vector_load %arg9[%get3A_111, %get3A_112] {strides = array<i32>} : memref<128x64xi32, #tpu.memory_space<vmem>>, vector<16xi32>,
        %bitcast3A_114 = vector.bitcast %get3A_113 : vector<16xi32> to vector<32xbf16>
        %get3A_115 = arith.index_cast %add3A_84 : i32 to index
        %get3A_116 = arith.constant 48 : index
        %get3A_117 = tpu.vector_load %arg10[%get3A_115, %get3A_116] {strides = array<i32>} : memref<128x64xi32, #tpu.memory_space<vmem>>, vector<16xi32>,
        %bitcast3A_118 = vector.bitcast %get3A_117 : vector<16xi32> to vector<32xbf16>
        %mul3A_119 = arith.mulf %bitcast3A_114, %bitcast3A_118 : vector<32xbf16>
        %add3A_120 = arith.addf %mul3A_110, %mul3A_119 : vector<32xbf16>
        %add3A_121 = arith.addf %add3A_101, %add3A_120 : vector<32xbf16>
        %unpack3A = tpu.unpack_subelements %add3A_121, 0 {pack_format = #tpu.pack_format<interleaved>} : vector<32xbf16> -> vector<16xf32>
        %unpack3A_122 = tpu.unpack_subelements %add3A_121, 1 {pack_format = #tpu.pack_format<interleaved>} : vector<32xbf16> -> vector<16xf32>
        %add3A_123 = arith.addf %unpack3A, %unpack3A_122 : vector<16xf32>
        %swap3A = arith.constant 0 : index
        %swap3A_124 = tpu.vector_load %arg13[%swap3A] {strides = array<i32>} : memref<256xf32, #tpu.memory_space<vmem>>, vector<16xf32>,
        tpu.vector_store %arg13[%swap3A], %add3A_123 {strides = array<i32>} : memref<256xf32, #tpu.memory_space<vmem>>, vector<16xf32>,
        %add3A_125 = arith.constant 1 : i32
        %add3A_126 = arith.addi %mul3A_82, %add3A_125 : i32
        %get3A_127 = arith.index_cast %add3A_126 : i32 to index
        %get3A_128 = arith.constant 0 : index
        %get3A_129 = tpu.vector_load %arg9[%get3A_127, %get3A_128] {strides = array<i32>} : memref<128x64xi32, #tpu.memory_space<vmem>>, vector<16xi32>,
        %bitcast3A_130 = vector.bitcast %get3A_129 : vector<16xi32> to vector<32xbf16>
        %get3A_131 = arith.index_cast %add3A_126 : i32 to index
        %get3A_132 = arith.constant 0 : index
        %get3A_133 = tpu.vector_load %arg10[%get3A_131, %get3A_132] {strides = array<i32>} : memref<128x64xi32, #tpu.memory_space<vmem>>, vector<16xi32>,
        %bitcast3A_134 = vector.bitcast %get3A_133 : vector<16xi32> to vector<32xbf16>
        %mul3A_135 = arith.mulf %bitcast3A_130, %bitcast3A_134 : vector<32xbf16>
        %get3A_136 = arith.index_cast %add3A_126 : i32 to index
        %get3A_137 = arith.constant 16 : index
        %get3A_138 = tpu.vector_load %arg9[%get3A_136, %get3A_137] {strides = array<i32>} : memref<128x64xi32, #tpu.memory_space<vmem>>, vector<16xi32>,
        %bitcast3A_139 = vector.bitcast %get3A_138 : vector<16xi32> to vector<32xbf16>
        %get3A_140 = arith.index_cast %add3A_126 : i32 to index
        %get3A_141 = arith.constant 16 : index
        %get3A_142 = tpu.vector_load %arg10[%get3A_140, %get3A_141] {strides = array<i32>} : memref<128x64xi32, #tpu.memory_space<vmem>>, vector<16xi32>,
        %bitcast3A_143 = vector.bitcast %get3A_142 : vector<16xi32> to vector<32xbf16>
        %mul3A_144 = arith.mulf %bitcast3A_139, %bitcast3A_143 : vector<32xbf16>
        %add3A_145 = arith.addf %mul3A_135, %mul3A_144 : vector<32xbf16>
        %get3A_146 = arith.index_cast %add3A_126 : i32 to index
        %get3A_147 = arith.constant 32 : index
        %get3A_148 = tpu.vector_load %arg9[%get3A_146, %get3A_147] {strides = array<i32>} : memref<128x64xi32, #tpu.memory_space<vmem>>, vector<16xi32>,
        %bitcast3A_149 = vector.bitcast %get3A_148 : vector<16xi32> to vector<32xbf16>
        %get3A_150 = arith.index_cast %add3A_126 : i32 to index
        %get3A_151 = arith.constant 32 : index
        %get3A_152 = tpu.vector_load %arg10[%get3A_150, %get3A_151] {strides = array<i32>} : memref<128x64xi32, #tpu.memory_space<vmem>>, vector<16xi32>,
        %bitcast3A_153 = vector.bitcast %get3A_152 : vector<16xi32> to vector<32xbf16>
        %mul3A_154 = arith.mulf %bitcast3A_149, %bitcast3A_153 : vector<32xbf16>
        %get3A_155 = arith.index_cast %add3A_126 : i32 to index
        %get3A_156 = arith.constant 48 : index
        %get3A_157 = tpu.vector_load %arg9[%get3A_155, %get3A_156] {strides = array<i32>} : memref<128x64xi32, #tpu.memory_space<vmem>>, vector<16xi32>,
        %bitcast3A_158 = vector.bitcast %get3A_157 : vector<16xi32> to vector<32xbf16>
        %get3A_159 = arith.index_cast %add3A_126 : i32 to index
        %get3A_160 = arith.constant 48 : index
        %get3A_161 = tpu.vector_load %arg10[%get3A_159, %get3A_160] {strides = array<i32>} : memref<128x64xi32, #tpu.memory_space<vmem>>, vector<16xi32>,
        %bitcast3A_162 = vector.bitcast %get3A_161 : vector<16xi32> to vector<32xbf16>
        %mul3A_163 = arith.mulf %bitcast3A_158, %bitcast3A_162 : vector<32xbf16>
        %add3A_164 = arith.addf %mul3A_154, %mul3A_163 : vector<32xbf16>
        %add3A_165 = arith.addf %add3A_145, %add3A_164 : vector<32xbf16>
        %unpack3A_166 = tpu.unpack_subelements %add3A_165, 0 {pack_format = #tpu.pack_format<interleaved>} : vector<32xbf16> -> vector<16xf32>
        %unpack3A_167 = tpu.unpack_subelements %add3A_165, 1 {pack_format = #tpu.pack_format<interleaved>} : vector<32xbf16> -> vector<16xf32>
        %add3A_168 = arith.addf %unpack3A_166, %unpack3A_167 : vector<16xf32>
        %swap3A_169 = arith.constant 16 : index
        %swap3A_170 = tpu.vector_load %arg13[%swap3A_169] {strides = array<i32>} : memref<256xf32, #tpu.memory_space<vmem>>, vector<16xf32>,
        tpu.vector_store %arg13[%swap3A_169], %add3A_168 {strides = array<i32>} : memref<256xf32, #tpu.memory_space<vmem>>, vector<16xf32>,
        %add3A_171 = arith.constant 2 : i32
        %add3A_172 = arith.addi %mul3A_82, %add3A_171 : i32
        %get3A_173 = arith.index_cast %add3A_172 : i32 to index
        %get3A_174 = arith.constant 0 : index
        %get3A_175 = tpu.vector_load %arg9[%get3A_173, %get3A_174] {strides = array<i32>} : memref<128x64xi32, #tpu.memory_space<vmem>>, vector<16xi32>,
        %bitcast3A_176 = vector.bitcast %get3A_175 : vector<16xi32> to vector<32xbf16>
        %get3A_177 = arith.index_cast %add3A_172 : i32 to index
        %get3A_178 = arith.constant 0 : index
        %get3A_179 = tpu.vector_load %arg10[%get3A_177, %get3A_178] {strides = array<i32>} : memref<128x64xi32, #tpu.memory_space<vmem>>, vector<16xi32>,
        %bitcast3A_180 = vector.bitcast %get3A_179 : vector<16xi32> to vector<32xbf16>
        %mul3A_181 = arith.mulf %bitcast3A_176, %bitcast3A_180 : vector<32xbf16>
        %get3A_182 = arith.index_cast %add3A_172 : i32 to index
        %get3A_183 = arith.constant 16 : index
        %get3A_184 = tpu.vector_load %arg9[%get3A_182, %get3A_183] {strides = array<i32>} : memref<128x64xi32, #tpu.memory_space<vmem>>, vector<16xi32>,
        %bitcast3A_185 = vector.bitcast %get3A_184 : vector<16xi32> to vector<32xbf16>
        %get3A_186 = arith.index_cast %add3A_172 : i32 to index
        %get3A_187 = arith.constant 16 : index
        %get3A_188 = tpu.vector_load %arg10[%get3A_186, %get3A_187] {strides = array<i32>} : memref<128x64xi32, #tpu.memory_space<vmem>>, vector<16xi32>,
        %bitcast3A_189 = vector.bitcast %get3A_188 : vector<16xi32> to vector<32xbf16>
        %mul3A_190 = arith.mulf %bitcast3A_185, %bitcast3A_189 : vector<32xbf16>
        %add3A_191 = arith.addf %mul3A_181, %mul3A_190 : vector<32xbf16>
        %get3A_192 = arith.index_cast %add3A_172 : i32 to index
        %get3A_193 = arith.constant 32 : index
        %get3A_194 = tpu.vector_load %arg9[%get3A_192, %get3A_193] {strides = array<i32>} : memref<128x64xi32, #tpu.memory_space<vmem>>, vector<16xi32>,
        %bitcast3A_195 = vector.bitcast %get3A_194 : vector<16xi32> to vector<32xbf16>
        %get3A_196 = arith.index_cast %add3A_172 : i32 to index
        %get3A_197 = arith.constant 32 : index
        %get3A_198 = tpu.vector_load %arg10[%get3A_196, %get3A_197] {strides = array<i32>} : memref<128x64xi32, #tpu.memory_space<vmem>>, vector<16xi32>,
        %bitcast3A_199 = vector.bitcast %get3A_198 : vector<16xi32> to vector<32xbf16>
        %mul3A_200 = arith.mulf %bitcast3A_195, %bitcast3A_199 : vector<32xbf16>
        %get3A_201 = arith.index_cast %add3A_172 : i32 to index
        %get3A_202 = arith.constant 48 : index
        %get3A_203 = tpu.vector_load %arg9[%get3A_201, %get3A_202] {strides = array<i32>} : memref<128x64xi32, #tpu.memory_space<vmem>>, vector<16xi32>,
        %bitcast3A_204 = vector.bitcast %get3A_203 : vector<16xi32> to vector<32xbf16>
        %get3A_205 = arith.index_cast %add3A_172 : i32 to index
        %get3A_206 = arith.constant 48 : index
        %get3A_207 = tpu.vector_load %arg10[%get3A_205, %get3A_206] {strides = array<i32>} : memref<128x64xi32, #tpu.memory_space<vmem>>, vector<16xi32>,
        %bitcast3A_208 = vector.bitcast %get3A_207 : vector<16xi32> to vector<32xbf16>
        %mul3A_209 = arith.mulf %bitcast3A_204, %bitcast3A_208 : vector<32xbf16>
        %add3A_210 = arith.addf %mul3A_200, %mul3A_209 : vector<32xbf16>
        %add3A_211 = arith.addf %add3A_191, %add3A_210 : vector<32xbf16>
        %unpack3A_212 = tpu.unpack_subelements %add3A_211, 0 {pack_format = #tpu.pack_format<interleaved>} : vector<32xbf16> -> vector<16xf32>
        %unpack3A_213 = tpu.unpack_subelements %add3A_211, 1 {pack_format = #tpu.pack_format<interleaved>} : vector<32xbf16> -> vector<16xf32>
        %add3A_214 = arith.addf %unpack3A_212, %unpack3A_213 : vector<16xf32>
        %swap3A_215 = arith.constant 32 : index
        %swap3A_216 = tpu.vector_load %arg13[%swap3A_215] {strides = array<i32>} : memref<256xf32, #tpu.memory_space<vmem>>, vector<16xf32>,
        tpu.vector_store %arg13[%swap3A_215], %add3A_214 {strides = array<i32>} : memref<256xf32, #tpu.memory_space<vmem>>, vector<16xf32>,
        %add3A_217 = arith.constant 3 : i32
        %add3A_218 = arith.addi %mul3A_82, %add3A_217 : i32
        %get3A_219 = arith.index_cast %add3A_218 : i32 to index
        %get3A_220 = arith.constant 0 : index
        %get3A_221 = tpu.vector_load %arg9[%get3A_219, %get3A_220] {strides = array<i32>} : memref<128x64xi32, #tpu.memory_space<vmem>>, vector<16xi32>,
        %bitcast3A_222 = vector.bitcast %get3A_221 : vector<16xi32> to vector<32xbf16>
        %get3A_223 = arith.index_cast %add3A_218 : i32 to index
        %get3A_224 = arith.constant 0 : index
        %get3A_225 = tpu.vector_load %arg10[%get3A_223, %get3A_224] {strides = array<i32>} : memref<128x64xi32, #tpu.memory_space<vmem>>, vector<16xi32>,
        %bitcast3A_226 = vector.bitcast %get3A_225 : vector<16xi32> to vector<32xbf16>
        %mul3A_227 = arith.mulf %bitcast3A_222, %bitcast3A_226 : vector<32xbf16>
        %get3A_228 = arith.index_cast %add3A_218 : i32 to index
        %get3A_229 = arith.constant 16 : index
        %get3A_230 = tpu.vector_load %arg9[%get3A_228, %get3A_229] {strides = array<i32>} : memref<128x64xi32, #tpu.memory_space<vmem>>, vector<16xi32>,
        %bitcast3A_231 = vector.bitcast %get3A_230 : vector<16xi32> to vector<32xbf16>
        %get3A_232 = arith.index_cast %add3A_218 : i32 to index
        %get3A_233 = arith.constant 16 : index
        %get3A_234 = tpu.vector_load %arg10[%get3A_232, %get3A_233] {strides = array<i32>} : memref<128x64xi32, #tpu.memory_space<vmem>>, vector<16xi32>,
        %bitcast3A_235 = vector.bitcast %get3A_234 : vector<16xi32> to vector<32xbf16>
        %mul3A_236 = arith.mulf %bitcast3A_231, %bitcast3A_235 : vector<32xbf16>
        %add3A_237 = arith.addf %mul3A_227, %mul3A_236 : vector<32xbf16>
        %get3A_238 = arith.index_cast %add3A_218 : i32 to index
        %get3A_239 = arith.constant 32 : index
        %get3A_240 = tpu.vector_load %arg9[%get3A_238, %get3A_239] {strides = array<i32>} : memref<128x64xi32, #tpu.memory_space<vmem>>, vector<16xi32>,
        %bitcast3A_241 = vector.bitcast %get3A_240 : vector<16xi32> to vector<32xbf16>
        %get3A_242 = arith.index_cast %add3A_218 : i32 to index
        %get3A_243 = arith.constant 32 : index
        %get3A_244 = tpu.vector_load %arg10[%get3A_242, %get3A_243] {strides = array<i32>} : memref<128x64xi32, #tpu.memory_space<vmem>>, vector<16xi32>,
        %bitcast3A_245 = vector.bitcast %get3A_244 : vector<16xi32> to vector<32xbf16>
        %mul3A_246 = arith.mulf %bitcast3A_241, %bitcast3A_245 : vector<32xbf16>
        %get3A_247 = arith.index_cast %add3A_218 : i32 to index
        %get3A_248 = arith.constant 48 : index
        %get3A_249 = tpu.vector_load %arg9[%get3A_247, %get3A_248] {strides = array<i32>} : memref<128x64xi32, #tpu.memory_space<vmem>>, vector<16xi32>,
        %bitcast3A_250 = vector.bitcast %get3A_249 : vector<16xi32> to vector<32xbf16>
        %get3A_251 = arith.index_cast %add3A_218 : i32 to index
        %get3A_252 = arith.constant 48 : index
        %get3A_253 = tpu.vector_load %arg10[%get3A_251, %get3A_252] {strides = array<i32>} : memref<128x64xi32, #tpu.memory_space<vmem>>, vector<16xi32>,
        %bitcast3A_254 = vector.bitcast %get3A_253 : vector<16xi32> to vector<32xbf16>
        %mul3A_255 = arith.mulf %bitcast3A_250, %bitcast3A_254 : vector<32xbf16>
        %add3A_256 = arith.addf %mul3A_246, %mul3A_255 : vector<32xbf16>
        %add3A_257 = arith.addf %add3A_237, %add3A_256 : vector<32xbf16>
        %unpack3A_258 = tpu.unpack_subelements %add3A_257, 0 {pack_format = #tpu.pack_format<interleaved>} : vector<32xbf16> -> vector<16xf32>
        %unpack3A_259 = tpu.unpack_subelements %add3A_257, 1 {pack_format = #tpu.pack_format<interleaved>} : vector<32xbf16> -> vector<16xf32>
        %add3A_260 = arith.addf %unpack3A_258, %unpack3A_259 : vector<16xf32>
        %swap3A_261 = arith.constant 48 : index
        %swap3A_262 = tpu.vector_load %arg13[%swap3A_261] {strides = array<i32>} : memref<256xf32, #tpu.memory_space<vmem>>, vector<16xf32>,
        tpu.vector_store %arg13[%swap3A_261], %add3A_260 {strides = array<i32>} : memref<256xf32, #tpu.memory_space<vmem>>, vector<16xf32>,
        %add3A_263 = arith.constant 4 : i32
        %add3A_264 = arith.addi %mul3A_82, %add3A_263 : i32
        %get3A_265 = arith.index_cast %add3A_264 : i32 to index
        %get3A_266 = arith.constant 0 : index
        %get3A_267 = tpu.vector_load %arg9[%get3A_265, %get3A_266] {strides = array<i32>} : memref<128x64xi32, #tpu.memory_space<vmem>>, vector<16xi32>,
        %bitcast3A_268 = vector.bitcast %get3A_267 : vector<16xi32> to vector<32xbf16>
        %get3A_269 = arith.index_cast %add3A_264 : i32 to index
        %get3A_270 = arith.constant 0 : index
        %get3A_271 = tpu.vector_load %arg10[%get3A_269, %get3A_270] {strides = array<i32>} : memref<128x64xi32, #tpu.memory_space<vmem>>, vector<16xi32>,
        %bitcast3A_272 = vector.bitcast %get3A_271 : vector<16xi32> to vector<32xbf16>
        %mul3A_273 = arith.mulf %bitcast3A_268, %bitcast3A_272 : vector<32xbf16>
        %get3A_274 = arith.index_cast %add3A_264 : i32 to index
        %get3A_275 = arith.constant 16 : index
        %get3A_276 = tpu.vector_load %arg9[%get3A_274, %get3A_275] {strides = array<i32>} : memref<128x64xi32, #tpu.memory_space<vmem>>, vector<16xi32>,
        %bitcast3A_277 = vector.bitcast %get3A_276 : vector<16xi32> to vector<32xbf16>
        %get3A_278 = arith.index_cast %add3A_264 : i32 to index
        %get3A_279 = arith.constant 16 : index
        %get3A_280 = tpu.vector_load %arg10[%get3A_278, %get3A_279] {strides = array<i32>} : memref<128x64xi32, #tpu.memory_space<vmem>>, vector<16xi32>,
        %bitcast3A_281 = vector.bitcast %get3A_280 : vector<16xi32> to vector<32xbf16>
        %mul3A_282 = arith.mulf %bitcast3A_277, %bitcast3A_281 : vector<32xbf16>
        %add3A_283 = arith.addf %mul3A_273, %mul3A_282 : vector<32xbf16>
        %get3A_284 = arith.index_cast %add3A_264 : i32 to index
        %get3A_285 = arith.constant 32 : index
        %get3A_286 = tpu.vector_load %arg9[%get3A_284, %get3A_285] {strides = array<i32>} : memref<128x64xi32, #tpu.memory_space<vmem>>, vector<16xi32>,
        %bitcast3A_287 = vector.bitcast %get3A_286 : vector<16xi32> to vector<32xbf16>
        %get3A_288 = arith.index_cast %add3A_264 : i32 to index
        %get3A_289 = arith.constant 32 : index
        %get3A_290 = tpu.vector_load %arg10[%get3A_288, %get3A_289] {strides = array<i32>} : memref<128x64xi32, #tpu.memory_space<vmem>>, vector<16xi32>,
        %bitcast3A_291 = vector.bitcast %get3A_290 : vector<16xi32> to vector<32xbf16>
        %mul3A_292 = arith.mulf %bitcast3A_287, %bitcast3A_291 : vector<32xbf16>
        %get3A_293 = arith.index_cast %add3A_264 : i32 to index
        %get3A_294 = arith.constant 48 : index
        %get3A_295 = tpu.vector_load %arg9[%get3A_293, %get3A_294] {strides = array<i32>} : memref<128x64xi32, #tpu.memory_space<vmem>>, vector<16xi32>,
        %bitcast3A_296 = vector.bitcast %get3A_295 : vector<16xi32> to vector<32xbf16>
        %get3A_297 = arith.index_cast %add3A_264 : i32 to index
        %get3A_298 = arith.constant 48 : index
        %get3A_299 = tpu.vector_load %arg10[%get3A_297, %get3A_298] {strides = array<i32>} : memref<128x64xi32, #tpu.memory_space<vmem>>, vector<16xi32>,
        %bitcast3A_300 = vector.bitcast %get3A_299 : vector<16xi32> to vector<32xbf16>
        %mul3A_301 = arith.mulf %bitcast3A_296, %bitcast3A_300 : vector<32xbf16>
        %add3A_302 = arith.addf %mul3A_292, %mul3A_301 : vector<32xbf16>
        %add3A_303 = arith.addf %add3A_283, %add3A_302 : vector<32xbf16>
        %unpack3A_304 = tpu.unpack_subelements %add3A_303, 0 {pack_format = #tpu.pack_format<interleaved>} : vector<32xbf16> -> vector<16xf32>
        %unpack3A_305 = tpu.unpack_subelements %add3A_303, 1 {pack_format = #tpu.pack_format<interleaved>} : vector<32xbf16> -> vector<16xf32>
        %add3A_306 = arith.addf %unpack3A_304, %unpack3A_305 : vector<16xf32>
        %swap3A_307 = arith.constant 64 : index
        %swap3A_308 = tpu.vector_load %arg13[%swap3A_307] {strides = array<i32>} : memref<256xf32, #tpu.memory_space<vmem>>, vector<16xf32>,
        tpu.vector_store %arg13[%swap3A_307], %add3A_306 {strides = array<i32>} : memref<256xf32, #tpu.memory_space<vmem>>, vector<16xf32>,
        %add3A_309 = arith.constant 5 : i32
        %add3A_310 = arith.addi %mul3A_82, %add3A_309 : i32
        %get3A_311 = arith.index_cast %add3A_310 : i32 to index
        %get3A_312 = arith.constant 0 : index
        %get3A_313 = tpu.vector_load %arg9[%get3A_311, %get3A_312] {strides = array<i32>} : memref<128x64xi32, #tpu.memory_space<vmem>>, vector<16xi32>,
        %bitcast3A_314 = vector.bitcast %get3A_313 : vector<16xi32> to vector<32xbf16>
        %get3A_315 = arith.index_cast %add3A_310 : i32 to index
        %get3A_316 = arith.constant 0 : index
        %get3A_317 = tpu.vector_load %arg10[%get3A_315, %get3A_316] {strides = array<i32>} : memref<128x64xi32, #tpu.memory_space<vmem>>, vector<16xi32>,
        %bitcast3A_318 = vector.bitcast %get3A_317 : vector<16xi32> to vector<32xbf16>
        %mul3A_319 = arith.mulf %bitcast3A_314, %bitcast3A_318 : vector<32xbf16>
        %get3A_320 = arith.index_cast %add3A_310 : i32 to index
        %get3A_321 = arith.constant 16 : index
        %get3A_322 = tpu.vector_load %arg9[%get3A_320, %get3A_321] {strides = array<i32>} : memref<128x64xi32, #tpu.memory_space<vmem>>, vector<16xi32>,
        %bitcast3A_323 = vector.bitcast %get3A_322 : vector<16xi32> to vector<32xbf16>
        %get3A_324 = arith.index_cast %add3A_310 : i32 to index
        %get3A_325 = arith.constant 16 : index
        %get3A_326 = tpu.vector_load %arg10[%get3A_324, %get3A_325] {strides = array<i32>} : memref<128x64xi32, #tpu.memory_space<vmem>>, vector<16xi32>,
        %bitcast3A_327 = vector.bitcast %get3A_326 : vector<16xi32> to vector<32xbf16>
        %mul3A_328 = arith.mulf %bitcast3A_323, %bitcast3A_327 : vector<32xbf16>
        %add3A_329 = arith.addf %mul3A_319, %mul3A_328 : vector<32xbf16>
        %get3A_330 = arith.index_cast %add3A_310 : i32 to index
        %get3A_331 = arith.constant 32 : index
        %get3A_332 = tpu.vector_load %arg9[%get3A_330, %get3A_331] {strides = array<i32>} : memref<128x64xi32, #tpu.memory_space<vmem>>, vector<16xi32>,
        %bitcast3A_333 = vector.bitcast %get3A_332 : vector<16xi32> to vector<32xbf16>
        %get3A_334 = arith.index_cast %add3A_310 : i32 to index
        %get3A_335 = arith.constant 32 : index
        %get3A_336 = tpu.vector_load %arg10[%get3A_334, %get3A_335] {strides = array<i32>} : memref<128x64xi32, #tpu.memory_space<vmem>>, vector<16xi32>,
        %bitcast3A_337 = vector.bitcast %get3A_336 : vector<16xi32> to vector<32xbf16>
        %mul3A_338 = arith.mulf %bitcast3A_333, %bitcast3A_337 : vector<32xbf16>
        %get3A_339 = arith.index_cast %add3A_310 : i32 to index
        %get3A_340 = arith.constant 48 : index
        %get3A_341 = tpu.vector_load %arg9[%get3A_339, %get3A_340] {strides = array<i32>} : memref<128x64xi32, #tpu.memory_space<vmem>>, vector<16xi32>,
        %bitcast3A_342 = vector.bitcast %get3A_341 : vector<16xi32> to vector<32xbf16>
        %get3A_343 = arith.index_cast %add3A_310 : i32 to index
        %get3A_344 = arith.constant 48 : index
        %get3A_345 = tpu.vector_load %arg10[%get3A_343, %get3A_344] {strides = array<i32>} : memref<128x64xi32, #tpu.memory_space<vmem>>, vector<16xi32>,
        %bitcast3A_346 = vector.bitcast %get3A_345 : vector<16xi32> to vector<32xbf16>
        %mul3A_347 = arith.mulf %bitcast3A_342, %bitcast3A_346 : vector<32xbf16>
        %add3A_348 = arith.addf %mul3A_338, %mul3A_347 : vector<32xbf16>
        %add3A_349 = arith.addf %add3A_329, %add3A_348 : vector<32xbf16>
        %unpack3A_350 = tpu.unpack_subelements %add3A_349, 0 {pack_format = #tpu.pack_format<interleaved>} : vector<32xbf16> -> vector<16xf32>
        %unpack3A_351 = tpu.unpack_subelements %add3A_349, 1 {pack_format = #tpu.pack_format<interleaved>} : vector<32xbf16> -> vector<16xf32>
        %add3A_352 = arith.addf %unpack3A_350, %unpack3A_351 : vector<16xf32>
        %swap3A_353 = arith.constant 80 : index
        %swap3A_354 = tpu.vector_load %arg13[%swap3A_353] {strides = array<i32>} : memref<256xf32, #tpu.memory_space<vmem>>, vector<16xf32>,
        tpu.vector_store %arg13[%swap3A_353], %add3A_352 {strides = array<i32>} : memref<256xf32, #tpu.memory_space<vmem>>, vector<16xf32>,
        %add3A_355 = arith.constant 6 : i32
        %add3A_356 = arith.addi %mul3A_82, %add3A_355 : i32
        %get3A_357 = arith.index_cast %add3A_356 : i32 to index
        %get3A_358 = arith.constant 0 : index
        %get3A_359 = tpu.vector_load %arg9[%get3A_357, %get3A_358] {strides = array<i32>} : memref<128x64xi32, #tpu.memory_space<vmem>>, vector<16xi32>,
        %bitcast3A_360 = vector.bitcast %get3A_359 : vector<16xi32> to vector<32xbf16>
        %get3A_361 = arith.index_cast %add3A_356 : i32 to index
        %get3A_362 = arith.constant 0 : index
        %get3A_363 = tpu.vector_load %arg10[%get3A_361, %get3A_362] {strides = array<i32>} : memref<128x64xi32, #tpu.memory_space<vmem>>, vector<16xi32>,
        %bitcast3A_364 = vector.bitcast %get3A_363 : vector<16xi32> to vector<32xbf16>
        %mul3A_365 = arith.mulf %bitcast3A_360, %bitcast3A_364 : vector<32xbf16>
        %get3A_366 = arith.index_cast %add3A_356 : i32 to index
        %get3A_367 = arith.constant 16 : index
        %get3A_368 = tpu.vector_load %arg9[%get3A_366, %get3A_367] {strides = array<i32>} : memref<128x64xi32, #tpu.memory_space<vmem>>, vector<16xi32>,
        %bitcast3A_369 = vector.bitcast %get3A_368 : vector<16xi32> to vector<32xbf16>
        %get3A_370 = arith.index_cast %add3A_356 : i32 to index
        %get3A_371 = arith.constant 16 : index
        %get3A_372 = tpu.vector_load %arg10[%get3A_370, %get3A_371] {strides = array<i32>} : memref<128x64xi32, #tpu.memory_space<vmem>>, vector<16xi32>,
        %bitcast3A_373 = vector.bitcast %get3A_372 : vector<16xi32> to vector<32xbf16>
        %mul3A_374 = arith.mulf %bitcast3A_369, %bitcast3A_373 : vector<32xbf16>
        %add3A_375 = arith.addf %mul3A_365, %mul3A_374 : vector<32xbf16>
        %get3A_376 = arith.index_cast %add3A_356 : i32 to index
        %get3A_377 = arith.constant 32 : index
        %get3A_378 = tpu.vector_load %arg9[%get3A_376, %get3A_377] {strides = array<i32>} : memref<128x64xi32, #tpu.memory_space<vmem>>, vector<16xi32>,
        %bitcast3A_379 = vector.bitcast %get3A_378 : vector<16xi32> to vector<32xbf16>
        %get3A_380 = arith.index_cast %add3A_356 : i32 to index
        %get3A_381 = arith.constant 32 : index
        %get3A_382 = tpu.vector_load %arg10[%get3A_380, %get3A_381] {strides = array<i32>} : memref<128x64xi32, #tpu.memory_space<vmem>>, vector<16xi32>,
        %bitcast3A_383 = vector.bitcast %get3A_382 : vector<16xi32> to vector<32xbf16>
        %mul3A_384 = arith.mulf %bitcast3A_379, %bitcast3A_383 : vector<32xbf16>
        %get3A_385 = arith.index_cast %add3A_356 : i32 to index
        %get3A_386 = arith.constant 48 : index
        %get3A_387 = tpu.vector_load %arg9[%get3A_385, %get3A_386] {strides = array<i32>} : memref<128x64xi32, #tpu.memory_space<vmem>>, vector<16xi32>,
        %bitcast3A_388 = vector.bitcast %get3A_387 : vector<16xi32> to vector<32xbf16>
        %get3A_389 = arith.index_cast %add3A_356 : i32 to index
        %get3A_390 = arith.constant 48 : index
        %get3A_391 = tpu.vector_load %arg10[%get3A_389, %get3A_390] {strides = array<i32>} : memref<128x64xi32, #tpu.memory_space<vmem>>, vector<16xi32>,
        %bitcast3A_392 = vector.bitcast %get3A_391 : vector<16xi32> to vector<32xbf16>
        %mul3A_393 = arith.mulf %bitcast3A_388, %bitcast3A_392 : vector<32xbf16>
        %add3A_394 = arith.addf %mul3A_384, %mul3A_393 : vector<32xbf16>
        %add3A_395 = arith.addf %add3A_375, %add3A_394 : vector<32xbf16>
        %unpack3A_396 = tpu.unpack_subelements %add3A_395, 0 {pack_format = #tpu.pack_format<interleaved>} : vector<32xbf16> -> vector<16xf32>
        %unpack3A_397 = tpu.unpack_subelements %add3A_395, 1 {pack_format = #tpu.pack_format<interleaved>} : vector<32xbf16> -> vector<16xf32>
        %add3A_398 = arith.addf %unpack3A_396, %unpack3A_397 : vector<16xf32>
        %swap3A_399 = arith.constant 96 : index
        %swap3A_400 = tpu.vector_load %arg13[%swap3A_399] {strides = array<i32>} : memref<256xf32, #tpu.memory_space<vmem>>, vector<16xf32>,
        tpu.vector_store %arg13[%swap3A_399], %add3A_398 {strides = array<i32>} : memref<256xf32, #tpu.memory_space<vmem>>, vector<16xf32>,
        %add3A_401 = arith.constant 7 : i32
        %add3A_402 = arith.addi %mul3A_82, %add3A_401 : i32
        %get3A_403 = arith.index_cast %add3A_402 : i32 to index
        %get3A_404 = arith.constant 0 : index
        %get3A_405 = tpu.vector_load %arg9[%get3A_403, %get3A_404] {strides = array<i32>} : memref<128x64xi32, #tpu.memory_space<vmem>>, vector<16xi32>,
        %bitcast3A_406 = vector.bitcast %get3A_405 : vector<16xi32> to vector<32xbf16>
        %get3A_407 = arith.index_cast %add3A_402 : i32 to index
        %get3A_408 = arith.constant 0 : index
        %get3A_409 = tpu.vector_load %arg10[%get3A_407, %get3A_408] {strides = array<i32>} : memref<128x64xi32, #tpu.memory_space<vmem>>, vector<16xi32>,
        %bitcast3A_410 = vector.bitcast %get3A_409 : vector<16xi32> to vector<32xbf16>
        %mul3A_411 = arith.mulf %bitcast3A_406, %bitcast3A_410 : vector<32xbf16>
        %get3A_412 = arith.index_cast %add3A_402 : i32 to index
        %get3A_413 = arith.constant 16 : index
        %get3A_414 = tpu.vector_load %arg9[%get3A_412, %get3A_413] {strides = array<i32>} : memref<128x64xi32, #tpu.memory_space<vmem>>, vector<16xi32>,
        %bitcast3A_415 = vector.bitcast %get3A_414 : vector<16xi32> to vector<32xbf16>
        %get3A_416 = arith.index_cast %add3A_402 : i32 to index
        %get3A_417 = arith.constant 16 : index
        %get3A_418 = tpu.vector_load %arg10[%get3A_416, %get3A_417] {strides = array<i32>} : memref<128x64xi32, #tpu.memory_space<vmem>>, vector<16xi32>,
        %bitcast3A_419 = vector.bitcast %get3A_418 : vector<16xi32> to vector<32xbf16>
        %mul3A_420 = arith.mulf %bitcast3A_415, %bitcast3A_419 : vector<32xbf16>
        %add3A_421 = arith.addf %mul3A_411, %mul3A_420 : vector<32xbf16>
        %get3A_422 = arith.index_cast %add3A_402 : i32 to index
        %get3A_423 = arith.constant 32 : index
        %get3A_424 = tpu.vector_load %arg9[%get3A_422, %get3A_423] {strides = array<i32>} : memref<128x64xi32, #tpu.memory_space<vmem>>, vector<16xi32>,
        %bitcast3A_425 = vector.bitcast %get3A_424 : vector<16xi32> to vector<32xbf16>
        %get3A_426 = arith.index_cast %add3A_402 : i32 to index
        %get3A_427 = arith.constant 32 : index
        %get3A_428 = tpu.vector_load %arg10[%get3A_426, %get3A_427] {strides = array<i32>} : memref<128x64xi32, #tpu.memory_space<vmem>>, vector<16xi32>,
        %bitcast3A_429 = vector.bitcast %get3A_428 : vector<16xi32> to vector<32xbf16>
        %mul3A_430 = arith.mulf %bitcast3A_425, %bitcast3A_429 : vector<32xbf16>
        %get3A_431 = arith.index_cast %add3A_402 : i32 to index
        %get3A_432 = arith.constant 48 : index
        %get3A_433 = tpu.vector_load %arg9[%get3A_431, %get3A_432] {strides = array<i32>} : memref<128x64xi32, #tpu.memory_space<vmem>>, vector<16xi32>,
        %bitcast3A_434 = vector.bitcast %get3A_433 : vector<16xi32> to vector<32xbf16>
        %get3A_435 = arith.index_cast %add3A_402 : i32 to index
        %get3A_436 = arith.constant 48 : index
        %get3A_437 = tpu.vector_load %arg10[%get3A_435, %get3A_436] {strides = array<i32>} : memref<128x64xi32, #tpu.memory_space<vmem>>, vector<16xi32>,
        %bitcast3A_438 = vector.bitcast %get3A_437 : vector<16xi32> to vector<32xbf16>
        %mul3A_439 = arith.mulf %bitcast3A_434, %bitcast3A_438 : vector<32xbf16>
        %add3A_440 = arith.addf %mul3A_430, %mul3A_439 : vector<32xbf16>
        %add3A_441 = arith.addf %add3A_421, %add3A_440 : vector<32xbf16>
        %unpack3A_442 = tpu.unpack_subelements %add3A_441, 0 {pack_format = #tpu.pack_format<interleaved>} : vector<32xbf16> -> vector<16xf32>
        %unpack3A_443 = tpu.unpack_subelements %add3A_441, 1 {pack_format = #tpu.pack_format<interleaved>} : vector<32xbf16> -> vector<16xf32>
        %add3A_444 = arith.addf %unpack3A_442, %unpack3A_443 : vector<16xf32>
        %swap3A_445 = arith.constant 112 : index
        %swap3A_446 = tpu.vector_load %arg13[%swap3A_445] {strides = array<i32>} : memref<256xf32, #tpu.memory_space<vmem>>, vector<16xf32>,
        tpu.vector_store %arg13[%swap3A_445], %add3A_444 {strides = array<i32>} : memref<256xf32, #tpu.memory_space<vmem>>, vector<16xf32>,
        %add3A_447 = arith.constant 8 : i32
        %add3A_448 = arith.addi %mul3A_82, %add3A_447 : i32
        %get3A_449 = arith.index_cast %add3A_448 : i32 to index
        %get3A_450 = arith.constant 0 : index
        %get3A_451 = tpu.vector_load %arg9[%get3A_449, %get3A_450] {strides = array<i32>} : memref<128x64xi32, #tpu.memory_space<vmem>>, vector<16xi32>,
        %bitcast3A_452 = vector.bitcast %get3A_451 : vector<16xi32> to vector<32xbf16>
        %get3A_453 = arith.index_cast %add3A_448 : i32 to index
        %get3A_454 = arith.constant 0 : index
        %get3A_455 = tpu.vector_load %arg10[%get3A_453, %get3A_454] {strides = array<i32>} : memref<128x64xi32, #tpu.memory_space<vmem>>, vector<16xi32>,
        %bitcast3A_456 = vector.bitcast %get3A_455 : vector<16xi32> to vector<32xbf16>
        %mul3A_457 = arith.mulf %bitcast3A_452, %bitcast3A_456 : vector<32xbf16>
        %get3A_458 = arith.index_cast %add3A_448 : i32 to index
        %get3A_459 = arith.constant 16 : index
        %get3A_460 = tpu.vector_load %arg9[%get3A_458, %get3A_459] {strides = array<i32>} : memref<128x64xi32, #tpu.memory_space<vmem>>, vector<16xi32>,
        %bitcast3A_461 = vector.bitcast %get3A_460 : vector<16xi32> to vector<32xbf16>
        %get3A_462 = arith.index_cast %add3A_448 : i32 to index
        %get3A_463 = arith.constant 16 : index
        %get3A_464 = tpu.vector_load %arg10[%get3A_462, %get3A_463] {strides = array<i32>} : memref<128x64xi32, #tpu.memory_space<vmem>>, vector<16xi32>,
        %bitcast3A_465 = vector.bitcast %get3A_464 : vector<16xi32> to vector<32xbf16>
        %mul3A_466 = arith.mulf %bitcast3A_461, %bitcast3A_465 : vector<32xbf16>
        %add3A_467 = arith.addf %mul3A_457, %mul3A_466 : vector<32xbf16>
        %get3A_468 = arith.index_cast %add3A_448 : i32 to index
        %get3A_469 = arith.constant 32 : index
        %get3A_470 = tpu.vector_load %arg9[%get3A_468, %get3A_469] {strides = array<i32>} : memref<128x64xi32, #tpu.memory_space<vmem>>, vector<16xi32>,
        %bitcast3A_471 = vector.bitcast %get3A_470 : vector<16xi32> to vector<32xbf16>
        %get3A_472 = arith.index_cast %add3A_448 : i32 to index
        %get3A_473 = arith.constant 32 : index
        %get3A_474 = tpu.vector_load %arg10[%get3A_472, %get3A_473] {strides = array<i32>} : memref<128x64xi32, #tpu.memory_space<vmem>>, vector<16xi32>,
        %bitcast3A_475 = vector.bitcast %get3A_474 : vector<16xi32> to vector<32xbf16>
        %mul3A_476 = arith.mulf %bitcast3A_471, %bitcast3A_475 : vector<32xbf16>
        %get3A_477 = arith.index_cast %add3A_448 : i32 to index
        %get3A_478 = arith.constant 48 : index
        %get3A_479 = tpu.vector_load %arg9[%get3A_477, %get3A_478] {strides = array<i32>} : memref<128x64xi32, #tpu.memory_space<vmem>>, vector<16xi32>,
        %bitcast3A_480 = vector.bitcast %get3A_479 : vector<16xi32> to vector<32xbf16>
        %get3A_481 = arith.index_cast %add3A_448 : i32 to index
        %get3A_482 = arith.constant 48 : index
        %get3A_483 = tpu.vector_load %arg10[%get3A_481, %get3A_482] {strides = array<i32>} : memref<128x64xi32, #tpu.memory_space<vmem>>, vector<16xi32>,
        %bitcast3A_484 = vector.bitcast %get3A_483 : vector<16xi32> to vector<32xbf16>
        %mul3A_485 = arith.mulf %bitcast3A_480, %bitcast3A_484 : vector<32xbf16>
        %add3A_486 = arith.addf %mul3A_476, %mul3A_485 : vector<32xbf16>
        %add3A_487 = arith.addf %add3A_467, %add3A_486 : vector<32xbf16>
        %unpack3A_488 = tpu.unpack_subelements %add3A_487, 0 {pack_format = #tpu.pack_format<interleaved>} : vector<32xbf16> -> vector<16xf32>
        %unpack3A_489 = tpu.unpack_subelements %add3A_487, 1 {pack_format = #tpu.pack_format<interleaved>} : vector<32xbf16> -> vector<16xf32>
        %add3A_490 = arith.addf %unpack3A_488, %unpack3A_489 : vector<16xf32>
        %swap3A_491 = arith.constant 128 : index
        %swap3A_492 = tpu.vector_load %arg13[%swap3A_491] {strides = array<i32>} : memref<256xf32, #tpu.memory_space<vmem>>, vector<16xf32>,
        tpu.vector_store %arg13[%swap3A_491], %add3A_490 {strides = array<i32>} : memref<256xf32, #tpu.memory_space<vmem>>, vector<16xf32>,
        %add3A_493 = arith.constant 9 : i32
        %add3A_494 = arith.addi %mul3A_82, %add3A_493 : i32
        %get3A_495 = arith.index_cast %add3A_494 : i32 to index
        %get3A_496 = arith.constant 0 : index
        %get3A_497 = tpu.vector_load %arg9[%get3A_495, %get3A_496] {strides = array<i32>} : memref<128x64xi32, #tpu.memory_space<vmem>>, vector<16xi32>,
        %bitcast3A_498 = vector.bitcast %get3A_497 : vector<16xi32> to vector<32xbf16>
        %get3A_499 = arith.index_cast %add3A_494 : i32 to index
        %get3A_500 = arith.constant 0 : index
        %get3A_501 = tpu.vector_load %arg10[%get3A_499, %get3A_500] {strides = array<i32>} : memref<128x64xi32, #tpu.memory_space<vmem>>, vector<16xi32>,
        %bitcast3A_502 = vector.bitcast %get3A_501 : vector<16xi32> to vector<32xbf16>
        %mul3A_503 = arith.mulf %bitcast3A_498, %bitcast3A_502 : vector<32xbf16>
        %get3A_504 = arith.index_cast %add3A_494 : i32 to index
        %get3A_505 = arith.constant 16 : index
        %get3A_506 = tpu.vector_load %arg9[%get3A_504, %get3A_505] {strides = array<i32>} : memref<128x64xi32, #tpu.memory_space<vmem>>, vector<16xi32>,
        %bitcast3A_507 = vector.bitcast %get3A_506 : vector<16xi32> to vector<32xbf16>
        %get3A_508 = arith.index_cast %add3A_494 : i32 to index
        %get3A_509 = arith.constant 16 : index
        %get3A_510 = tpu.vector_load %arg10[%get3A_508, %get3A_509] {strides = array<i32>} : memref<128x64xi32, #tpu.memory_space<vmem>>, vector<16xi32>,
        %bitcast3A_511 = vector.bitcast %get3A_510 : vector<16xi32> to vector<32xbf16>
        %mul3A_512 = arith.mulf %bitcast3A_507, %bitcast3A_511 : vector<32xbf16>
        %add3A_513 = arith.addf %mul3A_503, %mul3A_512 : vector<32xbf16>
        %get3A_514 = arith.index_cast %add3A_494 : i32 to index
        %get3A_515 = arith.constant 32 : index
        %get3A_516 = tpu.vector_load %arg9[%get3A_514, %get3A_515] {strides = array<i32>} : memref<128x64xi32, #tpu.memory_space<vmem>>, vector<16xi32>,
        %bitcast3A_517 = vector.bitcast %get3A_516 : vector<16xi32> to vector<32xbf16>
        %get3A_518 = arith.index_cast %add3A_494 : i32 to index
        %get3A_519 = arith.constant 32 : index
        %get3A_520 = tpu.vector_load %arg10[%get3A_518, %get3A_519] {strides = array<i32>} : memref<128x64xi32, #tpu.memory_space<vmem>>, vector<16xi32>,
        %bitcast3A_521 = vector.bitcast %get3A_520 : vector<16xi32> to vector<32xbf16>
        %mul3A_522 = arith.mulf %bitcast3A_517, %bitcast3A_521 : vector<32xbf16>
        %get3A_523 = arith.index_cast %add3A_494 : i32 to index
        %get3A_524 = arith.constant 48 : index
        %get3A_525 = tpu.vector_load %arg9[%get3A_523, %get3A_524] {strides = array<i32>} : memref<128x64xi32, #tpu.memory_space<vmem>>, vector<16xi32>,
        %bitcast3A_526 = vector.bitcast %get3A_525 : vector<16xi32> to vector<32xbf16>
        %get3A_527 = arith.index_cast %add3A_494 : i32 to index
        %get3A_528 = arith.constant 48 : index
        %get3A_529 = tpu.vector_load %arg10[%get3A_527, %get3A_528] {strides = array<i32>} : memref<128x64xi32, #tpu.memory_space<vmem>>, vector<16xi32>,
        %bitcast3A_530 = vector.bitcast %get3A_529 : vector<16xi32> to vector<32xbf16>
        %mul3A_531 = arith.mulf %bitcast3A_526, %bitcast3A_530 : vector<32xbf16>
        %add3A_532 = arith.addf %mul3A_522, %mul3A_531 : vector<32xbf16>
        %add3A_533 = arith.addf %add3A_513, %add3A_532 : vector<32xbf16>
        %unpack3A_534 = tpu.unpack_subelements %add3A_533, 0 {pack_format = #tpu.pack_format<interleaved>} : vector<32xbf16> -> vector<16xf32>
        %unpack3A_535 = tpu.unpack_subelements %add3A_533, 1 {pack_format = #tpu.pack_format<interleaved>} : vector<32xbf16> -> vector<16xf32>
        %add3A_536 = arith.addf %unpack3A_534, %unpack3A_535 : vector<16xf32>
        %swap3A_537 = arith.constant 144 : index
        %swap3A_538 = tpu.vector_load %arg13[%swap3A_537] {strides = array<i32>} : memref<256xf32, #tpu.memory_space<vmem>>, vector<16xf32>,
        tpu.vector_store %arg13[%swap3A_537], %add3A_536 {strides = array<i32>} : memref<256xf32, #tpu.memory_space<vmem>>, vector<16xf32>,
        %add3A_539 = arith.constant 10 : i32
        %add3A_540 = arith.addi %mul3A_82, %add3A_539 : i32
        %get3A_541 = arith.index_cast %add3A_540 : i32 to index
        %get3A_542 = arith.constant 0 : index
        %get3A_543 = tpu.vector_load %arg9[%get3A_541, %get3A_542] {strides = array<i32>} : memref<128x64xi32, #tpu.memory_space<vmem>>, vector<16xi32>,
        %bitcast3A_544 = vector.bitcast %get3A_543 : vector<16xi32> to vector<32xbf16>
        %get3A_545 = arith.index_cast %add3A_540 : i32 to index
        %get3A_546 = arith.constant 0 : index
        %get3A_547 = tpu.vector_load %arg10[%get3A_545, %get3A_546] {strides = array<i32>} : memref<128x64xi32, #tpu.memory_space<vmem>>, vector<16xi32>,
        %bitcast3A_548 = vector.bitcast %get3A_547 : vector<16xi32> to vector<32xbf16>
        %mul3A_549 = arith.mulf %bitcast3A_544, %bitcast3A_548 : vector<32xbf16>
        %get3A_550 = arith.index_cast %add3A_540 : i32 to index
        %get3A_551 = arith.constant 16 : index
        %get3A_552 = tpu.vector_load %arg9[%get3A_550, %get3A_551] {strides = array<i32>} : memref<128x64xi32, #tpu.memory_space<vmem>>, vector<16xi32>,
        %bitcast3A_553 = vector.bitcast %get3A_552 : vector<16xi32> to vector<32xbf16>
        %get3A_554 = arith.index_cast %add3A_540 : i32 to index
        %get3A_555 = arith.constant 16 : index
        %get3A_556 = tpu.vector_load %arg10[%get3A_554, %get3A_555] {strides = array<i32>} : memref<128x64xi32, #tpu.memory_space<vmem>>, vector<16xi32>,
        %bitcast3A_557 = vector.bitcast %get3A_556 : vector<16xi32> to vector<32xbf16>
        %mul3A_558 = arith.mulf %bitcast3A_553, %bitcast3A_557 : vector<32xbf16>
        %add3A_559 = arith.addf %mul3A_549, %mul3A_558 : vector<32xbf16>
        %get3A_560 = arith.index_cast %add3A_540 : i32 to index
        %get3A_561 = arith.constant 32 : index
        %get3A_562 = tpu.vector_load %arg9[%get3A_560, %get3A_561] {strides = array<i32>} : memref<128x64xi32, #tpu.memory_space<vmem>>, vector<16xi32>,
        %bitcast3A_563 = vector.bitcast %get3A_562 : vector<16xi32> to vector<32xbf16>
        %get3A_564 = arith.index_cast %add3A_540 : i32 to index
        %get3A_565 = arith.constant 32 : index
        %get3A_566 = tpu.vector_load %arg10[%get3A_564, %get3A_565] {strides = array<i32>} : memref<128x64xi32, #tpu.memory_space<vmem>>, vector<16xi32>,
        %bitcast3A_567 = vector.bitcast %get3A_566 : vector<16xi32> to vector<32xbf16>
        %mul3A_568 = arith.mulf %bitcast3A_563, %bitcast3A_567 : vector<32xbf16>
        %get3A_569 = arith.index_cast %add3A_540 : i32 to index
        %get3A_570 = arith.constant 48 : index
        %get3A_571 = tpu.vector_load %arg9[%get3A_569, %get3A_570] {strides = array<i32>} : memref<128x64xi32, #tpu.memory_space<vmem>>, vector<16xi32>,
        %bitcast3A_572 = vector.bitcast %get3A_571 : vector<16xi32> to vector<32xbf16>
        %get3A_573 = arith.index_cast %add3A_540 : i32 to index
        %get3A_574 = arith.constant 48 : index
        %get3A_575 = tpu.vector_load %arg10[%get3A_573, %get3A_574] {strides = array<i32>} : memref<128x64xi32, #tpu.memory_space<vmem>>, vector<16xi32>,
        %bitcast3A_576 = vector.bitcast %get3A_575 : vector<16xi32> to vector<32xbf16>
        %mul3A_577 = arith.mulf %bitcast3A_572, %bitcast3A_576 : vector<32xbf16>
        %add3A_578 = arith.addf %mul3A_568, %mul3A_577 : vector<32xbf16>
        %add3A_579 = arith.addf %add3A_559, %add3A_578 : vector<32xbf16>
        %unpack3A_580 = tpu.unpack_subelements %add3A_579, 0 {pack_format = #tpu.pack_format<interleaved>} : vector<32xbf16> -> vector<16xf32>
        %unpack3A_581 = tpu.unpack_subelements %add3A_579, 1 {pack_format = #tpu.pack_format<interleaved>} : vector<32xbf16> -> vector<16xf32>
        %add3A_582 = arith.addf %unpack3A_580, %unpack3A_581 : vector<16xf32>
        %swap3A_583 = arith.constant 160 : index
        %swap3A_584 = tpu.vector_load %arg13[%swap3A_583] {strides = array<i32>} : memref<256xf32, #tpu.memory_space<vmem>>, vector<16xf32>,
        tpu.vector_store %arg13[%swap3A_583], %add3A_582 {strides = array<i32>} : memref<256xf32, #tpu.memory_space<vmem>>, vector<16xf32>,
        %add3A_585 = arith.constant 11 : i32
        %add3A_586 = arith.addi %mul3A_82, %add3A_585 : i32
        %get3A_587 = arith.index_cast %add3A_586 : i32 to index
        %get3A_588 = arith.constant 0 : index
        %get3A_589 = tpu.vector_load %arg9[%get3A_587, %get3A_588] {strides = array<i32>} : memref<128x64xi32, #tpu.memory_space<vmem>>, vector<16xi32>,
        %bitcast3A_590 = vector.bitcast %get3A_589 : vector<16xi32> to vector<32xbf16>
        %get3A_591 = arith.index_cast %add3A_586 : i32 to index
        %get3A_592 = arith.constant 0 : index
        %get3A_593 = tpu.vector_load %arg10[%get3A_591, %get3A_592] {strides = array<i32>} : memref<128x64xi32, #tpu.memory_space<vmem>>, vector<16xi32>,
        %bitcast3A_594 = vector.bitcast %get3A_593 : vector<16xi32> to vector<32xbf16>
        %mul3A_595 = arith.mulf %bitcast3A_590, %bitcast3A_594 : vector<32xbf16>
        %get3A_596 = arith.index_cast %add3A_586 : i32 to index
        %get3A_597 = arith.constant 16 : index
        %get3A_598 = tpu.vector_load %arg9[%get3A_596, %get3A_597] {strides = array<i32>} : memref<128x64xi32, #tpu.memory_space<vmem>>, vector<16xi32>,
        %bitcast3A_599 = vector.bitcast %get3A_598 : vector<16xi32> to vector<32xbf16>
        %get3A_600 = arith.index_cast %add3A_586 : i32 to index
        %get3A_601 = arith.constant 16 : index
        %get3A_602 = tpu.vector_load %arg10[%get3A_600, %get3A_601] {strides = array<i32>} : memref<128x64xi32, #tpu.memory_space<vmem>>, vector<16xi32>,
        %bitcast3A_603 = vector.bitcast %get3A_602 : vector<16xi32> to vector<32xbf16>
        %mul3A_604 = arith.mulf %bitcast3A_599, %bitcast3A_603 : vector<32xbf16>
        %add3A_605 = arith.addf %mul3A_595, %mul3A_604 : vector<32xbf16>
        %get3A_606 = arith.index_cast %add3A_586 : i32 to index
        %get3A_607 = arith.constant 32 : index
        %get3A_608 = tpu.vector_load %arg9[%get3A_606, %get3A_607] {strides = array<i32>} : memref<128x64xi32, #tpu.memory_space<vmem>>, vector<16xi32>,
        %bitcast3A_609 = vector.bitcast %get3A_608 : vector<16xi32> to vector<32xbf16>
        %get3A_610 = arith.index_cast %add3A_586 : i32 to index
        %get3A_611 = arith.constant 32 : index
        %get3A_612 = tpu.vector_load %arg10[%get3A_610, %get3A_611] {strides = array<i32>} : memref<128x64xi32, #tpu.memory_space<vmem>>, vector<16xi32>,
        %bitcast3A_613 = vector.bitcast %get3A_612 : vector<16xi32> to vector<32xbf16>
        %mul3A_614 = arith.mulf %bitcast3A_609, %bitcast3A_613 : vector<32xbf16>
        %get3A_615 = arith.index_cast %add3A_586 : i32 to index
        %get3A_616 = arith.constant 48 : index
        %get3A_617 = tpu.vector_load %arg9[%get3A_615, %get3A_616] {strides = array<i32>} : memref<128x64xi32, #tpu.memory_space<vmem>>, vector<16xi32>,
        %bitcast3A_618 = vector.bitcast %get3A_617 : vector<16xi32> to vector<32xbf16>
        %get3A_619 = arith.index_cast %add3A_586 : i32 to index
        %get3A_620 = arith.constant 48 : index
        %get3A_621 = tpu.vector_load %arg10[%get3A_619, %get3A_620] {strides = array<i32>} : memref<128x64xi32, #tpu.memory_space<vmem>>, vector<16xi32>,
        %bitcast3A_622 = vector.bitcast %get3A_621 : vector<16xi32> to vector<32xbf16>
        %mul3A_623 = arith.mulf %bitcast3A_618, %bitcast3A_622 : vector<32xbf16>
        %add3A_624 = arith.addf %mul3A_614, %mul3A_623 : vector<32xbf16>
        %add3A_625 = arith.addf %add3A_605, %add3A_624 : vector<32xbf16>
        %unpack3A_626 = tpu.unpack_subelements %add3A_625, 0 {pack_format = #tpu.pack_format<interleaved>} : vector<32xbf16> -> vector<16xf32>
        %unpack3A_627 = tpu.unpack_subelements %add3A_625, 1 {pack_format = #tpu.pack_format<interleaved>} : vector<32xbf16> -> vector<16xf32>
        %add3A_628 = arith.addf %unpack3A_626, %unpack3A_627 : vector<16xf32>
        %swap3A_629 = arith.constant 176 : index
        %swap3A_630 = tpu.vector_load %arg13[%swap3A_629] {strides = array<i32>} : memref<256xf32, #tpu.memory_space<vmem>>, vector<16xf32>,
        tpu.vector_store %arg13[%swap3A_629], %add3A_628 {strides = array<i32>} : memref<256xf32, #tpu.memory_space<vmem>>, vector<16xf32>,
        %add3A_631 = arith.constant 12 : i32
        %add3A_632 = arith.addi %mul3A_82, %add3A_631 : i32
        %get3A_633 = arith.index_cast %add3A_632 : i32 to index
        %get3A_634 = arith.constant 0 : index
        %get3A_635 = tpu.vector_load %arg9[%get3A_633, %get3A_634] {strides = array<i32>} : memref<128x64xi32, #tpu.memory_space<vmem>>, vector<16xi32>,
        %bitcast3A_636 = vector.bitcast %get3A_635 : vector<16xi32> to vector<32xbf16>
        %get3A_637 = arith.index_cast %add3A_632 : i32 to index
        %get3A_638 = arith.constant 0 : index
        %get3A_639 = tpu.vector_load %arg10[%get3A_637, %get3A_638] {strides = array<i32>} : memref<128x64xi32, #tpu.memory_space<vmem>>, vector<16xi32>,
        %bitcast3A_640 = vector.bitcast %get3A_639 : vector<16xi32> to vector<32xbf16>
        %mul3A_641 = arith.mulf %bitcast3A_636, %bitcast3A_640 : vector<32xbf16>
        %get3A_642 = arith.index_cast %add3A_632 : i32 to index
        %get3A_643 = arith.constant 16 : index
        %get3A_644 = tpu.vector_load %arg9[%get3A_642, %get3A_643] {strides = array<i32>} : memref<128x64xi32, #tpu.memory_space<vmem>>, vector<16xi32>,
        %bitcast3A_645 = vector.bitcast %get3A_644 : vector<16xi32> to vector<32xbf16>
        %get3A_646 = arith.index_cast %add3A_632 : i32 to index
        %get3A_647 = arith.constant 16 : index
        %get3A_648 = tpu.vector_load %arg10[%get3A_646, %get3A_647] {strides = array<i32>} : memref<128x64xi32, #tpu.memory_space<vmem>>, vector<16xi32>,
        %bitcast3A_649 = vector.bitcast %get3A_648 : vector<16xi32> to vector<32xbf16>
        %mul3A_650 = arith.mulf %bitcast3A_645, %bitcast3A_649 : vector<32xbf16>
        %add3A_651 = arith.addf %mul3A_641, %mul3A_650 : vector<32xbf16>
        %get3A_652 = arith.index_cast %add3A_632 : i32 to index
        %get3A_653 = arith.constant 32 : index
        %get3A_654 = tpu.vector_load %arg9[%get3A_652, %get3A_653] {strides = array<i32>} : memref<128x64xi32, #tpu.memory_space<vmem>>, vector<16xi32>,
        %bitcast3A_655 = vector.bitcast %get3A_654 : vector<16xi32> to vector<32xbf16>
        %get3A_656 = arith.index_cast %add3A_632 : i32 to index
        %get3A_657 = arith.constant 32 : index
        %get3A_658 = tpu.vector_load %arg10[%get3A_656, %get3A_657] {strides = array<i32>} : memref<128x64xi32, #tpu.memory_space<vmem>>, vector<16xi32>,
        %bitcast3A_659 = vector.bitcast %get3A_658 : vector<16xi32> to vector<32xbf16>
        %mul3A_660 = arith.mulf %bitcast3A_655, %bitcast3A_659 : vector<32xbf16>
        %get3A_661 = arith.index_cast %add3A_632 : i32 to index
        %get3A_662 = arith.constant 48 : index
        %get3A_663 = tpu.vector_load %arg9[%get3A_661, %get3A_662] {strides = array<i32>} : memref<128x64xi32, #tpu.memory_space<vmem>>, vector<16xi32>,
        %bitcast3A_664 = vector.bitcast %get3A_663 : vector<16xi32> to vector<32xbf16>
        %get3A_665 = arith.index_cast %add3A_632 : i32 to index
        %get3A_666 = arith.constant 48 : index
        %get3A_667 = tpu.vector_load %arg10[%get3A_665, %get3A_666] {strides = array<i32>} : memref<128x64xi32, #tpu.memory_space<vmem>>, vector<16xi32>,
        %bitcast3A_668 = vector.bitcast %get3A_667 : vector<16xi32> to vector<32xbf16>
        %mul3A_669 = arith.mulf %bitcast3A_664, %bitcast3A_668 : vector<32xbf16>
        %add3A_670 = arith.addf %mul3A_660, %mul3A_669 : vector<32xbf16>
        %add3A_671 = arith.addf %add3A_651, %add3A_670 : vector<32xbf16>
        %unpack3A_672 = tpu.unpack_subelements %add3A_671, 0 {pack_format = #tpu.pack_format<interleaved>} : vector<32xbf16> -> vector<16xf32>
        %unpack3A_673 = tpu.unpack_subelements %add3A_671, 1 {pack_format = #tpu.pack_format<interleaved>} : vector<32xbf16> -> vector<16xf32>
        %add3A_674 = arith.addf %unpack3A_672, %unpack3A_673 : vector<16xf32>
        %swap3A_675 = arith.constant 192 : index
        %swap3A_676 = tpu.vector_load %arg13[%swap3A_675] {strides = array<i32>} : memref<256xf32, #tpu.memory_space<vmem>>, vector<16xf32>,
        tpu.vector_store %arg13[%swap3A_675], %add3A_674 {strides = array<i32>} : memref<256xf32, #tpu.memory_space<vmem>>, vector<16xf32>,
        %add3A_677 = arith.constant 13 : i32
        %add3A_678 = arith.addi %mul3A_82, %add3A_677 : i32
        %get3A_679 = arith.index_cast %add3A_678 : i32 to index
        %get3A_680 = arith.constant 0 : index
        %get3A_681 = tpu.vector_load %arg9[%get3A_679, %get3A_680] {strides = array<i32>} : memref<128x64xi32, #tpu.memory_space<vmem>>, vector<16xi32>,
        %bitcast3A_682 = vector.bitcast %get3A_681 : vector<16xi32> to vector<32xbf16>
        %get3A_683 = arith.index_cast %add3A_678 : i32 to index
        %get3A_684 = arith.constant 0 : index
        %get3A_685 = tpu.vector_load %arg10[%get3A_683, %get3A_684] {strides = array<i32>} : memref<128x64xi32, #tpu.memory_space<vmem>>, vector<16xi32>,
        %bitcast3A_686 = vector.bitcast %get3A_685 : vector<16xi32> to vector<32xbf16>
        %mul3A_687 = arith.mulf %bitcast3A_682, %bitcast3A_686 : vector<32xbf16>
        %get3A_688 = arith.index_cast %add3A_678 : i32 to index
        %get3A_689 = arith.constant 16 : index
        %get3A_690 = tpu.vector_load %arg9[%get3A_688, %get3A_689] {strides = array<i32>} : memref<128x64xi32, #tpu.memory_space<vmem>>, vector<16xi32>,
        %bitcast3A_691 = vector.bitcast %get3A_690 : vector<16xi32> to vector<32xbf16>
        %get3A_692 = arith.index_cast %add3A_678 : i32 to index
        %get3A_693 = arith.constant 16 : index
        %get3A_694 = tpu.vector_load %arg10[%get3A_692, %get3A_693] {strides = array<i32>} : memref<128x64xi32, #tpu.memory_space<vmem>>, vector<16xi32>,
        %bitcast3A_695 = vector.bitcast %get3A_694 : vector<16xi32> to vector<32xbf16>
        %mul3A_696 = arith.mulf %bitcast3A_691, %bitcast3A_695 : vector<32xbf16>
        %add3A_697 = arith.addf %mul3A_687, %mul3A_696 : vector<32xbf16>
        %get3A_698 = arith.index_cast %add3A_678 : i32 to index
        %get3A_699 = arith.constant 32 : index
        %get3A_700 = tpu.vector_load %arg9[%get3A_698, %get3A_699] {strides = array<i32>} : memref<128x64xi32, #tpu.memory_space<vmem>>, vector<16xi32>,
        %bitcast3A_701 = vector.bitcast %get3A_700 : vector<16xi32> to vector<32xbf16>
        %get3A_702 = arith.index_cast %add3A_678 : i32 to index
        %get3A_703 = arith.constant 32 : index
        %get3A_704 = tpu.vector_load %arg10[%get3A_702, %get3A_703] {strides = array<i32>} : memref<128x64xi32, #tpu.memory_space<vmem>>, vector<16xi32>,
        %bitcast3A_705 = vector.bitcast %get3A_704 : vector<16xi32> to vector<32xbf16>
        %mul3A_706 = arith.mulf %bitcast3A_701, %bitcast3A_705 : vector<32xbf16>
        %get3A_707 = arith.index_cast %add3A_678 : i32 to index
        %get3A_708 = arith.constant 48 : index
        %get3A_709 = tpu.vector_load %arg9[%get3A_707, %get3A_708] {strides = array<i32>} : memref<128x64xi32, #tpu.memory_space<vmem>>, vector<16xi32>,
        %bitcast3A_710 = vector.bitcast %get3A_709 : vector<16xi32> to vector<32xbf16>
        %get3A_711 = arith.index_cast %add3A_678 : i32 to index
        %get3A_712 = arith.constant 48 : index
        %get3A_713 = tpu.vector_load %arg10[%get3A_711, %get3A_712] {strides = array<i32>} : memref<128x64xi32, #tpu.memory_space<vmem>>, vector<16xi32>,
        %bitcast3A_714 = vector.bitcast %get3A_713 : vector<16xi32> to vector<32xbf16>
        %mul3A_715 = arith.mulf %bitcast3A_710, %bitcast3A_714 : vector<32xbf16>
        %add3A_716 = arith.addf %mul3A_706, %mul3A_715 : vector<32xbf16>
        %add3A_717 = arith.addf %add3A_697, %add3A_716 : vector<32xbf16>
        %unpack3A_718 = tpu.unpack_subelements %add3A_717, 0 {pack_format = #tpu.pack_format<interleaved>} : vector<32xbf16> -> vector<16xf32>
        %unpack3A_719 = tpu.unpack_subelements %add3A_717, 1 {pack_format = #tpu.pack_format<interleaved>} : vector<32xbf16> -> vector<16xf32>
        %add3A_720 = arith.addf %unpack3A_718, %unpack3A_719 : vector<16xf32>
        %swap3A_721 = arith.constant 208 : index
        %swap3A_722 = tpu.vector_load %arg13[%swap3A_721] {strides = array<i32>} : memref<256xf32, #tpu.memory_space<vmem>>, vector<16xf32>,
        tpu.vector_store %arg13[%swap3A_721], %add3A_720 {strides = array<i32>} : memref<256xf32, #tpu.memory_space<vmem>>, vector<16xf32>,
        %add3A_723 = arith.constant 14 : i32
        %add3A_724 = arith.addi %mul3A_82, %add3A_723 : i32
        %get3A_725 = arith.index_cast %add3A_724 : i32 to index
        %get3A_726 = arith.constant 0 : index
        %get3A_727 = tpu.vector_load %arg9[%get3A_725, %get3A_726] {strides = array<i32>} : memref<128x64xi32, #tpu.memory_space<vmem>>, vector<16xi32>,
        %bitcast3A_728 = vector.bitcast %get3A_727 : vector<16xi32> to vector<32xbf16>
        %get3A_729 = arith.index_cast %add3A_724 : i32 to index
        %get3A_730 = arith.constant 0 : index
        %get3A_731 = tpu.vector_load %arg10[%get3A_729, %get3A_730] {strides = array<i32>} : memref<128x64xi32, #tpu.memory_space<vmem>>, vector<16xi32>,
        %bitcast3A_732 = vector.bitcast %get3A_731 : vector<16xi32> to vector<32xbf16>
        %mul3A_733 = arith.mulf %bitcast3A_728, %bitcast3A_732 : vector<32xbf16>
        %get3A_734 = arith.index_cast %add3A_724 : i32 to index
        %get3A_735 = arith.constant 16 : index
        %get3A_736 = tpu.vector_load %arg9[%get3A_734, %get3A_735] {strides = array<i32>} : memref<128x64xi32, #tpu.memory_space<vmem>>, vector<16xi32>,
        %bitcast3A_737 = vector.bitcast %get3A_736 : vector<16xi32> to vector<32xbf16>
        %get3A_738 = arith.index_cast %add3A_724 : i32 to index
        %get3A_739 = arith.constant 16 : index
        %get3A_740 = tpu.vector_load %arg10[%get3A_738, %get3A_739] {strides = array<i32>} : memref<128x64xi32, #tpu.memory_space<vmem>>, vector<16xi32>,
        %bitcast3A_741 = vector.bitcast %get3A_740 : vector<16xi32> to vector<32xbf16>
        %mul3A_742 = arith.mulf %bitcast3A_737, %bitcast3A_741 : vector<32xbf16>
        %add3A_743 = arith.addf %mul3A_733, %mul3A_742 : vector<32xbf16>
        %get3A_744 = arith.index_cast %add3A_724 : i32 to index
        %get3A_745 = arith.constant 32 : index
        %get3A_746 = tpu.vector_load %arg9[%get3A_744, %get3A_745] {strides = array<i32>} : memref<128x64xi32, #tpu.memory_space<vmem>>, vector<16xi32>,
        %bitcast3A_747 = vector.bitcast %get3A_746 : vector<16xi32> to vector<32xbf16>
        %get3A_748 = arith.index_cast %add3A_724 : i32 to index
        %get3A_749 = arith.constant 32 : index
        %get3A_750 = tpu.vector_load %arg10[%get3A_748, %get3A_749] {strides = array<i32>} : memref<128x64xi32, #tpu.memory_space<vmem>>, vector<16xi32>,
        %bitcast3A_751 = vector.bitcast %get3A_750 : vector<16xi32> to vector<32xbf16>
        %mul3A_752 = arith.mulf %bitcast3A_747, %bitcast3A_751 : vector<32xbf16>
        %get3A_753 = arith.index_cast %add3A_724 : i32 to index
        %get3A_754 = arith.constant 48 : index
        %get3A_755 = tpu.vector_load %arg9[%get3A_753, %get3A_754] {strides = array<i32>} : memref<128x64xi32, #tpu.memory_space<vmem>>, vector<16xi32>,
        %bitcast3A_756 = vector.bitcast %get3A_755 : vector<16xi32> to vector<32xbf16>
        %get3A_757 = arith.index_cast %add3A_724 : i32 to index
        %get3A_758 = arith.constant 48 : index
        %get3A_759 = tpu.vector_load %arg10[%get3A_757, %get3A_758] {strides = array<i32>} : memref<128x64xi32, #tpu.memory_space<vmem>>, vector<16xi32>,
        %bitcast3A_760 = vector.bitcast %get3A_759 : vector<16xi32> to vector<32xbf16>
        %mul3A_761 = arith.mulf %bitcast3A_756, %bitcast3A_760 : vector<32xbf16>
        %add3A_762 = arith.addf %mul3A_752, %mul3A_761 : vector<32xbf16>
        %add3A_763 = arith.addf %add3A_743, %add3A_762 : vector<32xbf16>
        %unpack3A_764 = tpu.unpack_subelements %add3A_763, 0 {pack_format = #tpu.pack_format<interleaved>} : vector<32xbf16> -> vector<16xf32>
        %unpack3A_765 = tpu.unpack_subelements %add3A_763, 1 {pack_format = #tpu.pack_format<interleaved>} : vector<32xbf16> -> vector<16xf32>
        %add3A_766 = arith.addf %unpack3A_764, %unpack3A_765 : vector<16xf32>
        %swap3A_767 = arith.constant 224 : index
        %swap3A_768 = tpu.vector_load %arg13[%swap3A_767] {strides = array<i32>} : memref<256xf32, #tpu.memory_space<vmem>>, vector<16xf32>,
        tpu.vector_store %arg13[%swap3A_767], %add3A_766 {strides = array<i32>} : memref<256xf32, #tpu.memory_space<vmem>>, vector<16xf32>,
        %add3A_769 = arith.constant 15 : i32
        %add3A_770 = arith.addi %mul3A_82, %add3A_769 : i32
        %get3A_771 = arith.index_cast %add3A_770 : i32 to index
        %get3A_772 = arith.constant 0 : index
        %get3A_773 = tpu.vector_load %arg9[%get3A_771, %get3A_772] {strides = array<i32>} : memref<128x64xi32, #tpu.memory_space<vmem>>, vector<16xi32>,
        %bitcast3A_774 = vector.bitcast %get3A_773 : vector<16xi32> to vector<32xbf16>
        %get3A_775 = arith.index_cast %add3A_770 : i32 to index
        %get3A_776 = arith.constant 0 : index
        %get3A_777 = tpu.vector_load %arg10[%get3A_775, %get3A_776] {strides = array<i32>} : memref<128x64xi32, #tpu.memory_space<vmem>>, vector<16xi32>,
        %bitcast3A_778 = vector.bitcast %get3A_777 : vector<16xi32> to vector<32xbf16>
        %mul3A_779 = arith.mulf %bitcast3A_774, %bitcast3A_778 : vector<32xbf16>
        %get3A_780 = arith.index_cast %add3A_770 : i32 to index
        %get3A_781 = arith.constant 16 : index
        %get3A_782 = tpu.vector_load %arg9[%get3A_780, %get3A_781] {strides = array<i32>} : memref<128x64xi32, #tpu.memory_space<vmem>>, vector<16xi32>,
        %bitcast3A_783 = vector.bitcast %get3A_782 : vector<16xi32> to vector<32xbf16>
        %get3A_784 = arith.index_cast %add3A_770 : i32 to index
        %get3A_785 = arith.constant 16 : index
        %get3A_786 = tpu.vector_load %arg10[%get3A_784, %get3A_785] {strides = array<i32>} : memref<128x64xi32, #tpu.memory_space<vmem>>, vector<16xi32>,
        %bitcast3A_787 = vector.bitcast %get3A_786 : vector<16xi32> to vector<32xbf16>
        %mul3A_788 = arith.mulf %bitcast3A_783, %bitcast3A_787 : vector<32xbf16>
        %add3A_789 = arith.addf %mul3A_779, %mul3A_788 : vector<32xbf16>
        %get3A_790 = arith.index_cast %add3A_770 : i32 to index
        %get3A_791 = arith.constant 32 : index
        %get3A_792 = tpu.vector_load %arg9[%get3A_790, %get3A_791] {strides = array<i32>} : memref<128x64xi32, #tpu.memory_space<vmem>>, vector<16xi32>,
        %bitcast3A_793 = vector.bitcast %get3A_792 : vector<16xi32> to vector<32xbf16>
        %get3A_794 = arith.index_cast %add3A_770 : i32 to index
        %get3A_795 = arith.constant 32 : index
        %get3A_796 = tpu.vector_load %arg10[%get3A_794, %get3A_795] {strides = array<i32>} : memref<128x64xi32, #tpu.memory_space<vmem>>, vector<16xi32>,
        %bitcast3A_797 = vector.bitcast %get3A_796 : vector<16xi32> to vector<32xbf16>
        %mul3A_798 = arith.mulf %bitcast3A_793, %bitcast3A_797 : vector<32xbf16>
        %get3A_799 = arith.index_cast %add3A_770 : i32 to index
        %get3A_800 = arith.constant 48 : index
        %get3A_801 = tpu.vector_load %arg9[%get3A_799, %get3A_800] {strides = array<i32>} : memref<128x64xi32, #tpu.memory_space<vmem>>, vector<16xi32>,
        %bitcast3A_802 = vector.bitcast %get3A_801 : vector<16xi32> to vector<32xbf16>
        %get3A_803 = arith.index_cast %add3A_770 : i32 to index
        %get3A_804 = arith.constant 48 : index
        %get3A_805 = tpu.vector_load %arg10[%get3A_803, %get3A_804] {strides = array<i32>} : memref<128x64xi32, #tpu.memory_space<vmem>>, vector<16xi32>,
        %bitcast3A_806 = vector.bitcast %get3A_805 : vector<16xi32> to vector<32xbf16>
        %mul3A_807 = arith.mulf %bitcast3A_802, %bitcast3A_806 : vector<32xbf16>
        %add3A_808 = arith.addf %mul3A_798, %mul3A_807 : vector<32xbf16>
        %add3A_809 = arith.addf %add3A_789, %add3A_808 : vector<32xbf16>
        %unpack3A_810 = tpu.unpack_subelements %add3A_809, 0 {pack_format = #tpu.pack_format<interleaved>} : vector<32xbf16> -> vector<16xf32>
        %unpack3A_811 = tpu.unpack_subelements %add3A_809, 1 {pack_format = #tpu.pack_format<interleaved>} : vector<32xbf16> -> vector<16xf32>
        %add3A_812 = arith.addf %unpack3A_810, %unpack3A_811 : vector<16xf32>
        %swap3A_813 = arith.constant 240 : index
        %swap3A_814 = tpu.vector_load %arg13[%swap3A_813] {strides = array<i32>} : memref<256xf32, #tpu.memory_space<vmem>>, vector<16xf32>,
        tpu.vector_store %arg13[%swap3A_813], %add3A_812 {strides = array<i32>} : memref<256xf32, #tpu.memory_space<vmem>>, vector<16xf32>,
        %add3A_815 = arith.constant 0 : i32
        %add3A_816 = vector.broadcast %add3A_815 : i32 to vector<16xi32>
        %add3A_817 = arith.addi %mul3A_5, %add3A_816 : vector<16xi32>
        %gather3A = tpu.vector_load_idx %arg13[%add3A_817] : memref<256xf32, #tpu.memory_space<vmem>>[vector<16xi32>], vector<16xf32>,
        %add3A_818 = arith.constant 1 : i32
        %add3A_819 = vector.broadcast %add3A_818 : i32 to vector<16xi32>
        %add3A_820 = arith.addi %mul3A_5, %add3A_819 : vector<16xi32>
        %gather3A_821 = tpu.vector_load_idx %arg13[%add3A_820] : memref<256xf32, #tpu.memory_space<vmem>>[vector<16xi32>], vector<16xf32>,
        %add3A_822 = arith.constant 2 : i32
        %add3A_823 = vector.broadcast %add3A_822 : i32 to vector<16xi32>
        %add3A_824 = arith.addi %mul3A_5, %add3A_823 : vector<16xi32>
        %gather3A_825 = tpu.vector_load_idx %arg13[%add3A_824] : memref<256xf32, #tpu.memory_space<vmem>>[vector<16xi32>], vector<16xf32>,
        %add3A_826 = arith.constant 3 : i32
        %add3A_827 = vector.broadcast %add3A_826 : i32 to vector<16xi32>
        %add3A_828 = arith.addi %mul3A_5, %add3A_827 : vector<16xi32>
        %gather3A_829 = tpu.vector_load_idx %arg13[%add3A_828] : memref<256xf32, #tpu.memory_space<vmem>>[vector<16xi32>], vector<16xf32>,
        %add3A_830 = arith.constant 4 : i32
        %add3A_831 = vector.broadcast %add3A_830 : i32 to vector<16xi32>
        %add3A_832 = arith.addi %mul3A_5, %add3A_831 : vector<16xi32>
        %gather3A_833 = tpu.vector_load_idx %arg13[%add3A_832] : memref<256xf32, #tpu.memory_space<vmem>>[vector<16xi32>], vector<16xf32>,
        %add3A_834 = arith.constant 5 : i32
        %add3A_835 = vector.broadcast %add3A_834 : i32 to vector<16xi32>
        %add3A_836 = arith.addi %mul3A_5, %add3A_835 : vector<16xi32>
        %gather3A_837 = tpu.vector_load_idx %arg13[%add3A_836] : memref<256xf32, #tpu.memory_space<vmem>>[vector<16xi32>], vector<16xf32>,
        %add3A_838 = arith.constant 6 : i32
        %add3A_839 = vector.broadcast %add3A_838 : i32 to vector<16xi32>
        %add3A_840 = arith.addi %mul3A_5, %add3A_839 : vector<16xi32>
        %gather3A_841 = tpu.vector_load_idx %arg13[%add3A_840] : memref<256xf32, #tpu.memory_space<vmem>>[vector<16xi32>], vector<16xf32>,
        %add3A_842 = arith.constant 7 : i32
        %add3A_843 = vector.broadcast %add3A_842 : i32 to vector<16xi32>
        %add3A_844 = arith.addi %mul3A_5, %add3A_843 : vector<16xi32>
        %gather3A_845 = tpu.vector_load_idx %arg13[%add3A_844] : memref<256xf32, #tpu.memory_space<vmem>>[vector<16xi32>], vector<16xf32>,
        %add3A_846 = arith.constant 8 : i32
        %add3A_847 = vector.broadcast %add3A_846 : i32 to vector<16xi32>
        %add3A_848 = arith.addi %mul3A_5, %add3A_847 : vector<16xi32>
        %gather3A_849 = tpu.vector_load_idx %arg13[%add3A_848] : memref<256xf32, #tpu.memory_space<vmem>>[vector<16xi32>], vector<16xf32>,
        %add3A_850 = arith.constant 9 : i32
        %add3A_851 = vector.broadcast %add3A_850 : i32 to vector<16xi32>
        %add3A_852 = arith.addi %mul3A_5, %add3A_851 : vector<16xi32>
        %gather3A_853 = tpu.vector_load_idx %arg13[%add3A_852] : memref<256xf32, #tpu.memory_space<vmem>>[vector<16xi32>], vector<16xf32>,
        %add3A_854 = arith.constant 10 : i32
        %add3A_855 = vector.broadcast %add3A_854 : i32 to vector<16xi32>
        %add3A_856 = arith.addi %mul3A_5, %add3A_855 : vector<16xi32>
        %gather3A_857 = tpu.vector_load_idx %arg13[%add3A_856] : memref<256xf32, #tpu.memory_space<vmem>>[vector<16xi32>], vector<16xf32>,
        %add3A_858 = arith.constant 11 : i32
        %add3A_859 = vector.broadcast %add3A_858 : i32 to vector<16xi32>
        %add3A_860 = arith.addi %mul3A_5, %add3A_859 : vector<16xi32>
        %gather3A_861 = tpu.vector_load_idx %arg13[%add3A_860] : memref<256xf32, #tpu.memory_space<vmem>>[vector<16xi32>], vector<16xf32>,
        %add3A_862 = arith.constant 12 : i32
        %add3A_863 = vector.broadcast %add3A_862 : i32 to vector<16xi32>
        %add3A_864 = arith.addi %mul3A_5, %add3A_863 : vector<16xi32>
        %gather3A_865 = tpu.vector_load_idx %arg13[%add3A_864] : memref<256xf32, #tpu.memory_space<vmem>>[vector<16xi32>], vector<16xf32>,
        %add3A_866 = arith.constant 13 : i32
        %add3A_867 = vector.broadcast %add3A_866 : i32 to vector<16xi32>
        %add3A_868 = arith.addi %mul3A_5, %add3A_867 : vector<16xi32>
        %gather3A_869 = tpu.vector_load_idx %arg13[%add3A_868] : memref<256xf32, #tpu.memory_space<vmem>>[vector<16xi32>], vector<16xf32>,
        %add3A_870 = arith.constant 14 : i32
        %add3A_871 = vector.broadcast %add3A_870 : i32 to vector<16xi32>
        %add3A_872 = arith.addi %mul3A_5, %add3A_871 : vector<16xi32>
        %gather3A_873 = tpu.vector_load_idx %arg13[%add3A_872] : memref<256xf32, #tpu.memory_space<vmem>>[vector<16xi32>], vector<16xf32>,
        %add3A_874 = arith.constant 15 : i32
        %add3A_875 = vector.broadcast %add3A_874 : i32 to vector<16xi32>
        %add3A_876 = arith.addi %mul3A_5, %add3A_875 : vector<16xi32>
        %gather3A_877 = tpu.vector_load_idx %arg13[%add3A_876] : memref<256xf32, #tpu.memory_space<vmem>>[vector<16xi32>], vector<16xf32>,
        %add3A_878 = arith.addf %gather3A, %gather3A_821 : vector<16xf32>
        %add3A_879 = arith.addf %gather3A_825, %gather3A_829 : vector<16xf32>
        %add3A_880 = arith.addf %gather3A_833, %gather3A_837 : vector<16xf32>
        %add3A_881 = arith.addf %gather3A_841, %gather3A_845 : vector<16xf32>
        %add3A_882 = arith.addf %gather3A_849, %gather3A_853 : vector<16xf32>
        %add3A_883 = arith.addf %gather3A_857, %gather3A_861 : vector<16xf32>
        %add3A_884 = arith.addf %gather3A_865, %gather3A_869 : vector<16xf32>
        %add3A_885 = arith.addf %gather3A_873, %gather3A_877 : vector<16xf32>
        %add3A_886 = arith.addf %add3A_878, %add3A_879 : vector<16xf32>
        %add3A_887 = arith.addf %add3A_880, %add3A_881 : vector<16xf32>
        %add3A_888 = arith.addf %add3A_882, %add3A_883 : vector<16xf32>
        %add3A_889 = arith.addf %add3A_884, %add3A_885 : vector<16xf32>
        %add3A_890 = arith.addf %add3A_886, %add3A_887 : vector<16xf32>
        %add3A_891 = arith.addf %add3A_888, %add3A_889 : vector<16xf32>
        %add3A_892 = arith.addf %add3A_890, %add3A_891 : vector<16xf32>
        %mul3A_893 = arith.constant 128 : i32
        %mul3A_894 = arith.muli %add3A_33, %mul3A_893 : i32
        %add3A_895 = arith.addi %mul3A_894, %mul3A_82 : i32
        %swap3A_896 = arith.index_cast %add3A_895 : i32 to index
        %swap3A_897 = tpu.vector_load %arg14[%swap3A_896] {strides = array<i32>} : memref<20224xf32, #tpu.memory_space<vmem>>, vector<16xf32>,
        tpu.vector_store %arg14[%swap3A_896], %add3A_892 {strides = array<i32>} : memref<20224xf32, #tpu.memory_space<vmem>>, vector<16xf32>,
      }
      %scan3A_47 = arith.constant 8 : i32
      %add3A_48 = arith.constant 2 : i32
      %add3A_49 = arith.addi %add3A_33, %add3A_48 : i32
      %lt3A = arith.constant 158 : i32
      %lt3A_50 = arith.cmpi slt, %add3A_49, %lt3A : i32
      %convert_element_type3A = arith.extui %lt3A_50 : i1 to i32
      %cond3A = arith.constant 0 : i32
      %cond3A_51 = arith.cmpi ne, %convert_element_type3A, %cond3A : i32
      scf.if %cond3A_51 {
        %add3A_76 = arith.constant 2 : i32
        %add3A_77 = arith.addi %add3A_33, %add3A_76 : i32
        %mul3A_78 = arith.constant 128 : i32
        %mul3A_79 = arith.muli %add3A_77, %mul3A_78 : i32
        %dma_start3A_80 = tpu.memref_slice %arg7[%mul3A_79] : memref<20224xi32, #tpu.memory_space<vmem>> -> memref<128xi32, #tpu.memory_space<vmem>>
        %dma_start3A_81 = arith.constant 0 : i32
        %dma_start3A_82 = arith.constant 0 : i32
        %dma_start3A_83 = tpu.memref_slice %arg2[%dma_start3A_81, %dma_start3A_82] : memref<10000x64xi32, #tpu.memory_space<hbm>> -> memref<10000x64xi32, #tpu.memory_space<hbm>>
        tpu.enqueue_indirect_dma source(%dma_start3A_83 : memref<10000x64xi32, #tpu.memory_space<hbm>>) target(%arg9 : memref<128x64xi32, #tpu.memory_space<vmem>>) offsets(%dma_start3A_80 : memref<128xi32, #tpu.memory_space<vmem>>) semaphore(%arg15 : memref<!tpu.dma_semaphore, #tpu.memory_space<semaphore_mem>>)
        %mul3A_84 = arith.constant 128 : i32
        %mul3A_85 = arith.muli %add3A_77, %mul3A_84 : i32
        %dma_start3A_86 = tpu.memref_slice %arg8[%mul3A_85] : memref<20224xi32, #tpu.memory_space<vmem>> -> memref<128xi32, #tpu.memory_space<vmem>>
        %dma_start3A_87 = arith.constant 0 : i32
        %dma_start3A_88 = arith.constant 0 : i32
        %dma_start3A_89 = tpu.memref_slice %arg3[%dma_start3A_87, %dma_start3A_88] : memref<20000x64xi32, #tpu.memory_space<hbm>> -> memref<20000x64xi32, #tpu.memory_space<hbm>>
        tpu.enqueue_indirect_dma source(%dma_start3A_89 : memref<20000x64xi32, #tpu.memory_space<hbm>>) target(%arg10 : memref<128x64xi32, #tpu.memory_space<vmem>>) offsets(%dma_start3A_86 : memref<128xi32, #tpu.memory_space<vmem>>) semaphore(%arg15 : memref<!tpu.dma_semaphore, #tpu.memory_space<semaphore_mem>>)
      } else {
      }
      %dma_wait3A_52 = arith.constant 0 : i32
      %dma_wait3A_53 = tpu.memref_slice %arg7[%dma_wait3A_52] : memref<20224xi32, #tpu.memory_space<vmem>> -> memref<128xi32, #tpu.memory_space<vmem>>
      %dma_wait3A_54 = arith.constant 0 : i32
      %dma_wait3A_55 = arith.constant 0 : i32
      %dma_wait3A_56 = tpu.memref_slice %arg2[%dma_wait3A_54, %dma_wait3A_55] : memref<10000x64xi32, #tpu.memory_space<hbm>> -> memref<10000x64xi32, #tpu.memory_space<hbm>>
      tpu.wait_indirect_dma semaphore(%arg16 : memref<!tpu.dma_semaphore, #tpu.memory_space<semaphore_mem>>) src(%dma_wait3A_56 : memref<10000x64xi32, #tpu.memory_space<hbm>>) dst(%arg11 : memref<128x64xi32, #tpu.memory_space<vmem>>)
      %dma_wait3A_57 = arith.constant 0 : i32
      %dma_wait3A_58 = tpu.memref_slice %arg8[%dma_wait3A_57] : memref<20224xi32, #tpu.memory_space<vmem>> -> memref<128xi32, #tpu.memory_space<vmem>>
      %dma_wait3A_59 = arith.constant 0 : i32
      %dma_wait3A_60 = arith.constant 0 : i32
      %dma_wait3A_61 = tpu.memref_slice %arg3[%dma_wait3A_59, %dma_wait3A_60] : memref<20000x64xi32, #tpu.memory_space<hbm>> -> memref<20000x64xi32, #tpu.memory_space<hbm>>
      tpu.wait_indirect_dma semaphore(%arg16 : memref<!tpu.dma_semaphore, #tpu.memory_space<semaphore_mem>>) src(%dma_wait3A_61 : memref<20000x64xi32, #tpu.memory_space<hbm>>) dst(%arg12 : memref<128x64xi32, #tpu.memory_space<vmem>>)
      %add3A_62 = arith.constant 1 : i32
      %add3A_63 = arith.addi %add3A_33, %add3A_62 : i32
      %scan3A_64 = arith.constant 0 : i32
      %scan3A_65 = arith.constant 8 : i32
      %scan3A_66 = arith.addi %scan3A_64, %scan3A_65 : i32
      %scan3A_67 = arith.constant 1 : i32
      scf.for %scan3A_76 = %scan3A_64 to %scan3A_66 step %scan3A_67  : i32 {
        %mul3A_77 = arith.constant 1 : i32
        %mul3A_78 = arith.muli %scan3A_76, %mul3A_77 : i32
        %add3A_79 = arith.constant 0 : i32
        %add3A_80 = arith.addi %add3A_79, %mul3A_78 : i32
        %mul3A_81 = arith.constant 16 : i32
        %mul3A_82 = arith.muli %add3A_80, %mul3A_81 : i32
        %add3A_83 = arith.constant 0 : i32
        %add3A_84 = arith.addi %mul3A_82, %add3A_83 : i32
        %get3A = arith.index_cast %add3A_84 : i32 to index
        %get3A_85 = arith.constant 0 : index
        %get3A_86 = tpu.vector_load %arg11[%get3A, %get3A_85] {strides = array<i32>} : memref<128x64xi32, #tpu.memory_space<vmem>>, vector<16xi32>,
        %bitcast3A = vector.bitcast %get3A_86 : vector<16xi32> to vector<32xbf16>
        %get3A_87 = arith.index_cast %add3A_84 : i32 to index
        %get3A_88 = arith.constant 0 : index
        %get3A_89 = tpu.vector_load %arg12[%get3A_87, %get3A_88] {strides = array<i32>} : memref<128x64xi32, #tpu.memory_space<vmem>>, vector<16xi32>,
        %bitcast3A_90 = vector.bitcast %get3A_89 : vector<16xi32> to vector<32xbf16>
        %mul3A_91 = arith.mulf %bitcast3A, %bitcast3A_90 : vector<32xbf16>
        %get3A_92 = arith.index_cast %add3A_84 : i32 to index
        %get3A_93 = arith.constant 16 : index
        %get3A_94 = tpu.vector_load %arg11[%get3A_92, %get3A_93] {strides = array<i32>} : memref<128x64xi32, #tpu.memory_space<vmem>>, vector<16xi32>,
        %bitcast3A_95 = vector.bitcast %get3A_94 : vector<16xi32> to vector<32xbf16>
        %get3A_96 = arith.index_cast %add3A_84 : i32 to index
        %get3A_97 = arith.constant 16 : index
        %get3A_98 = tpu.vector_load %arg12[%get3A_96, %get3A_97] {strides = array<i32>} : memref<128x64xi32, #tpu.memory_space<vmem>>, vector<16xi32>,
        %bitcast3A_99 = vector.bitcast %get3A_98 : vector<16xi32> to vector<32xbf16>
        %mul3A_100 = arith.mulf %bitcast3A_95, %bitcast3A_99 : vector<32xbf16>
        %add3A_101 = arith.addf %mul3A_91, %mul3A_100 : vector<32xbf16>
        %get3A_102 = arith.index_cast %add3A_84 : i32 to index
        %get3A_103 = arith.constant 32 : index
        %get3A_104 = tpu.vector_load %arg11[%get3A_102, %get3A_103] {strides = array<i32>} : memref<128x64xi32, #tpu.memory_space<vmem>>, vector<16xi32>,
        %bitcast3A_105 = vector.bitcast %get3A_104 : vector<16xi32> to vector<32xbf16>
        %get3A_106 = arith.index_cast %add3A_84 : i32 to index
        %get3A_107 = arith.constant 32 : index
        %get3A_108 = tpu.vector_load %arg12[%get3A_106, %get3A_107] {strides = array<i32>} : memref<128x64xi32, #tpu.memory_space<vmem>>, vector<16xi32>,
        %bitcast3A_109 = vector.bitcast %get3A_108 : vector<16xi32> to vector<32xbf16>
        %mul3A_110 = arith.mulf %bitcast3A_105, %bitcast3A_109 : vector<32xbf16>
        %get3A_111 = arith.index_cast %add3A_84 : i32 to index
        %get3A_112 = arith.constant 48 : index
        %get3A_113 = tpu.vector_load %arg11[%get3A_111, %get3A_112] {strides = array<i32>} : memref<128x64xi32, #tpu.memory_space<vmem>>, vector<16xi32>,
        %bitcast3A_114 = vector.bitcast %get3A_113 : vector<16xi32> to vector<32xbf16>
        %get3A_115 = arith.index_cast %add3A_84 : i32 to index
        %get3A_116 = arith.constant 48 : index
        %get3A_117 = tpu.vector_load %arg12[%get3A_115, %get3A_116] {strides = array<i32>} : memref<128x64xi32, #tpu.memory_space<vmem>>, vector<16xi32>,
        %bitcast3A_118 = vector.bitcast %get3A_117 : vector<16xi32> to vector<32xbf16>
        %mul3A_119 = arith.mulf %bitcast3A_114, %bitcast3A_118 : vector<32xbf16>
        %add3A_120 = arith.addf %mul3A_110, %mul3A_119 : vector<32xbf16>
        %add3A_121 = arith.addf %add3A_101, %add3A_120 : vector<32xbf16>
        %unpack3A = tpu.unpack_subelements %add3A_121, 0 {pack_format = #tpu.pack_format<interleaved>} : vector<32xbf16> -> vector<16xf32>
        %unpack3A_122 = tpu.unpack_subelements %add3A_121, 1 {pack_format = #tpu.pack_format<interleaved>} : vector<32xbf16> -> vector<16xf32>
        %add3A_123 = arith.addf %unpack3A, %unpack3A_122 : vector<16xf32>
        %swap3A = arith.constant 0 : index
        %swap3A_124 = tpu.vector_load %arg13[%swap3A] {strides = array<i32>} : memref<256xf32, #tpu.memory_space<vmem>>, vector<16xf32>,
        tpu.vector_store %arg13[%swap3A], %add3A_123 {strides = array<i32>} : memref<256xf32, #tpu.memory_space<vmem>>, vector<16xf32>,
        %add3A_125 = arith.constant 1 : i32
        %add3A_126 = arith.addi %mul3A_82, %add3A_125 : i32
        %get3A_127 = arith.index_cast %add3A_126 : i32 to index
        %get3A_128 = arith.constant 0 : index
        %get3A_129 = tpu.vector_load %arg11[%get3A_127, %get3A_128] {strides = array<i32>} : memref<128x64xi32, #tpu.memory_space<vmem>>, vector<16xi32>,
        %bitcast3A_130 = vector.bitcast %get3A_129 : vector<16xi32> to vector<32xbf16>
        %get3A_131 = arith.index_cast %add3A_126 : i32 to index
        %get3A_132 = arith.constant 0 : index
        %get3A_133 = tpu.vector_load %arg12[%get3A_131, %get3A_132] {strides = array<i32>} : memref<128x64xi32, #tpu.memory_space<vmem>>, vector<16xi32>,
        %bitcast3A_134 = vector.bitcast %get3A_133 : vector<16xi32> to vector<32xbf16>
        %mul3A_135 = arith.mulf %bitcast3A_130, %bitcast3A_134 : vector<32xbf16>
        %get3A_136 = arith.index_cast %add3A_126 : i32 to index
        %get3A_137 = arith.constant 16 : index
        %get3A_138 = tpu.vector_load %arg11[%get3A_136, %get3A_137] {strides = array<i32>} : memref<128x64xi32, #tpu.memory_space<vmem>>, vector<16xi32>,
        %bitcast3A_139 = vector.bitcast %get3A_138 : vector<16xi32> to vector<32xbf16>
        %get3A_140 = arith.index_cast %add3A_126 : i32 to index
        %get3A_141 = arith.constant 16 : index
        %get3A_142 = tpu.vector_load %arg12[%get3A_140, %get3A_141] {strides = array<i32>} : memref<128x64xi32, #tpu.memory_space<vmem>>, vector<16xi32>,
        %bitcast3A_143 = vector.bitcast %get3A_142 : vector<16xi32> to vector<32xbf16>
        %mul3A_144 = arith.mulf %bitcast3A_139, %bitcast3A_143 : vector<32xbf16>
        %add3A_145 = arith.addf %mul3A_135, %mul3A_144 : vector<32xbf16>
        %get3A_146 = arith.index_cast %add3A_126 : i32 to index
        %get3A_147 = arith.constant 32 : index
        %get3A_148 = tpu.vector_load %arg11[%get3A_146, %get3A_147] {strides = array<i32>} : memref<128x64xi32, #tpu.memory_space<vmem>>, vector<16xi32>,
        %bitcast3A_149 = vector.bitcast %get3A_148 : vector<16xi32> to vector<32xbf16>
        %get3A_150 = arith.index_cast %add3A_126 : i32 to index
        %get3A_151 = arith.constant 32 : index
        %get3A_152 = tpu.vector_load %arg12[%get3A_150, %get3A_151] {strides = array<i32>} : memref<128x64xi32, #tpu.memory_space<vmem>>, vector<16xi32>,
        %bitcast3A_153 = vector.bitcast %get3A_152 : vector<16xi32> to vector<32xbf16>
        %mul3A_154 = arith.mulf %bitcast3A_149, %bitcast3A_153 : vector<32xbf16>
        %get3A_155 = arith.index_cast %add3A_126 : i32 to index
        %get3A_156 = arith.constant 48 : index
        %get3A_157 = tpu.vector_load %arg11[%get3A_155, %get3A_156] {strides = array<i32>} : memref<128x64xi32, #tpu.memory_space<vmem>>, vector<16xi32>,
        %bitcast3A_158 = vector.bitcast %get3A_157 : vector<16xi32> to vector<32xbf16>
        %get3A_159 = arith.index_cast %add3A_126 : i32 to index
        %get3A_160 = arith.constant 48 : index
        %get3A_161 = tpu.vector_load %arg12[%get3A_159, %get3A_160] {strides = array<i32>} : memref<128x64xi32, #tpu.memory_space<vmem>>, vector<16xi32>,
        %bitcast3A_162 = vector.bitcast %get3A_161 : vector<16xi32> to vector<32xbf16>
        %mul3A_163 = arith.mulf %bitcast3A_158, %bitcast3A_162 : vector<32xbf16>
        %add3A_164 = arith.addf %mul3A_154, %mul3A_163 : vector<32xbf16>
        %add3A_165 = arith.addf %add3A_145, %add3A_164 : vector<32xbf16>
        %unpack3A_166 = tpu.unpack_subelements %add3A_165, 0 {pack_format = #tpu.pack_format<interleaved>} : vector<32xbf16> -> vector<16xf32>
        %unpack3A_167 = tpu.unpack_subelements %add3A_165, 1 {pack_format = #tpu.pack_format<interleaved>} : vector<32xbf16> -> vector<16xf32>
        %add3A_168 = arith.addf %unpack3A_166, %unpack3A_167 : vector<16xf32>
        %swap3A_169 = arith.constant 16 : index
        %swap3A_170 = tpu.vector_load %arg13[%swap3A_169] {strides = array<i32>} : memref<256xf32, #tpu.memory_space<vmem>>, vector<16xf32>,
        tpu.vector_store %arg13[%swap3A_169], %add3A_168 {strides = array<i32>} : memref<256xf32, #tpu.memory_space<vmem>>, vector<16xf32>,
        %add3A_171 = arith.constant 2 : i32
        %add3A_172 = arith.addi %mul3A_82, %add3A_171 : i32
        %get3A_173 = arith.index_cast %add3A_172 : i32 to index
        %get3A_174 = arith.constant 0 : index
        %get3A_175 = tpu.vector_load %arg11[%get3A_173, %get3A_174] {strides = array<i32>} : memref<128x64xi32, #tpu.memory_space<vmem>>, vector<16xi32>,
        %bitcast3A_176 = vector.bitcast %get3A_175 : vector<16xi32> to vector<32xbf16>
        %get3A_177 = arith.index_cast %add3A_172 : i32 to index
        %get3A_178 = arith.constant 0 : index
        %get3A_179 = tpu.vector_load %arg12[%get3A_177, %get3A_178] {strides = array<i32>} : memref<128x64xi32, #tpu.memory_space<vmem>>, vector<16xi32>,
        %bitcast3A_180 = vector.bitcast %get3A_179 : vector<16xi32> to vector<32xbf16>
        %mul3A_181 = arith.mulf %bitcast3A_176, %bitcast3A_180 : vector<32xbf16>
        %get3A_182 = arith.index_cast %add3A_172 : i32 to index
        %get3A_183 = arith.constant 16 : index
        %get3A_184 = tpu.vector_load %arg11[%get3A_182, %get3A_183] {strides = array<i32>} : memref<128x64xi32, #tpu.memory_space<vmem>>, vector<16xi32>,
        %bitcast3A_185 = vector.bitcast %get3A_184 : vector<16xi32> to vector<32xbf16>
        %get3A_186 = arith.index_cast %add3A_172 : i32 to index
        %get3A_187 = arith.constant 16 : index
        %get3A_188 = tpu.vector_load %arg12[%get3A_186, %get3A_187] {strides = array<i32>} : memref<128x64xi32, #tpu.memory_space<vmem>>, vector<16xi32>,
        %bitcast3A_189 = vector.bitcast %get3A_188 : vector<16xi32> to vector<32xbf16>
        %mul3A_190 = arith.mulf %bitcast3A_185, %bitcast3A_189 : vector<32xbf16>
        %add3A_191 = arith.addf %mul3A_181, %mul3A_190 : vector<32xbf16>
        %get3A_192 = arith.index_cast %add3A_172 : i32 to index
        %get3A_193 = arith.constant 32 : index
        %get3A_194 = tpu.vector_load %arg11[%get3A_192, %get3A_193] {strides = array<i32>} : memref<128x64xi32, #tpu.memory_space<vmem>>, vector<16xi32>,
        %bitcast3A_195 = vector.bitcast %get3A_194 : vector<16xi32> to vector<32xbf16>
        %get3A_196 = arith.index_cast %add3A_172 : i32 to index
        %get3A_197 = arith.constant 32 : index
        %get3A_198 = tpu.vector_load %arg12[%get3A_196, %get3A_197] {strides = array<i32>} : memref<128x64xi32, #tpu.memory_space<vmem>>, vector<16xi32>,
        %bitcast3A_199 = vector.bitcast %get3A_198 : vector<16xi32> to vector<32xbf16>
        %mul3A_200 = arith.mulf %bitcast3A_195, %bitcast3A_199 : vector<32xbf16>
        %get3A_201 = arith.index_cast %add3A_172 : i32 to index
        %get3A_202 = arith.constant 48 : index
        %get3A_203 = tpu.vector_load %arg11[%get3A_201, %get3A_202] {strides = array<i32>} : memref<128x64xi32, #tpu.memory_space<vmem>>, vector<16xi32>,
        %bitcast3A_204 = vector.bitcast %get3A_203 : vector<16xi32> to vector<32xbf16>
        %get3A_205 = arith.index_cast %add3A_172 : i32 to index
        %get3A_206 = arith.constant 48 : index
        %get3A_207 = tpu.vector_load %arg12[%get3A_205, %get3A_206] {strides = array<i32>} : memref<128x64xi32, #tpu.memory_space<vmem>>, vector<16xi32>,
        %bitcast3A_208 = vector.bitcast %get3A_207 : vector<16xi32> to vector<32xbf16>
        %mul3A_209 = arith.mulf %bitcast3A_204, %bitcast3A_208 : vector<32xbf16>
        %add3A_210 = arith.addf %mul3A_200, %mul3A_209 : vector<32xbf16>
        %add3A_211 = arith.addf %add3A_191, %add3A_210 : vector<32xbf16>
        %unpack3A_212 = tpu.unpack_subelements %add3A_211, 0 {pack_format = #tpu.pack_format<interleaved>} : vector<32xbf16> -> vector<16xf32>
        %unpack3A_213 = tpu.unpack_subelements %add3A_211, 1 {pack_format = #tpu.pack_format<interleaved>} : vector<32xbf16> -> vector<16xf32>
        %add3A_214 = arith.addf %unpack3A_212, %unpack3A_213 : vector<16xf32>
        %swap3A_215 = arith.constant 32 : index
        %swap3A_216 = tpu.vector_load %arg13[%swap3A_215] {strides = array<i32>} : memref<256xf32, #tpu.memory_space<vmem>>, vector<16xf32>,
        tpu.vector_store %arg13[%swap3A_215], %add3A_214 {strides = array<i32>} : memref<256xf32, #tpu.memory_space<vmem>>, vector<16xf32>,
        %add3A_217 = arith.constant 3 : i32
        %add3A_218 = arith.addi %mul3A_82, %add3A_217 : i32
        %get3A_219 = arith.index_cast %add3A_218 : i32 to index
        %get3A_220 = arith.constant 0 : index
        %get3A_221 = tpu.vector_load %arg11[%get3A_219, %get3A_220] {strides = array<i32>} : memref<128x64xi32, #tpu.memory_space<vmem>>, vector<16xi32>,
        %bitcast3A_222 = vector.bitcast %get3A_221 : vector<16xi32> to vector<32xbf16>
        %get3A_223 = arith.index_cast %add3A_218 : i32 to index
        %get3A_224 = arith.constant 0 : index
        %get3A_225 = tpu.vector_load %arg12[%get3A_223, %get3A_224] {strides = array<i32>} : memref<128x64xi32, #tpu.memory_space<vmem>>, vector<16xi32>,
        %bitcast3A_226 = vector.bitcast %get3A_225 : vector<16xi32> to vector<32xbf16>
        %mul3A_227 = arith.mulf %bitcast3A_222, %bitcast3A_226 : vector<32xbf16>
        %get3A_228 = arith.index_cast %add3A_218 : i32 to index
        %get3A_229 = arith.constant 16 : index
        %get3A_230 = tpu.vector_load %arg11[%get3A_228, %get3A_229] {strides = array<i32>} : memref<128x64xi32, #tpu.memory_space<vmem>>, vector<16xi32>,
        %bitcast3A_231 = vector.bitcast %get3A_230 : vector<16xi32> to vector<32xbf16>
        %get3A_232 = arith.index_cast %add3A_218 : i32 to index
        %get3A_233 = arith.constant 16 : index
        %get3A_234 = tpu.vector_load %arg12[%get3A_232, %get3A_233] {strides = array<i32>} : memref<128x64xi32, #tpu.memory_space<vmem>>, vector<16xi32>,
        %bitcast3A_235 = vector.bitcast %get3A_234 : vector<16xi32> to vector<32xbf16>
        %mul3A_236 = arith.mulf %bitcast3A_231, %bitcast3A_235 : vector<32xbf16>
        %add3A_237 = arith.addf %mul3A_227, %mul3A_236 : vector<32xbf16>
        %get3A_238 = arith.index_cast %add3A_218 : i32 to index
        %get3A_239 = arith.constant 32 : index
        %get3A_240 = tpu.vector_load %arg11[%get3A_238, %get3A_239] {strides = array<i32>} : memref<128x64xi32, #tpu.memory_space<vmem>>, vector<16xi32>,
        %bitcast3A_241 = vector.bitcast %get3A_240 : vector<16xi32> to vector<32xbf16>
        %get3A_242 = arith.index_cast %add3A_218 : i32 to index
        %get3A_243 = arith.constant 32 : index
        %get3A_244 = tpu.vector_load %arg12[%get3A_242, %get3A_243] {strides = array<i32>} : memref<128x64xi32, #tpu.memory_space<vmem>>, vector<16xi32>,
        %bitcast3A_245 = vector.bitcast %get3A_244 : vector<16xi32> to vector<32xbf16>
        %mul3A_246 = arith.mulf %bitcast3A_241, %bitcast3A_245 : vector<32xbf16>
        %get3A_247 = arith.index_cast %add3A_218 : i32 to index
        %get3A_248 = arith.constant 48 : index
        %get3A_249 = tpu.vector_load %arg11[%get3A_247, %get3A_248] {strides = array<i32>} : memref<128x64xi32, #tpu.memory_space<vmem>>, vector<16xi32>,
        %bitcast3A_250 = vector.bitcast %get3A_249 : vector<16xi32> to vector<32xbf16>
        %get3A_251 = arith.index_cast %add3A_218 : i32 to index
        %get3A_252 = arith.constant 48 : index
        %get3A_253 = tpu.vector_load %arg12[%get3A_251, %get3A_252] {strides = array<i32>} : memref<128x64xi32, #tpu.memory_space<vmem>>, vector<16xi32>,
        %bitcast3A_254 = vector.bitcast %get3A_253 : vector<16xi32> to vector<32xbf16>
        %mul3A_255 = arith.mulf %bitcast3A_250, %bitcast3A_254 : vector<32xbf16>
        %add3A_256 = arith.addf %mul3A_246, %mul3A_255 : vector<32xbf16>
        %add3A_257 = arith.addf %add3A_237, %add3A_256 : vector<32xbf16>
        %unpack3A_258 = tpu.unpack_subelements %add3A_257, 0 {pack_format = #tpu.pack_format<interleaved>} : vector<32xbf16> -> vector<16xf32>
        %unpack3A_259 = tpu.unpack_subelements %add3A_257, 1 {pack_format = #tpu.pack_format<interleaved>} : vector<32xbf16> -> vector<16xf32>
        %add3A_260 = arith.addf %unpack3A_258, %unpack3A_259 : vector<16xf32>
        %swap3A_261 = arith.constant 48 : index
        %swap3A_262 = tpu.vector_load %arg13[%swap3A_261] {strides = array<i32>} : memref<256xf32, #tpu.memory_space<vmem>>, vector<16xf32>,
        tpu.vector_store %arg13[%swap3A_261], %add3A_260 {strides = array<i32>} : memref<256xf32, #tpu.memory_space<vmem>>, vector<16xf32>,
        %add3A_263 = arith.constant 4 : i32
        %add3A_264 = arith.addi %mul3A_82, %add3A_263 : i32
        %get3A_265 = arith.index_cast %add3A_264 : i32 to index
        %get3A_266 = arith.constant 0 : index
        %get3A_267 = tpu.vector_load %arg11[%get3A_265, %get3A_266] {strides = array<i32>} : memref<128x64xi32, #tpu.memory_space<vmem>>, vector<16xi32>,
        %bitcast3A_268 = vector.bitcast %get3A_267 : vector<16xi32> to vector<32xbf16>
        %get3A_269 = arith.index_cast %add3A_264 : i32 to index
        %get3A_270 = arith.constant 0 : index
        %get3A_271 = tpu.vector_load %arg12[%get3A_269, %get3A_270] {strides = array<i32>} : memref<128x64xi32, #tpu.memory_space<vmem>>, vector<16xi32>,
        %bitcast3A_272 = vector.bitcast %get3A_271 : vector<16xi32> to vector<32xbf16>
        %mul3A_273 = arith.mulf %bitcast3A_268, %bitcast3A_272 : vector<32xbf16>
        %get3A_274 = arith.index_cast %add3A_264 : i32 to index
        %get3A_275 = arith.constant 16 : index
        %get3A_276 = tpu.vector_load %arg11[%get3A_274, %get3A_275] {strides = array<i32>} : memref<128x64xi32, #tpu.memory_space<vmem>>, vector<16xi32>,
        %bitcast3A_277 = vector.bitcast %get3A_276 : vector<16xi32> to vector<32xbf16>
        %get3A_278 = arith.index_cast %add3A_264 : i32 to index
        %get3A_279 = arith.constant 16 : index
        %get3A_280 = tpu.vector_load %arg12[%get3A_278, %get3A_279] {strides = array<i32>} : memref<128x64xi32, #tpu.memory_space<vmem>>, vector<16xi32>,
        %bitcast3A_281 = vector.bitcast %get3A_280 : vector<16xi32> to vector<32xbf16>
        %mul3A_282 = arith.mulf %bitcast3A_277, %bitcast3A_281 : vector<32xbf16>
        %add3A_283 = arith.addf %mul3A_273, %mul3A_282 : vector<32xbf16>
        %get3A_284 = arith.index_cast %add3A_264 : i32 to index
        %get3A_285 = arith.constant 32 : index
        %get3A_286 = tpu.vector_load %arg11[%get3A_284, %get3A_285] {strides = array<i32>} : memref<128x64xi32, #tpu.memory_space<vmem>>, vector<16xi32>,
        %bitcast3A_287 = vector.bitcast %get3A_286 : vector<16xi32> to vector<32xbf16>
        %get3A_288 = arith.index_cast %add3A_264 : i32 to index
        %get3A_289 = arith.constant 32 : index
        %get3A_290 = tpu.vector_load %arg12[%get3A_288, %get3A_289] {strides = array<i32>} : memref<128x64xi32, #tpu.memory_space<vmem>>, vector<16xi32>,
        %bitcast3A_291 = vector.bitcast %get3A_290 : vector<16xi32> to vector<32xbf16>
        %mul3A_292 = arith.mulf %bitcast3A_287, %bitcast3A_291 : vector<32xbf16>
        %get3A_293 = arith.index_cast %add3A_264 : i32 to index
        %get3A_294 = arith.constant 48 : index
        %get3A_295 = tpu.vector_load %arg11[%get3A_293, %get3A_294] {strides = array<i32>} : memref<128x64xi32, #tpu.memory_space<vmem>>, vector<16xi32>,
        %bitcast3A_296 = vector.bitcast %get3A_295 : vector<16xi32> to vector<32xbf16>
        %get3A_297 = arith.index_cast %add3A_264 : i32 to index
        %get3A_298 = arith.constant 48 : index
        %get3A_299 = tpu.vector_load %arg12[%get3A_297, %get3A_298] {strides = array<i32>} : memref<128x64xi32, #tpu.memory_space<vmem>>, vector<16xi32>,
        %bitcast3A_300 = vector.bitcast %get3A_299 : vector<16xi32> to vector<32xbf16>
        %mul3A_301 = arith.mulf %bitcast3A_296, %bitcast3A_300 : vector<32xbf16>
        %add3A_302 = arith.addf %mul3A_292, %mul3A_301 : vector<32xbf16>
        %add3A_303 = arith.addf %add3A_283, %add3A_302 : vector<32xbf16>
        %unpack3A_304 = tpu.unpack_subelements %add3A_303, 0 {pack_format = #tpu.pack_format<interleaved>} : vector<32xbf16> -> vector<16xf32>
        %unpack3A_305 = tpu.unpack_subelements %add3A_303, 1 {pack_format = #tpu.pack_format<interleaved>} : vector<32xbf16> -> vector<16xf32>
        %add3A_306 = arith.addf %unpack3A_304, %unpack3A_305 : vector<16xf32>
        %swap3A_307 = arith.constant 64 : index
        %swap3A_308 = tpu.vector_load %arg13[%swap3A_307] {strides = array<i32>} : memref<256xf32, #tpu.memory_space<vmem>>, vector<16xf32>,
        tpu.vector_store %arg13[%swap3A_307], %add3A_306 {strides = array<i32>} : memref<256xf32, #tpu.memory_space<vmem>>, vector<16xf32>,
        %add3A_309 = arith.constant 5 : i32
        %add3A_310 = arith.addi %mul3A_82, %add3A_309 : i32
        %get3A_311 = arith.index_cast %add3A_310 : i32 to index
        %get3A_312 = arith.constant 0 : index
        %get3A_313 = tpu.vector_load %arg11[%get3A_311, %get3A_312] {strides = array<i32>} : memref<128x64xi32, #tpu.memory_space<vmem>>, vector<16xi32>,
        %bitcast3A_314 = vector.bitcast %get3A_313 : vector<16xi32> to vector<32xbf16>
        %get3A_315 = arith.index_cast %add3A_310 : i32 to index
        %get3A_316 = arith.constant 0 : index
        %get3A_317 = tpu.vector_load %arg12[%get3A_315, %get3A_316] {strides = array<i32>} : memref<128x64xi32, #tpu.memory_space<vmem>>, vector<16xi32>,
        %bitcast3A_318 = vector.bitcast %get3A_317 : vector<16xi32> to vector<32xbf16>
        %mul3A_319 = arith.mulf %bitcast3A_314, %bitcast3A_318 : vector<32xbf16>
        %get3A_320 = arith.index_cast %add3A_310 : i32 to index
        %get3A_321 = arith.constant 16 : index
        %get3A_322 = tpu.vector_load %arg11[%get3A_320, %get3A_321] {strides = array<i32>} : memref<128x64xi32, #tpu.memory_space<vmem>>, vector<16xi32>,
        %bitcast3A_323 = vector.bitcast %get3A_322 : vector<16xi32> to vector<32xbf16>
        %get3A_324 = arith.index_cast %add3A_310 : i32 to index
        %get3A_325 = arith.constant 16 : index
        %get3A_326 = tpu.vector_load %arg12[%get3A_324, %get3A_325] {strides = array<i32>} : memref<128x64xi32, #tpu.memory_space<vmem>>, vector<16xi32>,
        %bitcast3A_327 = vector.bitcast %get3A_326 : vector<16xi32> to vector<32xbf16>
        %mul3A_328 = arith.mulf %bitcast3A_323, %bitcast3A_327 : vector<32xbf16>
        %add3A_329 = arith.addf %mul3A_319, %mul3A_328 : vector<32xbf16>
        %get3A_330 = arith.index_cast %add3A_310 : i32 to index
        %get3A_331 = arith.constant 32 : index
        %get3A_332 = tpu.vector_load %arg11[%get3A_330, %get3A_331] {strides = array<i32>} : memref<128x64xi32, #tpu.memory_space<vmem>>, vector<16xi32>,
        %bitcast3A_333 = vector.bitcast %get3A_332 : vector<16xi32> to vector<32xbf16>
        %get3A_334 = arith.index_cast %add3A_310 : i32 to index
        %get3A_335 = arith.constant 32 : index
        %get3A_336 = tpu.vector_load %arg12[%get3A_334, %get3A_335] {strides = array<i32>} : memref<128x64xi32, #tpu.memory_space<vmem>>, vector<16xi32>,
        %bitcast3A_337 = vector.bitcast %get3A_336 : vector<16xi32> to vector<32xbf16>
        %mul3A_338 = arith.mulf %bitcast3A_333, %bitcast3A_337 : vector<32xbf16>
        %get3A_339 = arith.index_cast %add3A_310 : i32 to index
        %get3A_340 = arith.constant 48 : index
        %get3A_341 = tpu.vector_load %arg11[%get3A_339, %get3A_340] {strides = array<i32>} : memref<128x64xi32, #tpu.memory_space<vmem>>, vector<16xi32>,
        %bitcast3A_342 = vector.bitcast %get3A_341 : vector<16xi32> to vector<32xbf16>
        %get3A_343 = arith.index_cast %add3A_310 : i32 to index
        %get3A_344 = arith.constant 48 : index
        %get3A_345 = tpu.vector_load %arg12[%get3A_343, %get3A_344] {strides = array<i32>} : memref<128x64xi32, #tpu.memory_space<vmem>>, vector<16xi32>,
        %bitcast3A_346 = vector.bitcast %get3A_345 : vector<16xi32> to vector<32xbf16>
        %mul3A_347 = arith.mulf %bitcast3A_342, %bitcast3A_346 : vector<32xbf16>
        %add3A_348 = arith.addf %mul3A_338, %mul3A_347 : vector<32xbf16>
        %add3A_349 = arith.addf %add3A_329, %add3A_348 : vector<32xbf16>
        %unpack3A_350 = tpu.unpack_subelements %add3A_349, 0 {pack_format = #tpu.pack_format<interleaved>} : vector<32xbf16> -> vector<16xf32>
        %unpack3A_351 = tpu.unpack_subelements %add3A_349, 1 {pack_format = #tpu.pack_format<interleaved>} : vector<32xbf16> -> vector<16xf32>
        %add3A_352 = arith.addf %unpack3A_350, %unpack3A_351 : vector<16xf32>
        %swap3A_353 = arith.constant 80 : index
        %swap3A_354 = tpu.vector_load %arg13[%swap3A_353] {strides = array<i32>} : memref<256xf32, #tpu.memory_space<vmem>>, vector<16xf32>,
        tpu.vector_store %arg13[%swap3A_353], %add3A_352 {strides = array<i32>} : memref<256xf32, #tpu.memory_space<vmem>>, vector<16xf32>,
        %add3A_355 = arith.constant 6 : i32
        %add3A_356 = arith.addi %mul3A_82, %add3A_355 : i32
        %get3A_357 = arith.index_cast %add3A_356 : i32 to index
        %get3A_358 = arith.constant 0 : index
        %get3A_359 = tpu.vector_load %arg11[%get3A_357, %get3A_358] {strides = array<i32>} : memref<128x64xi32, #tpu.memory_space<vmem>>, vector<16xi32>,
        %bitcast3A_360 = vector.bitcast %get3A_359 : vector<16xi32> to vector<32xbf16>
        %get3A_361 = arith.index_cast %add3A_356 : i32 to index
        %get3A_362 = arith.constant 0 : index
        %get3A_363 = tpu.vector_load %arg12[%get3A_361, %get3A_362] {strides = array<i32>} : memref<128x64xi32, #tpu.memory_space<vmem>>, vector<16xi32>,
        %bitcast3A_364 = vector.bitcast %get3A_363 : vector<16xi32> to vector<32xbf16>
        %mul3A_365 = arith.mulf %bitcast3A_360, %bitcast3A_364 : vector<32xbf16>
        %get3A_366 = arith.index_cast %add3A_356 : i32 to index
        %get3A_367 = arith.constant 16 : index
        %get3A_368 = tpu.vector_load %arg11[%get3A_366, %get3A_367] {strides = array<i32>} : memref<128x64xi32, #tpu.memory_space<vmem>>, vector<16xi32>,
        %bitcast3A_369 = vector.bitcast %get3A_368 : vector<16xi32> to vector<32xbf16>
        %get3A_370 = arith.index_cast %add3A_356 : i32 to index
        %get3A_371 = arith.constant 16 : index
        %get3A_372 = tpu.vector_load %arg12[%get3A_370, %get3A_371] {strides = array<i32>} : memref<128x64xi32, #tpu.memory_space<vmem>>, vector<16xi32>,
        %bitcast3A_373 = vector.bitcast %get3A_372 : vector<16xi32> to vector<32xbf16>
        %mul3A_374 = arith.mulf %bitcast3A_369, %bitcast3A_373 : vector<32xbf16>
        %add3A_375 = arith.addf %mul3A_365, %mul3A_374 : vector<32xbf16>
        %get3A_376 = arith.index_cast %add3A_356 : i32 to index
        %get3A_377 = arith.constant 32 : index
        %get3A_378 = tpu.vector_load %arg11[%get3A_376, %get3A_377] {strides = array<i32>} : memref<128x64xi32, #tpu.memory_space<vmem>>, vector<16xi32>,
        %bitcast3A_379 = vector.bitcast %get3A_378 : vector<16xi32> to vector<32xbf16>
        %get3A_380 = arith.index_cast %add3A_356 : i32 to index
        %get3A_381 = arith.constant 32 : index
        %get3A_382 = tpu.vector_load %arg12[%get3A_380, %get3A_381] {strides = array<i32>} : memref<128x64xi32, #tpu.memory_space<vmem>>, vector<16xi32>,
        %bitcast3A_383 = vector.bitcast %get3A_382 : vector<16xi32> to vector<32xbf16>
        %mul3A_384 = arith.mulf %bitcast3A_379, %bitcast3A_383 : vector<32xbf16>
        %get3A_385 = arith.index_cast %add3A_356 : i32 to index
        %get3A_386 = arith.constant 48 : index
        %get3A_387 = tpu.vector_load %arg11[%get3A_385, %get3A_386] {strides = array<i32>} : memref<128x64xi32, #tpu.memory_space<vmem>>, vector<16xi32>,
        %bitcast3A_388 = vector.bitcast %get3A_387 : vector<16xi32> to vector<32xbf16>
        %get3A_389 = arith.index_cast %add3A_356 : i32 to index
        %get3A_390 = arith.constant 48 : index
        %get3A_391 = tpu.vector_load %arg12[%get3A_389, %get3A_390] {strides = array<i32>} : memref<128x64xi32, #tpu.memory_space<vmem>>, vector<16xi32>,
        %bitcast3A_392 = vector.bitcast %get3A_391 : vector<16xi32> to vector<32xbf16>
        %mul3A_393 = arith.mulf %bitcast3A_388, %bitcast3A_392 : vector<32xbf16>
        %add3A_394 = arith.addf %mul3A_384, %mul3A_393 : vector<32xbf16>
        %add3A_395 = arith.addf %add3A_375, %add3A_394 : vector<32xbf16>
        %unpack3A_396 = tpu.unpack_subelements %add3A_395, 0 {pack_format = #tpu.pack_format<interleaved>} : vector<32xbf16> -> vector<16xf32>
        %unpack3A_397 = tpu.unpack_subelements %add3A_395, 1 {pack_format = #tpu.pack_format<interleaved>} : vector<32xbf16> -> vector<16xf32>
        %add3A_398 = arith.addf %unpack3A_396, %unpack3A_397 : vector<16xf32>
        %swap3A_399 = arith.constant 96 : index
        %swap3A_400 = tpu.vector_load %arg13[%swap3A_399] {strides = array<i32>} : memref<256xf32, #tpu.memory_space<vmem>>, vector<16xf32>,
        tpu.vector_store %arg13[%swap3A_399], %add3A_398 {strides = array<i32>} : memref<256xf32, #tpu.memory_space<vmem>>, vector<16xf32>,
        %add3A_401 = arith.constant 7 : i32
        %add3A_402 = arith.addi %mul3A_82, %add3A_401 : i32
        %get3A_403 = arith.index_cast %add3A_402 : i32 to index
        %get3A_404 = arith.constant 0 : index
        %get3A_405 = tpu.vector_load %arg11[%get3A_403, %get3A_404] {strides = array<i32>} : memref<128x64xi32, #tpu.memory_space<vmem>>, vector<16xi32>,
        %bitcast3A_406 = vector.bitcast %get3A_405 : vector<16xi32> to vector<32xbf16>
        %get3A_407 = arith.index_cast %add3A_402 : i32 to index
        %get3A_408 = arith.constant 0 : index
        %get3A_409 = tpu.vector_load %arg12[%get3A_407, %get3A_408] {strides = array<i32>} : memref<128x64xi32, #tpu.memory_space<vmem>>, vector<16xi32>,
        %bitcast3A_410 = vector.bitcast %get3A_409 : vector<16xi32> to vector<32xbf16>
        %mul3A_411 = arith.mulf %bitcast3A_406, %bitcast3A_410 : vector<32xbf16>
        %get3A_412 = arith.index_cast %add3A_402 : i32 to index
        %get3A_413 = arith.constant 16 : index
        %get3A_414 = tpu.vector_load %arg11[%get3A_412, %get3A_413] {strides = array<i32>} : memref<128x64xi32, #tpu.memory_space<vmem>>, vector<16xi32>,
        %bitcast3A_415 = vector.bitcast %get3A_414 : vector<16xi32> to vector<32xbf16>
        %get3A_416 = arith.index_cast %add3A_402 : i32 to index
        %get3A_417 = arith.constant 16 : index
        %get3A_418 = tpu.vector_load %arg12[%get3A_416, %get3A_417] {strides = array<i32>} : memref<128x64xi32, #tpu.memory_space<vmem>>, vector<16xi32>,
        %bitcast3A_419 = vector.bitcast %get3A_418 : vector<16xi32> to vector<32xbf16>
        %mul3A_420 = arith.mulf %bitcast3A_415, %bitcast3A_419 : vector<32xbf16>
        %add3A_421 = arith.addf %mul3A_411, %mul3A_420 : vector<32xbf16>
        %get3A_422 = arith.index_cast %add3A_402 : i32 to index
        %get3A_423 = arith.constant 32 : index
        %get3A_424 = tpu.vector_load %arg11[%get3A_422, %get3A_423] {strides = array<i32>} : memref<128x64xi32, #tpu.memory_space<vmem>>, vector<16xi32>,
        %bitcast3A_425 = vector.bitcast %get3A_424 : vector<16xi32> to vector<32xbf16>
        %get3A_426 = arith.index_cast %add3A_402 : i32 to index
        %get3A_427 = arith.constant 32 : index
        %get3A_428 = tpu.vector_load %arg12[%get3A_426, %get3A_427] {strides = array<i32>} : memref<128x64xi32, #tpu.memory_space<vmem>>, vector<16xi32>,
        %bitcast3A_429 = vector.bitcast %get3A_428 : vector<16xi32> to vector<32xbf16>
        %mul3A_430 = arith.mulf %bitcast3A_425, %bitcast3A_429 : vector<32xbf16>
        %get3A_431 = arith.index_cast %add3A_402 : i32 to index
        %get3A_432 = arith.constant 48 : index
        %get3A_433 = tpu.vector_load %arg11[%get3A_431, %get3A_432] {strides = array<i32>} : memref<128x64xi32, #tpu.memory_space<vmem>>, vector<16xi32>,
        %bitcast3A_434 = vector.bitcast %get3A_433 : vector<16xi32> to vector<32xbf16>
        %get3A_435 = arith.index_cast %add3A_402 : i32 to index
        %get3A_436 = arith.constant 48 : index
        %get3A_437 = tpu.vector_load %arg12[%get3A_435, %get3A_436] {strides = array<i32>} : memref<128x64xi32, #tpu.memory_space<vmem>>, vector<16xi32>,
        %bitcast3A_438 = vector.bitcast %get3A_437 : vector<16xi32> to vector<32xbf16>
        %mul3A_439 = arith.mulf %bitcast3A_434, %bitcast3A_438 : vector<32xbf16>
        %add3A_440 = arith.addf %mul3A_430, %mul3A_439 : vector<32xbf16>
        %add3A_441 = arith.addf %add3A_421, %add3A_440 : vector<32xbf16>
        %unpack3A_442 = tpu.unpack_subelements %add3A_441, 0 {pack_format = #tpu.pack_format<interleaved>} : vector<32xbf16> -> vector<16xf32>
        %unpack3A_443 = tpu.unpack_subelements %add3A_441, 1 {pack_format = #tpu.pack_format<interleaved>} : vector<32xbf16> -> vector<16xf32>
        %add3A_444 = arith.addf %unpack3A_442, %unpack3A_443 : vector<16xf32>
        %swap3A_445 = arith.constant 112 : index
        %swap3A_446 = tpu.vector_load %arg13[%swap3A_445] {strides = array<i32>} : memref<256xf32, #tpu.memory_space<vmem>>, vector<16xf32>,
        tpu.vector_store %arg13[%swap3A_445], %add3A_444 {strides = array<i32>} : memref<256xf32, #tpu.memory_space<vmem>>, vector<16xf32>,
        %add3A_447 = arith.constant 8 : i32
        %add3A_448 = arith.addi %mul3A_82, %add3A_447 : i32
        %get3A_449 = arith.index_cast %add3A_448 : i32 to index
        %get3A_450 = arith.constant 0 : index
        %get3A_451 = tpu.vector_load %arg11[%get3A_449, %get3A_450] {strides = array<i32>} : memref<128x64xi32, #tpu.memory_space<vmem>>, vector<16xi32>,
        %bitcast3A_452 = vector.bitcast %get3A_451 : vector<16xi32> to vector<32xbf16>
        %get3A_453 = arith.index_cast %add3A_448 : i32 to index
        %get3A_454 = arith.constant 0 : index
        %get3A_455 = tpu.vector_load %arg12[%get3A_453, %get3A_454] {strides = array<i32>} : memref<128x64xi32, #tpu.memory_space<vmem>>, vector<16xi32>,
        %bitcast3A_456 = vector.bitcast %get3A_455 : vector<16xi32> to vector<32xbf16>
        %mul3A_457 = arith.mulf %bitcast3A_452, %bitcast3A_456 : vector<32xbf16>
        %get3A_458 = arith.index_cast %add3A_448 : i32 to index
        %get3A_459 = arith.constant 16 : index
        %get3A_460 = tpu.vector_load %arg11[%get3A_458, %get3A_459] {strides = array<i32>} : memref<128x64xi32, #tpu.memory_space<vmem>>, vector<16xi32>,
        %bitcast3A_461 = vector.bitcast %get3A_460 : vector<16xi32> to vector<32xbf16>
        %get3A_462 = arith.index_cast %add3A_448 : i32 to index
        %get3A_463 = arith.constant 16 : index
        %get3A_464 = tpu.vector_load %arg12[%get3A_462, %get3A_463] {strides = array<i32>} : memref<128x64xi32, #tpu.memory_space<vmem>>, vector<16xi32>,
        %bitcast3A_465 = vector.bitcast %get3A_464 : vector<16xi32> to vector<32xbf16>
        %mul3A_466 = arith.mulf %bitcast3A_461, %bitcast3A_465 : vector<32xbf16>
        %add3A_467 = arith.addf %mul3A_457, %mul3A_466 : vector<32xbf16>
        %get3A_468 = arith.index_cast %add3A_448 : i32 to index
        %get3A_469 = arith.constant 32 : index
        %get3A_470 = tpu.vector_load %arg11[%get3A_468, %get3A_469] {strides = array<i32>} : memref<128x64xi32, #tpu.memory_space<vmem>>, vector<16xi32>,
        %bitcast3A_471 = vector.bitcast %get3A_470 : vector<16xi32> to vector<32xbf16>
        %get3A_472 = arith.index_cast %add3A_448 : i32 to index
        %get3A_473 = arith.constant 32 : index
        %get3A_474 = tpu.vector_load %arg12[%get3A_472, %get3A_473] {strides = array<i32>} : memref<128x64xi32, #tpu.memory_space<vmem>>, vector<16xi32>,
        %bitcast3A_475 = vector.bitcast %get3A_474 : vector<16xi32> to vector<32xbf16>
        %mul3A_476 = arith.mulf %bitcast3A_471, %bitcast3A_475 : vector<32xbf16>
        %get3A_477 = arith.index_cast %add3A_448 : i32 to index
        %get3A_478 = arith.constant 48 : index
        %get3A_479 = tpu.vector_load %arg11[%get3A_477, %get3A_478] {strides = array<i32>} : memref<128x64xi32, #tpu.memory_space<vmem>>, vector<16xi32>,
        %bitcast3A_480 = vector.bitcast %get3A_479 : vector<16xi32> to vector<32xbf16>
        %get3A_481 = arith.index_cast %add3A_448 : i32 to index
        %get3A_482 = arith.constant 48 : index
        %get3A_483 = tpu.vector_load %arg12[%get3A_481, %get3A_482] {strides = array<i32>} : memref<128x64xi32, #tpu.memory_space<vmem>>, vector<16xi32>,
        %bitcast3A_484 = vector.bitcast %get3A_483 : vector<16xi32> to vector<32xbf16>
        %mul3A_485 = arith.mulf %bitcast3A_480, %bitcast3A_484 : vector<32xbf16>
        %add3A_486 = arith.addf %mul3A_476, %mul3A_485 : vector<32xbf16>
        %add3A_487 = arith.addf %add3A_467, %add3A_486 : vector<32xbf16>
        %unpack3A_488 = tpu.unpack_subelements %add3A_487, 0 {pack_format = #tpu.pack_format<interleaved>} : vector<32xbf16> -> vector<16xf32>
        %unpack3A_489 = tpu.unpack_subelements %add3A_487, 1 {pack_format = #tpu.pack_format<interleaved>} : vector<32xbf16> -> vector<16xf32>
        %add3A_490 = arith.addf %unpack3A_488, %unpack3A_489 : vector<16xf32>
        %swap3A_491 = arith.constant 128 : index
        %swap3A_492 = tpu.vector_load %arg13[%swap3A_491] {strides = array<i32>} : memref<256xf32, #tpu.memory_space<vmem>>, vector<16xf32>,
        tpu.vector_store %arg13[%swap3A_491], %add3A_490 {strides = array<i32>} : memref<256xf32, #tpu.memory_space<vmem>>, vector<16xf32>,
        %add3A_493 = arith.constant 9 : i32
        %add3A_494 = arith.addi %mul3A_82, %add3A_493 : i32
        %get3A_495 = arith.index_cast %add3A_494 : i32 to index
        %get3A_496 = arith.constant 0 : index
        %get3A_497 = tpu.vector_load %arg11[%get3A_495, %get3A_496] {strides = array<i32>} : memref<128x64xi32, #tpu.memory_space<vmem>>, vector<16xi32>,
        %bitcast3A_498 = vector.bitcast %get3A_497 : vector<16xi32> to vector<32xbf16>
        %get3A_499 = arith.index_cast %add3A_494 : i32 to index
        %get3A_500 = arith.constant 0 : index
        %get3A_501 = tpu.vector_load %arg12[%get3A_499, %get3A_500] {strides = array<i32>} : memref<128x64xi32, #tpu.memory_space<vmem>>, vector<16xi32>,
        %bitcast3A_502 = vector.bitcast %get3A_501 : vector<16xi32> to vector<32xbf16>
        %mul3A_503 = arith.mulf %bitcast3A_498, %bitcast3A_502 : vector<32xbf16>
        %get3A_504 = arith.index_cast %add3A_494 : i32 to index
        %get3A_505 = arith.constant 16 : index
        %get3A_506 = tpu.vector_load %arg11[%get3A_504, %get3A_505] {strides = array<i32>} : memref<128x64xi32, #tpu.memory_space<vmem>>, vector<16xi32>,
        %bitcast3A_507 = vector.bitcast %get3A_506 : vector<16xi32> to vector<32xbf16>
        %get3A_508 = arith.index_cast %add3A_494 : i32 to index
        %get3A_509 = arith.constant 16 : index
        %get3A_510 = tpu.vector_load %arg12[%get3A_508, %get3A_509] {strides = array<i32>} : memref<128x64xi32, #tpu.memory_space<vmem>>, vector<16xi32>,
        %bitcast3A_511 = vector.bitcast %get3A_510 : vector<16xi32> to vector<32xbf16>
        %mul3A_512 = arith.mulf %bitcast3A_507, %bitcast3A_511 : vector<32xbf16>
        %add3A_513 = arith.addf %mul3A_503, %mul3A_512 : vector<32xbf16>
        %get3A_514 = arith.index_cast %add3A_494 : i32 to index
        %get3A_515 = arith.constant 32 : index
        %get3A_516 = tpu.vector_load %arg11[%get3A_514, %get3A_515] {strides = array<i32>} : memref<128x64xi32, #tpu.memory_space<vmem>>, vector<16xi32>,
        %bitcast3A_517 = vector.bitcast %get3A_516 : vector<16xi32> to vector<32xbf16>
        %get3A_518 = arith.index_cast %add3A_494 : i32 to index
        %get3A_519 = arith.constant 32 : index
        %get3A_520 = tpu.vector_load %arg12[%get3A_518, %get3A_519] {strides = array<i32>} : memref<128x64xi32, #tpu.memory_space<vmem>>, vector<16xi32>,
        %bitcast3A_521 = vector.bitcast %get3A_520 : vector<16xi32> to vector<32xbf16>
        %mul3A_522 = arith.mulf %bitcast3A_517, %bitcast3A_521 : vector<32xbf16>
        %get3A_523 = arith.index_cast %add3A_494 : i32 to index
        %get3A_524 = arith.constant 48 : index
        %get3A_525 = tpu.vector_load %arg11[%get3A_523, %get3A_524] {strides = array<i32>} : memref<128x64xi32, #tpu.memory_space<vmem>>, vector<16xi32>,
        %bitcast3A_526 = vector.bitcast %get3A_525 : vector<16xi32> to vector<32xbf16>
        %get3A_527 = arith.index_cast %add3A_494 : i32 to index
        %get3A_528 = arith.constant 48 : index
        %get3A_529 = tpu.vector_load %arg12[%get3A_527, %get3A_528] {strides = array<i32>} : memref<128x64xi32, #tpu.memory_space<vmem>>, vector<16xi32>,
        %bitcast3A_530 = vector.bitcast %get3A_529 : vector<16xi32> to vector<32xbf16>
        %mul3A_531 = arith.mulf %bitcast3A_526, %bitcast3A_530 : vector<32xbf16>
        %add3A_532 = arith.addf %mul3A_522, %mul3A_531 : vector<32xbf16>
        %add3A_533 = arith.addf %add3A_513, %add3A_532 : vector<32xbf16>
        %unpack3A_534 = tpu.unpack_subelements %add3A_533, 0 {pack_format = #tpu.pack_format<interleaved>} : vector<32xbf16> -> vector<16xf32>
        %unpack3A_535 = tpu.unpack_subelements %add3A_533, 1 {pack_format = #tpu.pack_format<interleaved>} : vector<32xbf16> -> vector<16xf32>
        %add3A_536 = arith.addf %unpack3A_534, %unpack3A_535 : vector<16xf32>
        %swap3A_537 = arith.constant 144 : index
        %swap3A_538 = tpu.vector_load %arg13[%swap3A_537] {strides = array<i32>} : memref<256xf32, #tpu.memory_space<vmem>>, vector<16xf32>,
        tpu.vector_store %arg13[%swap3A_537], %add3A_536 {strides = array<i32>} : memref<256xf32, #tpu.memory_space<vmem>>, vector<16xf32>,
        %add3A_539 = arith.constant 10 : i32
        %add3A_540 = arith.addi %mul3A_82, %add3A_539 : i32
        %get3A_541 = arith.index_cast %add3A_540 : i32 to index
        %get3A_542 = arith.constant 0 : index
        %get3A_543 = tpu.vector_load %arg11[%get3A_541, %get3A_542] {strides = array<i32>} : memref<128x64xi32, #tpu.memory_space<vmem>>, vector<16xi32>,
        %bitcast3A_544 = vector.bitcast %get3A_543 : vector<16xi32> to vector<32xbf16>
        %get3A_545 = arith.index_cast %add3A_540 : i32 to index
        %get3A_546 = arith.constant 0 : index
        %get3A_547 = tpu.vector_load %arg12[%get3A_545, %get3A_546] {strides = array<i32>} : memref<128x64xi32, #tpu.memory_space<vmem>>, vector<16xi32>,
        %bitcast3A_548 = vector.bitcast %get3A_547 : vector<16xi32> to vector<32xbf16>
        %mul3A_549 = arith.mulf %bitcast3A_544, %bitcast3A_548 : vector<32xbf16>
        %get3A_550 = arith.index_cast %add3A_540 : i32 to index
        %get3A_551 = arith.constant 16 : index
        %get3A_552 = tpu.vector_load %arg11[%get3A_550, %get3A_551] {strides = array<i32>} : memref<128x64xi32, #tpu.memory_space<vmem>>, vector<16xi32>,
        %bitcast3A_553 = vector.bitcast %get3A_552 : vector<16xi32> to vector<32xbf16>
        %get3A_554 = arith.index_cast %add3A_540 : i32 to index
        %get3A_555 = arith.constant 16 : index
        %get3A_556 = tpu.vector_load %arg12[%get3A_554, %get3A_555] {strides = array<i32>} : memref<128x64xi32, #tpu.memory_space<vmem>>, vector<16xi32>,
        %bitcast3A_557 = vector.bitcast %get3A_556 : vector<16xi32> to vector<32xbf16>
        %mul3A_558 = arith.mulf %bitcast3A_553, %bitcast3A_557 : vector<32xbf16>
        %add3A_559 = arith.addf %mul3A_549, %mul3A_558 : vector<32xbf16>
        %get3A_560 = arith.index_cast %add3A_540 : i32 to index
        %get3A_561 = arith.constant 32 : index
        %get3A_562 = tpu.vector_load %arg11[%get3A_560, %get3A_561] {strides = array<i32>} : memref<128x64xi32, #tpu.memory_space<vmem>>, vector<16xi32>,
        %bitcast3A_563 = vector.bitcast %get3A_562 : vector<16xi32> to vector<32xbf16>
        %get3A_564 = arith.index_cast %add3A_540 : i32 to index
        %get3A_565 = arith.constant 32 : index
        %get3A_566 = tpu.vector_load %arg12[%get3A_564, %get3A_565] {strides = array<i32>} : memref<128x64xi32, #tpu.memory_space<vmem>>, vector<16xi32>,
        %bitcast3A_567 = vector.bitcast %get3A_566 : vector<16xi32> to vector<32xbf16>
        %mul3A_568 = arith.mulf %bitcast3A_563, %bitcast3A_567 : vector<32xbf16>
        %get3A_569 = arith.index_cast %add3A_540 : i32 to index
        %get3A_570 = arith.constant 48 : index
        %get3A_571 = tpu.vector_load %arg11[%get3A_569, %get3A_570] {strides = array<i32>} : memref<128x64xi32, #tpu.memory_space<vmem>>, vector<16xi32>,
        %bitcast3A_572 = vector.bitcast %get3A_571 : vector<16xi32> to vector<32xbf16>
        %get3A_573 = arith.index_cast %add3A_540 : i32 to index
        %get3A_574 = arith.constant 48 : index
        %get3A_575 = tpu.vector_load %arg12[%get3A_573, %get3A_574] {strides = array<i32>} : memref<128x64xi32, #tpu.memory_space<vmem>>, vector<16xi32>,
        %bitcast3A_576 = vector.bitcast %get3A_575 : vector<16xi32> to vector<32xbf16>
        %mul3A_577 = arith.mulf %bitcast3A_572, %bitcast3A_576 : vector<32xbf16>
        %add3A_578 = arith.addf %mul3A_568, %mul3A_577 : vector<32xbf16>
        %add3A_579 = arith.addf %add3A_559, %add3A_578 : vector<32xbf16>
        %unpack3A_580 = tpu.unpack_subelements %add3A_579, 0 {pack_format = #tpu.pack_format<interleaved>} : vector<32xbf16> -> vector<16xf32>
        %unpack3A_581 = tpu.unpack_subelements %add3A_579, 1 {pack_format = #tpu.pack_format<interleaved>} : vector<32xbf16> -> vector<16xf32>
        %add3A_582 = arith.addf %unpack3A_580, %unpack3A_581 : vector<16xf32>
        %swap3A_583 = arith.constant 160 : index
        %swap3A_584 = tpu.vector_load %arg13[%swap3A_583] {strides = array<i32>} : memref<256xf32, #tpu.memory_space<vmem>>, vector<16xf32>,
        tpu.vector_store %arg13[%swap3A_583], %add3A_582 {strides = array<i32>} : memref<256xf32, #tpu.memory_space<vmem>>, vector<16xf32>,
        %add3A_585 = arith.constant 11 : i32
        %add3A_586 = arith.addi %mul3A_82, %add3A_585 : i32
        %get3A_587 = arith.index_cast %add3A_586 : i32 to index
        %get3A_588 = arith.constant 0 : index
        %get3A_589 = tpu.vector_load %arg11[%get3A_587, %get3A_588] {strides = array<i32>} : memref<128x64xi32, #tpu.memory_space<vmem>>, vector<16xi32>,
        %bitcast3A_590 = vector.bitcast %get3A_589 : vector<16xi32> to vector<32xbf16>
        %get3A_591 = arith.index_cast %add3A_586 : i32 to index
        %get3A_592 = arith.constant 0 : index
        %get3A_593 = tpu.vector_load %arg12[%get3A_591, %get3A_592] {strides = array<i32>} : memref<128x64xi32, #tpu.memory_space<vmem>>, vector<16xi32>,
        %bitcast3A_594 = vector.bitcast %get3A_593 : vector<16xi32> to vector<32xbf16>
        %mul3A_595 = arith.mulf %bitcast3A_590, %bitcast3A_594 : vector<32xbf16>
        %get3A_596 = arith.index_cast %add3A_586 : i32 to index
        %get3A_597 = arith.constant 16 : index
        %get3A_598 = tpu.vector_load %arg11[%get3A_596, %get3A_597] {strides = array<i32>} : memref<128x64xi32, #tpu.memory_space<vmem>>, vector<16xi32>,
        %bitcast3A_599 = vector.bitcast %get3A_598 : vector<16xi32> to vector<32xbf16>
        %get3A_600 = arith.index_cast %add3A_586 : i32 to index
        %get3A_601 = arith.constant 16 : index
        %get3A_602 = tpu.vector_load %arg12[%get3A_600, %get3A_601] {strides = array<i32>} : memref<128x64xi32, #tpu.memory_space<vmem>>, vector<16xi32>,
        %bitcast3A_603 = vector.bitcast %get3A_602 : vector<16xi32> to vector<32xbf16>
        %mul3A_604 = arith.mulf %bitcast3A_599, %bitcast3A_603 : vector<32xbf16>
        %add3A_605 = arith.addf %mul3A_595, %mul3A_604 : vector<32xbf16>
        %get3A_606 = arith.index_cast %add3A_586 : i32 to index
        %get3A_607 = arith.constant 32 : index
        %get3A_608 = tpu.vector_load %arg11[%get3A_606, %get3A_607] {strides = array<i32>} : memref<128x64xi32, #tpu.memory_space<vmem>>, vector<16xi32>,
        %bitcast3A_609 = vector.bitcast %get3A_608 : vector<16xi32> to vector<32xbf16>
        %get3A_610 = arith.index_cast %add3A_586 : i32 to index
        %get3A_611 = arith.constant 32 : index
        %get3A_612 = tpu.vector_load %arg12[%get3A_610, %get3A_611] {strides = array<i32>} : memref<128x64xi32, #tpu.memory_space<vmem>>, vector<16xi32>,
        %bitcast3A_613 = vector.bitcast %get3A_612 : vector<16xi32> to vector<32xbf16>
        %mul3A_614 = arith.mulf %bitcast3A_609, %bitcast3A_613 : vector<32xbf16>
        %get3A_615 = arith.index_cast %add3A_586 : i32 to index
        %get3A_616 = arith.constant 48 : index
        %get3A_617 = tpu.vector_load %arg11[%get3A_615, %get3A_616] {strides = array<i32>} : memref<128x64xi32, #tpu.memory_space<vmem>>, vector<16xi32>,
        %bitcast3A_618 = vector.bitcast %get3A_617 : vector<16xi32> to vector<32xbf16>
        %get3A_619 = arith.index_cast %add3A_586 : i32 to index
        %get3A_620 = arith.constant 48 : index
        %get3A_621 = tpu.vector_load %arg12[%get3A_619, %get3A_620] {strides = array<i32>} : memref<128x64xi32, #tpu.memory_space<vmem>>, vector<16xi32>,
        %bitcast3A_622 = vector.bitcast %get3A_621 : vector<16xi32> to vector<32xbf16>
        %mul3A_623 = arith.mulf %bitcast3A_618, %bitcast3A_622 : vector<32xbf16>
        %add3A_624 = arith.addf %mul3A_614, %mul3A_623 : vector<32xbf16>
        %add3A_625 = arith.addf %add3A_605, %add3A_624 : vector<32xbf16>
        %unpack3A_626 = tpu.unpack_subelements %add3A_625, 0 {pack_format = #tpu.pack_format<interleaved>} : vector<32xbf16> -> vector<16xf32>
        %unpack3A_627 = tpu.unpack_subelements %add3A_625, 1 {pack_format = #tpu.pack_format<interleaved>} : vector<32xbf16> -> vector<16xf32>
        %add3A_628 = arith.addf %unpack3A_626, %unpack3A_627 : vector<16xf32>
        %swap3A_629 = arith.constant 176 : index
        %swap3A_630 = tpu.vector_load %arg13[%swap3A_629] {strides = array<i32>} : memref<256xf32, #tpu.memory_space<vmem>>, vector<16xf32>,
        tpu.vector_store %arg13[%swap3A_629], %add3A_628 {strides = array<i32>} : memref<256xf32, #tpu.memory_space<vmem>>, vector<16xf32>,
        %add3A_631 = arith.constant 12 : i32
        %add3A_632 = arith.addi %mul3A_82, %add3A_631 : i32
        %get3A_633 = arith.index_cast %add3A_632 : i32 to index
        %get3A_634 = arith.constant 0 : index
        %get3A_635 = tpu.vector_load %arg11[%get3A_633, %get3A_634] {strides = array<i32>} : memref<128x64xi32, #tpu.memory_space<vmem>>, vector<16xi32>,
        %bitcast3A_636 = vector.bitcast %get3A_635 : vector<16xi32> to vector<32xbf16>
        %get3A_637 = arith.index_cast %add3A_632 : i32 to index
        %get3A_638 = arith.constant 0 : index
        %get3A_639 = tpu.vector_load %arg12[%get3A_637, %get3A_638] {strides = array<i32>} : memref<128x64xi32, #tpu.memory_space<vmem>>, vector<16xi32>,
        %bitcast3A_640 = vector.bitcast %get3A_639 : vector<16xi32> to vector<32xbf16>
        %mul3A_641 = arith.mulf %bitcast3A_636, %bitcast3A_640 : vector<32xbf16>
        %get3A_642 = arith.index_cast %add3A_632 : i32 to index
        %get3A_643 = arith.constant 16 : index
        %get3A_644 = tpu.vector_load %arg11[%get3A_642, %get3A_643] {strides = array<i32>} : memref<128x64xi32, #tpu.memory_space<vmem>>, vector<16xi32>,
        %bitcast3A_645 = vector.bitcast %get3A_644 : vector<16xi32> to vector<32xbf16>
        %get3A_646 = arith.index_cast %add3A_632 : i32 to index
        %get3A_647 = arith.constant 16 : index
        %get3A_648 = tpu.vector_load %arg12[%get3A_646, %get3A_647] {strides = array<i32>} : memref<128x64xi32, #tpu.memory_space<vmem>>, vector<16xi32>,
        %bitcast3A_649 = vector.bitcast %get3A_648 : vector<16xi32> to vector<32xbf16>
        %mul3A_650 = arith.mulf %bitcast3A_645, %bitcast3A_649 : vector<32xbf16>
        %add3A_651 = arith.addf %mul3A_641, %mul3A_650 : vector<32xbf16>
        %get3A_652 = arith.index_cast %add3A_632 : i32 to index
        %get3A_653 = arith.constant 32 : index
        %get3A_654 = tpu.vector_load %arg11[%get3A_652, %get3A_653] {strides = array<i32>} : memref<128x64xi32, #tpu.memory_space<vmem>>, vector<16xi32>,
        %bitcast3A_655 = vector.bitcast %get3A_654 : vector<16xi32> to vector<32xbf16>
        %get3A_656 = arith.index_cast %add3A_632 : i32 to index
        %get3A_657 = arith.constant 32 : index
        %get3A_658 = tpu.vector_load %arg12[%get3A_656, %get3A_657] {strides = array<i32>} : memref<128x64xi32, #tpu.memory_space<vmem>>, vector<16xi32>,
        %bitcast3A_659 = vector.bitcast %get3A_658 : vector<16xi32> to vector<32xbf16>
        %mul3A_660 = arith.mulf %bitcast3A_655, %bitcast3A_659 : vector<32xbf16>
        %get3A_661 = arith.index_cast %add3A_632 : i32 to index
        %get3A_662 = arith.constant 48 : index
        %get3A_663 = tpu.vector_load %arg11[%get3A_661, %get3A_662] {strides = array<i32>} : memref<128x64xi32, #tpu.memory_space<vmem>>, vector<16xi32>,
        %bitcast3A_664 = vector.bitcast %get3A_663 : vector<16xi32> to vector<32xbf16>
        %get3A_665 = arith.index_cast %add3A_632 : i32 to index
        %get3A_666 = arith.constant 48 : index
        %get3A_667 = tpu.vector_load %arg12[%get3A_665, %get3A_666] {strides = array<i32>} : memref<128x64xi32, #tpu.memory_space<vmem>>, vector<16xi32>,
        %bitcast3A_668 = vector.bitcast %get3A_667 : vector<16xi32> to vector<32xbf16>
        %mul3A_669 = arith.mulf %bitcast3A_664, %bitcast3A_668 : vector<32xbf16>
        %add3A_670 = arith.addf %mul3A_660, %mul3A_669 : vector<32xbf16>
        %add3A_671 = arith.addf %add3A_651, %add3A_670 : vector<32xbf16>
        %unpack3A_672 = tpu.unpack_subelements %add3A_671, 0 {pack_format = #tpu.pack_format<interleaved>} : vector<32xbf16> -> vector<16xf32>
        %unpack3A_673 = tpu.unpack_subelements %add3A_671, 1 {pack_format = #tpu.pack_format<interleaved>} : vector<32xbf16> -> vector<16xf32>
        %add3A_674 = arith.addf %unpack3A_672, %unpack3A_673 : vector<16xf32>
        %swap3A_675 = arith.constant 192 : index
        %swap3A_676 = tpu.vector_load %arg13[%swap3A_675] {strides = array<i32>} : memref<256xf32, #tpu.memory_space<vmem>>, vector<16xf32>,
        tpu.vector_store %arg13[%swap3A_675], %add3A_674 {strides = array<i32>} : memref<256xf32, #tpu.memory_space<vmem>>, vector<16xf32>,
        %add3A_677 = arith.constant 13 : i32
        %add3A_678 = arith.addi %mul3A_82, %add3A_677 : i32
        %get3A_679 = arith.index_cast %add3A_678 : i32 to index
        %get3A_680 = arith.constant 0 : index
        %get3A_681 = tpu.vector_load %arg11[%get3A_679, %get3A_680] {strides = array<i32>} : memref<128x64xi32, #tpu.memory_space<vmem>>, vector<16xi32>,
        %bitcast3A_682 = vector.bitcast %get3A_681 : vector<16xi32> to vector<32xbf16>
        %get3A_683 = arith.index_cast %add3A_678 : i32 to index
        %get3A_684 = arith.constant 0 : index
        %get3A_685 = tpu.vector_load %arg12[%get3A_683, %get3A_684] {strides = array<i32>} : memref<128x64xi32, #tpu.memory_space<vmem>>, vector<16xi32>,
        %bitcast3A_686 = vector.bitcast %get3A_685 : vector<16xi32> to vector<32xbf16>
        %mul3A_687 = arith.mulf %bitcast3A_682, %bitcast3A_686 : vector<32xbf16>
        %get3A_688 = arith.index_cast %add3A_678 : i32 to index
        %get3A_689 = arith.constant 16 : index
        %get3A_690 = tpu.vector_load %arg11[%get3A_688, %get3A_689] {strides = array<i32>} : memref<128x64xi32, #tpu.memory_space<vmem>>, vector<16xi32>,
        %bitcast3A_691 = vector.bitcast %get3A_690 : vector<16xi32> to vector<32xbf16>
        %get3A_692 = arith.index_cast %add3A_678 : i32 to index
        %get3A_693 = arith.constant 16 : index
        %get3A_694 = tpu.vector_load %arg12[%get3A_692, %get3A_693] {strides = array<i32>} : memref<128x64xi32, #tpu.memory_space<vmem>>, vector<16xi32>,
        %bitcast3A_695 = vector.bitcast %get3A_694 : vector<16xi32> to vector<32xbf16>
        %mul3A_696 = arith.mulf %bitcast3A_691, %bitcast3A_695 : vector<32xbf16>
        %add3A_697 = arith.addf %mul3A_687, %mul3A_696 : vector<32xbf16>
        %get3A_698 = arith.index_cast %add3A_678 : i32 to index
        %get3A_699 = arith.constant 32 : index
        %get3A_700 = tpu.vector_load %arg11[%get3A_698, %get3A_699] {strides = array<i32>} : memref<128x64xi32, #tpu.memory_space<vmem>>, vector<16xi32>,
        %bitcast3A_701 = vector.bitcast %get3A_700 : vector<16xi32> to vector<32xbf16>
        %get3A_702 = arith.index_cast %add3A_678 : i32 to index
        %get3A_703 = arith.constant 32 : index
        %get3A_704 = tpu.vector_load %arg12[%get3A_702, %get3A_703] {strides = array<i32>} : memref<128x64xi32, #tpu.memory_space<vmem>>, vector<16xi32>,
        %bitcast3A_705 = vector.bitcast %get3A_704 : vector<16xi32> to vector<32xbf16>
        %mul3A_706 = arith.mulf %bitcast3A_701, %bitcast3A_705 : vector<32xbf16>
        %get3A_707 = arith.index_cast %add3A_678 : i32 to index
        %get3A_708 = arith.constant 48 : index
        %get3A_709 = tpu.vector_load %arg11[%get3A_707, %get3A_708] {strides = array<i32>} : memref<128x64xi32, #tpu.memory_space<vmem>>, vector<16xi32>,
        %bitcast3A_710 = vector.bitcast %get3A_709 : vector<16xi32> to vector<32xbf16>
        %get3A_711 = arith.index_cast %add3A_678 : i32 to index
        %get3A_712 = arith.constant 48 : index
        %get3A_713 = tpu.vector_load %arg12[%get3A_711, %get3A_712] {strides = array<i32>} : memref<128x64xi32, #tpu.memory_space<vmem>>, vector<16xi32>,
        %bitcast3A_714 = vector.bitcast %get3A_713 : vector<16xi32> to vector<32xbf16>
        %mul3A_715 = arith.mulf %bitcast3A_710, %bitcast3A_714 : vector<32xbf16>
        %add3A_716 = arith.addf %mul3A_706, %mul3A_715 : vector<32xbf16>
        %add3A_717 = arith.addf %add3A_697, %add3A_716 : vector<32xbf16>
        %unpack3A_718 = tpu.unpack_subelements %add3A_717, 0 {pack_format = #tpu.pack_format<interleaved>} : vector<32xbf16> -> vector<16xf32>
        %unpack3A_719 = tpu.unpack_subelements %add3A_717, 1 {pack_format = #tpu.pack_format<interleaved>} : vector<32xbf16> -> vector<16xf32>
        %add3A_720 = arith.addf %unpack3A_718, %unpack3A_719 : vector<16xf32>
        %swap3A_721 = arith.constant 208 : index
        %swap3A_722 = tpu.vector_load %arg13[%swap3A_721] {strides = array<i32>} : memref<256xf32, #tpu.memory_space<vmem>>, vector<16xf32>,
        tpu.vector_store %arg13[%swap3A_721], %add3A_720 {strides = array<i32>} : memref<256xf32, #tpu.memory_space<vmem>>, vector<16xf32>,
        %add3A_723 = arith.constant 14 : i32
        %add3A_724 = arith.addi %mul3A_82, %add3A_723 : i32
        %get3A_725 = arith.index_cast %add3A_724 : i32 to index
        %get3A_726 = arith.constant 0 : index
        %get3A_727 = tpu.vector_load %arg11[%get3A_725, %get3A_726] {strides = array<i32>} : memref<128x64xi32, #tpu.memory_space<vmem>>, vector<16xi32>,
        %bitcast3A_728 = vector.bitcast %get3A_727 : vector<16xi32> to vector<32xbf16>
        %get3A_729 = arith.index_cast %add3A_724 : i32 to index
        %get3A_730 = arith.constant 0 : index
        %get3A_731 = tpu.vector_load %arg12[%get3A_729, %get3A_730] {strides = array<i32>} : memref<128x64xi32, #tpu.memory_space<vmem>>, vector<16xi32>,
        %bitcast3A_732 = vector.bitcast %get3A_731 : vector<16xi32> to vector<32xbf16>
        %mul3A_733 = arith.mulf %bitcast3A_728, %bitcast3A_732 : vector<32xbf16>
        %get3A_734 = arith.index_cast %add3A_724 : i32 to index
        %get3A_735 = arith.constant 16 : index
        %get3A_736 = tpu.vector_load %arg11[%get3A_734, %get3A_735] {strides = array<i32>} : memref<128x64xi32, #tpu.memory_space<vmem>>, vector<16xi32>,
        %bitcast3A_737 = vector.bitcast %get3A_736 : vector<16xi32> to vector<32xbf16>
        %get3A_738 = arith.index_cast %add3A_724 : i32 to index
        %get3A_739 = arith.constant 16 : index
        %get3A_740 = tpu.vector_load %arg12[%get3A_738, %get3A_739] {strides = array<i32>} : memref<128x64xi32, #tpu.memory_space<vmem>>, vector<16xi32>,
        %bitcast3A_741 = vector.bitcast %get3A_740 : vector<16xi32> to vector<32xbf16>
        %mul3A_742 = arith.mulf %bitcast3A_737, %bitcast3A_741 : vector<32xbf16>
        %add3A_743 = arith.addf %mul3A_733, %mul3A_742 : vector<32xbf16>
        %get3A_744 = arith.index_cast %add3A_724 : i32 to index
        %get3A_745 = arith.constant 32 : index
        %get3A_746 = tpu.vector_load %arg11[%get3A_744, %get3A_745] {strides = array<i32>} : memref<128x64xi32, #tpu.memory_space<vmem>>, vector<16xi32>,
        %bitcast3A_747 = vector.bitcast %get3A_746 : vector<16xi32> to vector<32xbf16>
        %get3A_748 = arith.index_cast %add3A_724 : i32 to index
        %get3A_749 = arith.constant 32 : index
        %get3A_750 = tpu.vector_load %arg12[%get3A_748, %get3A_749] {strides = array<i32>} : memref<128x64xi32, #tpu.memory_space<vmem>>, vector<16xi32>,
        %bitcast3A_751 = vector.bitcast %get3A_750 : vector<16xi32> to vector<32xbf16>
        %mul3A_752 = arith.mulf %bitcast3A_747, %bitcast3A_751 : vector<32xbf16>
        %get3A_753 = arith.index_cast %add3A_724 : i32 to index
        %get3A_754 = arith.constant 48 : index
        %get3A_755 = tpu.vector_load %arg11[%get3A_753, %get3A_754] {strides = array<i32>} : memref<128x64xi32, #tpu.memory_space<vmem>>, vector<16xi32>,
        %bitcast3A_756 = vector.bitcast %get3A_755 : vector<16xi32> to vector<32xbf16>
        %get3A_757 = arith.index_cast %add3A_724 : i32 to index
        %get3A_758 = arith.constant 48 : index
        %get3A_759 = tpu.vector_load %arg12[%get3A_757, %get3A_758] {strides = array<i32>} : memref<128x64xi32, #tpu.memory_space<vmem>>, vector<16xi32>,
        %bitcast3A_760 = vector.bitcast %get3A_759 : vector<16xi32> to vector<32xbf16>
        %mul3A_761 = arith.mulf %bitcast3A_756, %bitcast3A_760 : vector<32xbf16>
        %add3A_762 = arith.addf %mul3A_752, %mul3A_761 : vector<32xbf16>
        %add3A_763 = arith.addf %add3A_743, %add3A_762 : vector<32xbf16>
        %unpack3A_764 = tpu.unpack_subelements %add3A_763, 0 {pack_format = #tpu.pack_format<interleaved>} : vector<32xbf16> -> vector<16xf32>
        %unpack3A_765 = tpu.unpack_subelements %add3A_763, 1 {pack_format = #tpu.pack_format<interleaved>} : vector<32xbf16> -> vector<16xf32>
        %add3A_766 = arith.addf %unpack3A_764, %unpack3A_765 : vector<16xf32>
        %swap3A_767 = arith.constant 224 : index
        %swap3A_768 = tpu.vector_load %arg13[%swap3A_767] {strides = array<i32>} : memref<256xf32, #tpu.memory_space<vmem>>, vector<16xf32>,
        tpu.vector_store %arg13[%swap3A_767], %add3A_766 {strides = array<i32>} : memref<256xf32, #tpu.memory_space<vmem>>, vector<16xf32>,
        %add3A_769 = arith.constant 15 : i32
        %add3A_770 = arith.addi %mul3A_82, %add3A_769 : i32
        %get3A_771 = arith.index_cast %add3A_770 : i32 to index
        %get3A_772 = arith.constant 0 : index
        %get3A_773 = tpu.vector_load %arg11[%get3A_771, %get3A_772] {strides = array<i32>} : memref<128x64xi32, #tpu.memory_space<vmem>>, vector<16xi32>,
        %bitcast3A_774 = vector.bitcast %get3A_773 : vector<16xi32> to vector<32xbf16>
        %get3A_775 = arith.index_cast %add3A_770 : i32 to index
        %get3A_776 = arith.constant 0 : index
        %get3A_777 = tpu.vector_load %arg12[%get3A_775, %get3A_776] {strides = array<i32>} : memref<128x64xi32, #tpu.memory_space<vmem>>, vector<16xi32>,
        %bitcast3A_778 = vector.bitcast %get3A_777 : vector<16xi32> to vector<32xbf16>
        %mul3A_779 = arith.mulf %bitcast3A_774, %bitcast3A_778 : vector<32xbf16>
        %get3A_780 = arith.index_cast %add3A_770 : i32 to index
        %get3A_781 = arith.constant 16 : index
        %get3A_782 = tpu.vector_load %arg11[%get3A_780, %get3A_781] {strides = array<i32>} : memref<128x64xi32, #tpu.memory_space<vmem>>, vector<16xi32>,
        %bitcast3A_783 = vector.bitcast %get3A_782 : vector<16xi32> to vector<32xbf16>
        %get3A_784 = arith.index_cast %add3A_770 : i32 to index
        %get3A_785 = arith.constant 16 : index
        %get3A_786 = tpu.vector_load %arg12[%get3A_784, %get3A_785] {strides = array<i32>} : memref<128x64xi32, #tpu.memory_space<vmem>>, vector<16xi32>,
        %bitcast3A_787 = vector.bitcast %get3A_786 : vector<16xi32> to vector<32xbf16>
        %mul3A_788 = arith.mulf %bitcast3A_783, %bitcast3A_787 : vector<32xbf16>
        %add3A_789 = arith.addf %mul3A_779, %mul3A_788 : vector<32xbf16>
        %get3A_790 = arith.index_cast %add3A_770 : i32 to index
        %get3A_791 = arith.constant 32 : index
        %get3A_792 = tpu.vector_load %arg11[%get3A_790, %get3A_791] {strides = array<i32>} : memref<128x64xi32, #tpu.memory_space<vmem>>, vector<16xi32>,
        %bitcast3A_793 = vector.bitcast %get3A_792 : vector<16xi32> to vector<32xbf16>
        %get3A_794 = arith.index_cast %add3A_770 : i32 to index
        %get3A_795 = arith.constant 32 : index
        %get3A_796 = tpu.vector_load %arg12[%get3A_794, %get3A_795] {strides = array<i32>} : memref<128x64xi32, #tpu.memory_space<vmem>>, vector<16xi32>,
        %bitcast3A_797 = vector.bitcast %get3A_796 : vector<16xi32> to vector<32xbf16>
        %mul3A_798 = arith.mulf %bitcast3A_793, %bitcast3A_797 : vector<32xbf16>
        %get3A_799 = arith.index_cast %add3A_770 : i32 to index
        %get3A_800 = arith.constant 48 : index
        %get3A_801 = tpu.vector_load %arg11[%get3A_799, %get3A_800] {strides = array<i32>} : memref<128x64xi32, #tpu.memory_space<vmem>>, vector<16xi32>,
        %bitcast3A_802 = vector.bitcast %get3A_801 : vector<16xi32> to vector<32xbf16>
        %get3A_803 = arith.index_cast %add3A_770 : i32 to index
        %get3A_804 = arith.constant 48 : index
        %get3A_805 = tpu.vector_load %arg12[%get3A_803, %get3A_804] {strides = array<i32>} : memref<128x64xi32, #tpu.memory_space<vmem>>, vector<16xi32>,
        %bitcast3A_806 = vector.bitcast %get3A_805 : vector<16xi32> to vector<32xbf16>
        %mul3A_807 = arith.mulf %bitcast3A_802, %bitcast3A_806 : vector<32xbf16>
        %add3A_808 = arith.addf %mul3A_798, %mul3A_807 : vector<32xbf16>
        %add3A_809 = arith.addf %add3A_789, %add3A_808 : vector<32xbf16>
        %unpack3A_810 = tpu.unpack_subelements %add3A_809, 0 {pack_format = #tpu.pack_format<interleaved>} : vector<32xbf16> -> vector<16xf32>
        %unpack3A_811 = tpu.unpack_subelements %add3A_809, 1 {pack_format = #tpu.pack_format<interleaved>} : vector<32xbf16> -> vector<16xf32>
        %add3A_812 = arith.addf %unpack3A_810, %unpack3A_811 : vector<16xf32>
        %swap3A_813 = arith.constant 240 : index
        %swap3A_814 = tpu.vector_load %arg13[%swap3A_813] {strides = array<i32>} : memref<256xf32, #tpu.memory_space<vmem>>, vector<16xf32>,
        tpu.vector_store %arg13[%swap3A_813], %add3A_812 {strides = array<i32>} : memref<256xf32, #tpu.memory_space<vmem>>, vector<16xf32>,
        %add3A_815 = arith.constant 0 : i32
        %add3A_816 = vector.broadcast %add3A_815 : i32 to vector<16xi32>
        %add3A_817 = arith.addi %mul3A_5, %add3A_816 : vector<16xi32>
        %gather3A = tpu.vector_load_idx %arg13[%add3A_817] : memref<256xf32, #tpu.memory_space<vmem>>[vector<16xi32>], vector<16xf32>,
        %add3A_818 = arith.constant 1 : i32
        %add3A_819 = vector.broadcast %add3A_818 : i32 to vector<16xi32>
        %add3A_820 = arith.addi %mul3A_5, %add3A_819 : vector<16xi32>
        %gather3A_821 = tpu.vector_load_idx %arg13[%add3A_820] : memref<256xf32, #tpu.memory_space<vmem>>[vector<16xi32>], vector<16xf32>,
        %add3A_822 = arith.constant 2 : i32
        %add3A_823 = vector.broadcast %add3A_822 : i32 to vector<16xi32>
        %add3A_824 = arith.addi %mul3A_5, %add3A_823 : vector<16xi32>
        %gather3A_825 = tpu.vector_load_idx %arg13[%add3A_824] : memref<256xf32, #tpu.memory_space<vmem>>[vector<16xi32>], vector<16xf32>,
        %add3A_826 = arith.constant 3 : i32
        %add3A_827 = vector.broadcast %add3A_826 : i32 to vector<16xi32>
        %add3A_828 = arith.addi %mul3A_5, %add3A_827 : vector<16xi32>
        %gather3A_829 = tpu.vector_load_idx %arg13[%add3A_828] : memref<256xf32, #tpu.memory_space<vmem>>[vector<16xi32>], vector<16xf32>,
        %add3A_830 = arith.constant 4 : i32
        %add3A_831 = vector.broadcast %add3A_830 : i32 to vector<16xi32>
        %add3A_832 = arith.addi %mul3A_5, %add3A_831 : vector<16xi32>
        %gather3A_833 = tpu.vector_load_idx %arg13[%add3A_832] : memref<256xf32, #tpu.memory_space<vmem>>[vector<16xi32>], vector<16xf32>,
        %add3A_834 = arith.constant 5 : i32
        %add3A_835 = vector.broadcast %add3A_834 : i32 to vector<16xi32>
        %add3A_836 = arith.addi %mul3A_5, %add3A_835 : vector<16xi32>
        %gather3A_837 = tpu.vector_load_idx %arg13[%add3A_836] : memref<256xf32, #tpu.memory_space<vmem>>[vector<16xi32>], vector<16xf32>,
        %add3A_838 = arith.constant 6 : i32
        %add3A_839 = vector.broadcast %add3A_838 : i32 to vector<16xi32>
        %add3A_840 = arith.addi %mul3A_5, %add3A_839 : vector<16xi32>
        %gather3A_841 = tpu.vector_load_idx %arg13[%add3A_840] : memref<256xf32, #tpu.memory_space<vmem>>[vector<16xi32>], vector<16xf32>,
        %add3A_842 = arith.constant 7 : i32
        %add3A_843 = vector.broadcast %add3A_842 : i32 to vector<16xi32>
        %add3A_844 = arith.addi %mul3A_5, %add3A_843 : vector<16xi32>
        %gather3A_845 = tpu.vector_load_idx %arg13[%add3A_844] : memref<256xf32, #tpu.memory_space<vmem>>[vector<16xi32>], vector<16xf32>,
        %add3A_846 = arith.constant 8 : i32
        %add3A_847 = vector.broadcast %add3A_846 : i32 to vector<16xi32>
        %add3A_848 = arith.addi %mul3A_5, %add3A_847 : vector<16xi32>
        %gather3A_849 = tpu.vector_load_idx %arg13[%add3A_848] : memref<256xf32, #tpu.memory_space<vmem>>[vector<16xi32>], vector<16xf32>,
        %add3A_850 = arith.constant 9 : i32
        %add3A_851 = vector.broadcast %add3A_850 : i32 to vector<16xi32>
        %add3A_852 = arith.addi %mul3A_5, %add3A_851 : vector<16xi32>
        %gather3A_853 = tpu.vector_load_idx %arg13[%add3A_852] : memref<256xf32, #tpu.memory_space<vmem>>[vector<16xi32>], vector<16xf32>,
        %add3A_854 = arith.constant 10 : i32
        %add3A_855 = vector.broadcast %add3A_854 : i32 to vector<16xi32>
        %add3A_856 = arith.addi %mul3A_5, %add3A_855 : vector<16xi32>
        %gather3A_857 = tpu.vector_load_idx %arg13[%add3A_856] : memref<256xf32, #tpu.memory_space<vmem>>[vector<16xi32>], vector<16xf32>,
        %add3A_858 = arith.constant 11 : i32
        %add3A_859 = vector.broadcast %add3A_858 : i32 to vector<16xi32>
        %add3A_860 = arith.addi %mul3A_5, %add3A_859 : vector<16xi32>
        %gather3A_861 = tpu.vector_load_idx %arg13[%add3A_860] : memref<256xf32, #tpu.memory_space<vmem>>[vector<16xi32>], vector<16xf32>,
        %add3A_862 = arith.constant 12 : i32
        %add3A_863 = vector.broadcast %add3A_862 : i32 to vector<16xi32>
        %add3A_864 = arith.addi %mul3A_5, %add3A_863 : vector<16xi32>
        %gather3A_865 = tpu.vector_load_idx %arg13[%add3A_864] : memref<256xf32, #tpu.memory_space<vmem>>[vector<16xi32>], vector<16xf32>,
        %add3A_866 = arith.constant 13 : i32
        %add3A_867 = vector.broadcast %add3A_866 : i32 to vector<16xi32>
        %add3A_868 = arith.addi %mul3A_5, %add3A_867 : vector<16xi32>
        %gather3A_869 = tpu.vector_load_idx %arg13[%add3A_868] : memref<256xf32, #tpu.memory_space<vmem>>[vector<16xi32>], vector<16xf32>,
        %add3A_870 = arith.constant 14 : i32
        %add3A_871 = vector.broadcast %add3A_870 : i32 to vector<16xi32>
        %add3A_872 = arith.addi %mul3A_5, %add3A_871 : vector<16xi32>
        %gather3A_873 = tpu.vector_load_idx %arg13[%add3A_872] : memref<256xf32, #tpu.memory_space<vmem>>[vector<16xi32>], vector<16xf32>,
        %add3A_874 = arith.constant 15 : i32
        %add3A_875 = vector.broadcast %add3A_874 : i32 to vector<16xi32>
        %add3A_876 = arith.addi %mul3A_5, %add3A_875 : vector<16xi32>
        %gather3A_877 = tpu.vector_load_idx %arg13[%add3A_876] : memref<256xf32, #tpu.memory_space<vmem>>[vector<16xi32>], vector<16xf32>,
        %add3A_878 = arith.addf %gather3A, %gather3A_821 : vector<16xf32>
        %add3A_879 = arith.addf %gather3A_825, %gather3A_829 : vector<16xf32>
        %add3A_880 = arith.addf %gather3A_833, %gather3A_837 : vector<16xf32>
        %add3A_881 = arith.addf %gather3A_841, %gather3A_845 : vector<16xf32>
        %add3A_882 = arith.addf %gather3A_849, %gather3A_853 : vector<16xf32>
        %add3A_883 = arith.addf %gather3A_857, %gather3A_861 : vector<16xf32>
        %add3A_884 = arith.addf %gather3A_865, %gather3A_869 : vector<16xf32>
        %add3A_885 = arith.addf %gather3A_873, %gather3A_877 : vector<16xf32>
        %add3A_886 = arith.addf %add3A_878, %add3A_879 : vector<16xf32>
        %add3A_887 = arith.addf %add3A_880, %add3A_881 : vector<16xf32>
        %add3A_888 = arith.addf %add3A_882, %add3A_883 : vector<16xf32>
        %add3A_889 = arith.addf %add3A_884, %add3A_885 : vector<16xf32>
        %add3A_890 = arith.addf %add3A_886, %add3A_887 : vector<16xf32>
        %add3A_891 = arith.addf %add3A_888, %add3A_889 : vector<16xf32>
        %add3A_892 = arith.addf %add3A_890, %add3A_891 : vector<16xf32>
        %mul3A_893 = arith.constant 128 : i32
        %mul3A_894 = arith.muli %add3A_63, %mul3A_893 : i32
        %add3A_895 = arith.addi %mul3A_894, %mul3A_82 : i32
        %swap3A_896 = arith.index_cast %add3A_895 : i32 to index
        %swap3A_897 = tpu.vector_load %arg14[%swap3A_896] {strides = array<i32>} : memref<20224xf32, #tpu.memory_space<vmem>>, vector<16xf32>,
        tpu.vector_store %arg14[%swap3A_896], %add3A_892 {strides = array<i32>} : memref<20224xf32, #tpu.memory_space<vmem>>, vector<16xf32>,
      }
      %scan3A_68 = arith.constant 8 : i32
      %add3A_69 = arith.constant 3 : i32
      %add3A_70 = arith.addi %add3A_33, %add3A_69 : i32
      %lt3A_71 = arith.constant 158 : i32
      %lt3A_72 = arith.cmpi slt, %add3A_70, %lt3A_71 : i32
      %convert_element_type3A_73 = arith.extui %lt3A_72 : i1 to i32
      %cond3A_74 = arith.constant 0 : i32
      %cond3A_75 = arith.cmpi ne, %convert_element_type3A_73, %cond3A_74 : i32
      scf.if %cond3A_75 {
        %add3A_76 = arith.constant 3 : i32
        %add3A_77 = arith.addi %add3A_33, %add3A_76 : i32
        %mul3A_78 = arith.constant 128 : i32
        %mul3A_79 = arith.muli %add3A_77, %mul3A_78 : i32
        %dma_start3A_80 = tpu.memref_slice %arg7[%mul3A_79] : memref<20224xi32, #tpu.memory_space<vmem>> -> memref<128xi32, #tpu.memory_space<vmem>>
        %dma_start3A_81 = arith.constant 0 : i32
        %dma_start3A_82 = arith.constant 0 : i32
        %dma_start3A_83 = tpu.memref_slice %arg2[%dma_start3A_81, %dma_start3A_82] : memref<10000x64xi32, #tpu.memory_space<hbm>> -> memref<10000x64xi32, #tpu.memory_space<hbm>>
        tpu.enqueue_indirect_dma source(%dma_start3A_83 : memref<10000x64xi32, #tpu.memory_space<hbm>>) target(%arg11 : memref<128x64xi32, #tpu.memory_space<vmem>>) offsets(%dma_start3A_80 : memref<128xi32, #tpu.memory_space<vmem>>) semaphore(%arg16 : memref<!tpu.dma_semaphore, #tpu.memory_space<semaphore_mem>>)
        %mul3A_84 = arith.constant 128 : i32
        %mul3A_85 = arith.muli %add3A_77, %mul3A_84 : i32
        %dma_start3A_86 = tpu.memref_slice %arg8[%mul3A_85] : memref<20224xi32, #tpu.memory_space<vmem>> -> memref<128xi32, #tpu.memory_space<vmem>>
        %dma_start3A_87 = arith.constant 0 : i32
        %dma_start3A_88 = arith.constant 0 : i32
        %dma_start3A_89 = tpu.memref_slice %arg3[%dma_start3A_87, %dma_start3A_88] : memref<20000x64xi32, #tpu.memory_space<hbm>> -> memref<20000x64xi32, #tpu.memory_space<hbm>>
        tpu.enqueue_indirect_dma source(%dma_start3A_89 : memref<20000x64xi32, #tpu.memory_space<hbm>>) target(%arg12 : memref<128x64xi32, #tpu.memory_space<vmem>>) offsets(%dma_start3A_86 : memref<128xi32, #tpu.memory_space<vmem>>) semaphore(%arg16 : memref<!tpu.dma_semaphore, #tpu.memory_space<semaphore_mem>>)
      } else {
      }
    }
    %scan3A_28 = arith.constant 79 : i32
    "tpu.region"() ({
      %run_scoped3A = tpu.sem_alloc : memref<!tpu.dma_semaphore, #tpu.memory_space<semaphore_mem>>
      %dma_start3A_29 = tpu.memref_slice %arg6[%mul3A_2] : memref<647168xf32, #tpu.memory_space<hbm>> -> memref<20224xf32, #tpu.memory_space<hbm>>
      %dma_start3A_30 = tpu.memref_slice %arg6[%mul3A_2] : memref<647168xf32, #tpu.memory_space<hbm>> -> memref<20224xf32, #tpu.memory_space<hbm>>
      tpu.enqueue_dma source(%arg14 : memref<20224xf32, #tpu.memory_space<vmem>>) target(%dma_start3A_30 : memref<20224xf32, #tpu.memory_space<hbm>>) target_semaphore(%run_scoped3A : memref<!tpu.dma_semaphore, #tpu.memory_space<semaphore_mem>>)
      %dma_wait3A = tpu.memref_slice %arg6[%mul3A_2] : memref<647168xf32, #tpu.memory_space<hbm>> -> memref<20224xf32, #tpu.memory_space<hbm>>
      %dma_wait3A_31 = tpu.memref_slice %arg6[%mul3A_2] : memref<647168xf32, #tpu.memory_space<hbm>> -> memref<20224xf32, #tpu.memory_space<hbm>>
      tpu.wait_dma2 semaphore(%run_scoped3A : memref<!tpu.dma_semaphore, #tpu.memory_space<semaphore_mem>>) src(%arg14 : memref<20224xf32, #tpu.memory_space<vmem>>) dst(%dma_wait3A_31 : memref<20224xf32, #tpu.memory_space<hbm>>)
      tpu.yield
    }) : () -> ()
    return
  }
}

module attributes {stable_mosaic.version = 14 : i64} {
  func.func @body(%arg0: memref<632x1024xf32, #tpu.memory_space<vmem>>, %arg1: memref<1x1xf32, #tpu.memory_space<vmem>>) attributes {dimension_semantics = [], scalar_prefetch = 0 : i64, scratch_operands = 0 : i64, tpu.core_type = #tpu.core_type<tc>} {
    %get3A = arith.constant 0 : index
    %get3A_0 = arith.constant 0 : index
    %get3A_1 = vector.load %arg0[%get3A, %get3A_0] : memref<632x1024xf32, #tpu.memory_space<vmem>>, vector<632x1024xf32>
    %iota3A = tpu.iota {dimensions = array<i32: 0>} : vector<632x1024xi32>
    %iota3A_2 = tpu.iota {dimensions = array<i32: 1>} : vector<632x1024xi32>
    %mul3A = arith.constant 1024 : i32
    %mul3A_3 = vector.broadcast %mul3A : i32 to vector<632x1024xi32>
    %mul3A_4 = arith.muli %iota3A, %mul3A_3 : vector<632x1024xi32>
    %add3A = arith.addi %mul3A_4, %iota3A_2 : vector<632x1024xi32>
    %lt3A = arith.constant 320000 : i32
    %lt3A_5 = vector.broadcast %lt3A : i32 to vector<632x1024xi32>
    %lt3A_6 = arith.cmpi slt, %add3A, %lt3A_5 : vector<632x1024xi32>
    %neg3A = arith.constant 0.000000e+00 : f32
    %neg3A_7 = vector.broadcast %neg3A : f32 to vector<632x1024xf32>
    %neg3A_8 = arith.subf %neg3A_7, %get3A_1 : vector<632x1024xf32>
    %select_n3A = arith.select %lt3A_6, %neg3A_8, %get3A_1 : vector<632x1024xi1>, vector<632x1024xf32>
    %max3A = arith.constant 0.000000e+00 : f32
    %max3A_9 = vector.broadcast %max3A : f32 to vector<632x1024xf32>
    %max3A_10 = arith.maximumf %select_n3A, %max3A_9 : vector<632x1024xf32>
    %abs3A = math.absf %select_n3A : vector<632x1024xf32>
    %neg3A_11 = arith.constant 0.000000e+00 : f32
    %neg3A_12 = vector.broadcast %neg3A_11 : f32 to vector<632x1024xf32>
    %neg3A_13 = arith.subf %neg3A_12, %abs3A : vector<632x1024xf32>
    %exp3A = math.exp %neg3A_13 : vector<632x1024xf32>
    %log1p3A = math.log1p %exp3A : vector<632x1024xf32>
    %add3A_14 = arith.addf %max3A_10, %log1p3A : vector<632x1024xf32>
    %lt3A_15 = arith.constant 640000 : i32
    %lt3A_16 = vector.broadcast %lt3A_15 : i32 to vector<632x1024xi32>
    %lt3A_17 = arith.cmpi slt, %add3A, %lt3A_16 : vector<632x1024xi32>
    %jit3A = arith.constant 0.000000e+00 : f32
    %broadcast_in_dim3A = vector.broadcast %jit3A : f32 to vector<632x1024xf32>
    %select_n3A_18 = arith.select %lt3A_17, %add3A_14, %broadcast_in_dim3A : vector<632x1024xi1>, vector<632x1024xf32>
    %reduce_sum3A = vector.shape_cast %select_n3A_18 : vector<632x1024xf32> to vector<1x632x1024xf32>
    %reduce_sum3A_19 = arith.constant dense<0.000000e+00> : vector<1xf32>
    %reduce_sum3A_20 = vector.multi_reduction <add>, %reduce_sum3A, %reduce_sum3A_19 [1, 2] : vector<1x632x1024xf32> to vector<1xf32>
    %reduce_sum3A_21 = vector.shape_cast %reduce_sum3A_20 : vector<1xf32> to vector<1x1x1xf32>
    %reduce_sum3A_22 = vector.extract %reduce_sum3A_21[0, 0, 0] : f32 from vector<1x1x1xf32>
    %div3A = arith.constant 6.400000e+05 : f32
    %div3A_23 = arith.divf %reduce_sum3A_22, %div3A : f32
    %reshape3A = vector.broadcast %div3A_23 : f32 to vector<1x1xf32>
    %swap3A = arith.constant 0 : index
    %swap3A_24 = arith.constant 0 : index
    %swap3A_25 = vector.load %arg1[%swap3A, %swap3A_24] : memref<1x1xf32, #tpu.memory_space<vmem>>, vector<1x1xf32>
    tpu.vector_store %arg1[%swap3A, %swap3A_24], %reshape3A {strides = array<i32>} : memref<1x1xf32, #tpu.memory_space<vmem>>, vector<1x1xf32>,
    return
  }
}

</mosaic_0001>

<sc_bundles>
// kernel: kernel.4.cloned.1.call-start
scs
__scs_entry_jumppad:
0x0: {  	(pc) =	sbr.rel $0x88, $3  }
0x1: {  	(tag) =	ssettag $0x0;
	lr =	simm.s32 $0x1  }
0x2: {  	[smem:$0x3F9C] =	sst lr;
	_ =	strace $0xD0000000  }
0x3: {  	_ = 	snop  }
0x4: {  	_ = 	snop  }
0x5: {  	_ = 	snop  }
0x6: {  	_ = 	snop  }
0x7: {  	_ = 	snop  }
__scs_overlays_trampoline_lowered:
0x8: {  	[smem:$0x3FAB] =	sst s0  }
0x9: {  	[smem:$0x3FAC] =	sst s1  }
0xa: {  	[smem:$0x3FAD] =	sst s2  }
0xb: {  	[smem:$0x3FAE] =	sst s3  }
0xc: {  	[smem:$0x3FAF] =	sst s4  }
0xd: {  	[smem:$0x3FB0] =	sst s5  }
0xe: {  	[smem:$0x3FB1] =	sst s6  }
0xf: {  	[smem:$0x3FB2] =	sst s7  }
0x10: {  	[smem:$0x3FB3] =	sst s8  }
0x11: {  	[smem:$0x3FB4] =	sst s9;
	s0 =	simm.s32 @!p0 $0x0  }
0x12: {  	s1 =	sld [smem:$0x3F9A];
	s0 =	simm.s32 @p0 $0x1  }
0x13: {  	[smem:$0x3FB5] =	sst s0;
	s0 =	simm.s32 @!p1 $0x0  }
0x14: {  	s2 =	sld [smem:$0x3F99];
	s0 =	simm.s32 @p1 $0x1  }
0x15: {  	[smem:$0x3FB6] =	sst s0;
	s0 =	simm.s32 @!p2 $0x0  }
0x16: {  	s3 =	sld [smem:$0x3FDB];
	s0 =	simm.s32 @p2 $0x1  }
0x17: {  	s4 =	simm.s32 $0x1BF5;
	[smem:$0x3FB8] =	sst s0  }
0x18: {  	s0 =	sld [smem:$0x3F9B];
	_ =	swait.ge [sflag:s4], $0x0  }
0x19: {  	s7 =	sld [smem:$0x3F9C]  }
0x1a: {  	s8 =	sadd.s32 $0xFFFFE003, lr  }
0x1b: {  	s9 =	sadd.s32 $0xFFFFFEF7, lr;
	s5 =	simm.s32 $0xFFFFFFFF;
	p2 =	slt.u32 s8, $0xFFFFF086  }
0x1c: {  	p1 =	slt.u32 s9, $0xF7A;
	s5 =	simm.s32 @!p2 $0x0  }
0x1d: {  	s5 =	simm.s32 @p1 $0x1;
	p0 =	seq.s32 s7, s2  }
0x1e: {  	s7 =	smul.u32 @!p0 $0xF7A, s2;
	p2 =	seq.s32 @!p0 s5, $0x0  }
0x1f: {  	s9 =	smul.u32 $0xF7A, s1;
	s8 =	simm.s32 @!p0 $0x1BF5;
	p2 =	por !p2, p0  }
0x20: {  	[sflag:s8] =	ssyncset.s32 @!p0 $0xFFFFF086;
	s6 =	sadd.s32 @!p0 s3, s7;
	s7 =	simm.s32 @!p0 $0x108  }
0x21: {  	s3 =	sadd.s32 s3, s9;
	s6 =	sadd.s32 @!p0 $0x88, s6;
	s7 =	simm.s32 @p2 $0x1082  }
0x22: {  	[simem:s7], [sflag:s8] =	dma.local @!p0 [hbm:s6], $0xF7A  }
0x23: {  	s9 =	sor.u32 $0xD0000000, s2;
	s6 =	simm.s32 $0x108;
	_ =	swait.ge @!p0 [sflag:s8], $0x0  }
0x24: {  	s3 =	sadd.s32 $0x88, s3;
	s6 =	simm.s32 @!p1 $0x1082;
	[sflag:s4] =	ssyncset.s32 $0xFFFFF086  }
0x25: {  	[simem:s6], [sflag:s4] =	dma.local [hbm:s3], $0xF7A  }
0x26: {  	[smem:$0x3F9C] =	sst s1;
	(tag) =	ssettag s2;
	_ =	strace s9  }
0x27: {  	s1 =	sld [smem:$0x3FAC]  }
0x28: {  	s2 =	sld [smem:$0x3FAD]  }
0x29: {  	s4 =	sld [smem:$0x3FAF]  }
0x2a: {  	p0 =	seq.s32 s5, $0x0;
	s5 =	sld [smem:$0x3FB0]  }
0x2b: {  	s6 =	sld [smem:$0x3FB1]  }
0x2c: {  	s7 =	sld [smem:$0x3FB2]  }
0x2d: {  	s3 =	simm.s32 $0x108;
	s8 =	sld [smem:$0x3FB3]  }
0x2e: {  	s3 =	simm.s32 @!p0 $0x1082;
	s9 =	sld [smem:$0x3FB4]  }
0x2f: {  	lr =	sadd.s32 s0, s3;
	s0 =	sld [smem:$0x3FAB]  }
0x30: {  	s3 =	sld [smem:$0x3FAE]  }
0x31: {  	[smem:$0x3FB7] =	sst s10  }
0x32: {  	s10 =	sld [smem:$0x3FB5];
	_ =	sdelay $0x3  }
0x33: {  	p0 =	seq.s32 s10, $0x1;
	s10 =	sld [smem:$0x3FB7];
	_ =	sdelay $0x3  }
0x34: {  	[smem:$0x3FB7] =	sst s10  }
0x35: {  	s10 =	sld [smem:$0x3FB6];
	_ =	sdelay $0x3  }
0x36: {  	p1 =	seq.s32 s10, $0x1;
	s10 =	sld [smem:$0x3FB7];
	_ =	sdelay $0x3  }
0x37: {  	[smem:$0x3FB7] =	sst s10  }
0x38: {  	s10 =	sld [smem:$0x3FB8]  }
0x39: {  	_ = 	snop;
	(pc) =	sbr.ind lr, $3  }
0x3a: {  	_ = 	snop  }
0x3b: {  	_ = 	snop  }
0x3c: {  	p2 =	seq.s32 s10, $0x1;
	s10 =	sld [smem:$0x3FB7]  }
0x3d: {  	_ =	shalt  }
0x3e: {  	_ =	shalt  }
0x3f: {  	_ =	shalt  }
0x40: {  	_ =	shalt  }
0x41: {  	_ =	shalt  }
0x42: {  	_ =	shalt  }
0x43: {  	_ =	shalt  }
0x44: {  	_ =	shalt  }
0x45: {  	_ =	shalt  }
0x46: {  	_ =	shalt  }
0x47: {  	_ =	shalt  }
0x48: {  	_ =	shalt  }
0x49: {  	_ =	shalt  }
0x4a: {  	_ =	shalt  }
0x4b: {  	_ =	shalt  }
0x4c: {  	_ =	shalt  }
0x4d: {  	_ =	shalt  }
0x4e: {  	_ =	shalt  }
0x4f: {  	_ =	shalt  }
0x50: {  	_ =	shalt  }
0x51: {  	_ =	shalt  }
0x52: {  	_ =	shalt  }
0x53: {  	_ =	shalt  }
0x54: {  	_ =	shalt  }
0x55: {  	_ =	shalt  }
0x56: {  	_ =	shalt  }
0x57: {  	_ =	shalt  }
0x58: {  	_ =	shalt  }
0x59: {  	_ =	shalt  }
0x5a: {  	_ =	shalt  }
0x5b: {  	_ =	shalt  }
0x5c: {  	_ =	shalt  }
0x5d: {  	_ =	shalt  }
0x5e: {  	_ =	shalt  }
0x5f: {  	_ =	shalt  }
0x60: {  	_ =	shalt  }
0x61: {  	_ =	shalt  }
0x62: {  	_ =	shalt  }
0x63: {  	_ =	shalt  }
0x64: {  	_ =	shalt  }
0x65: {  	_ =	shalt  }
0x66: {  	_ =	shalt  }
0x67: {  	_ =	shalt  }
0x68: {  	_ =	shalt  }
0x69: {  	_ =	shalt  }
0x6a: {  	_ =	shalt  }
0x6b: {  	_ =	shalt  }
0x6c: {  	_ =	shalt  }
0x6d: {  	_ =	shalt  }
0x6e: {  	_ =	shalt  }
0x6f: {  	_ =	shalt  }
0x70: {  	_ =	shalt  }
0x71: {  	_ =	shalt  }
0x72: {  	_ =	shalt  }
0x73: {  	_ =	shalt  }
0x74: {  	_ =	shalt  }
0x75: {  	_ =	shalt  }
0x76: {  	_ =	shalt  }
0x77: {  	_ =	shalt  }
0x78: {  	_ =	shalt  }
0x79: {  	_ =	shalt  }
0x7a: {  	_ =	shalt  }
0x7b: {  	_ =	shalt  }
0x7c: {  	_ =	shalt  }
0x7d: {  	_ =	shalt  }
0x7e: {  	_ =	shalt  }
0x7f: {  	_ =	shalt  }
0x80: {  	_ =	shalt  }
0x81: {  	_ =	shalt  }
0x82: {  	_ =	shalt  }
0x83: {  	_ =	shalt  }
0x84: {  	_ =	shalt  }
0x85: {  	_ =	shalt  }
0x86: {  	_ =	shalt  }
0x87: {  	_ =	shalt  }
.Lfunc_end0:
.L_simem_size_0:
called_computation_lowered:
.L_overlay_start_0:
0x88: {  	s2 =	sld [smem:$0x3FD9]  }
0x89: {  	s3 =	sld [smem:$0x3FFE];
	_ =	sdelay $0x1  }
0x8a: {  	s1 =	srdreg.scid  }
0x8b: {  	s0 =	sand.u32 $0x1, s1  }
0x8c: {  	s16 =	sshll.u32 s0, $0xA;
	s2 =	sadd.s32 s3, s2  }
0x8d: {  	s2 =	sadd.s32 s2, s16  }
0x8e: {  	[smem:$0x3FC3] =	sst s2  }
0x8f: {  	_ = 	snop  }
0x90: {  	(tm) =	ssettm $0x1  }
0x91: {  	s17 =	sld [smem:$0x3FFB];
	_ =	sdelay $0x3  }
0x92: {  	_ =	strace s17  }
0x93: {  	s2 =	sld [smem:$0x3FFC];
	_ =	sdelay $0x3  }
0x94: {  	_ =	strace s2  }
0x95: {  	s2 =	sld [smem:$0x3FFD];
	_ =	sdelay $0x3  }
0x96: {  	_ =	strace s2  }
0x97: {  	_ =	strace $0x8FFFFFFF  }
0x98: {  	s18 =	sld [smem:$0x3FDB];
	_ =	sdelay $0x1  }
0x99: {  	s19 =	simm.s32 $_scs_section_size  }
0x9a: {  	s4 =	simm.s32 $_size__tile_overlayer_lowered;
	s5 =	simm.s32 $_tile_overlayer_lowered  }
0x9b: {  	s22 =	simm.s32 $0x1BFF;
	s21 =	sshll.u32 s5, $0x1;
	s2 =	sadd.s32 s19, s18  }
0x9c: {  	s6 =	simm.s32 $0x0;
	s20 =	sshll.u32 s4, $0x1;
	s4 =	sadd.s32 s21, s2  }
0x9d: {  	[timem:s6], [sflag:s22] =	dma.local [hbm:s4], s20  }
0x9e: {  	_ =	swait.ge [sflag:s22], s20  }
0x9f: {  	s3 =	ssub.s32 $0x0, s20;
	[sflag:s22] =	ssyncset.done $0x0  }
0xa0: {  	[sflag:s22] =	ssyncadd.s32 s3;
	_ =	sdelay $0x1  }
0xa1: {  	s23 =	simm.s32 $0x1B8B  }
0xa2: {  	_ =	swait.ge [sflag:s23], $0x1  }
0xa3: {  	[sflag:s23] =	ssyncset.done $0x0  }
0xa4: {  	s25 =	simm.s32 $0x1B8E;
	s24 =	sld [smem:$0x3FFE];
	[sflag:s23] =	ssyncadd.s32 $0xFFFFFFFF  }
0xa5: {  	s26 =	simm.s32 $execute0_lowered;
	[smem:$0x3FD2] =	sst s25  }
0xa6: {  	s4 =	sshll.u32 s26, $0x1;
	_ =	strace $0x80000046;
	[dreg:$0x1] =	wrdreg $0xFFFFFFFF  }
0xa7: {  	s28 =	simm.s32 $_size_execute0_lowered;
	s2 =	sadd.s32 s2, s4;
	[dreg:$0x0] =	wrdreg $0x0  }
0xa8: {  	s4 =	sshll.u32 s28, $0x1;
	[dreg:$0x2] =	wrdreg s2  }
0xa9: {  	[dreg:$0x3] =	wrdreg s4  }
0xaa: {  	[dreg:$0x4] =	wrdreg $0xC0  }
0xab: {  	_ =	task [dreg:s6], $0x5FFFF  }
0xac: {  	[dreg:$0x1] =	wrdreg $0xFFFFFFFF  }
0xad: {  	[dreg:$0x0] =	wrdreg $0x60  }
0xae: {  	[dreg:$0x2] =	wrdreg s24  }
0xaf: {  	[dreg:$0x3] =	wrdreg $0x9  }
0xb0: {  	_ =	task.clear_ibuf [dreg:s6], $0x4FFFF;
	_ =	strace $0x90000046  }
0xb1: {  	s29 =	simm.s32 $0x9;
	_ =	strace $0x80000048  }
0xb2: {  	_ =	swait.ge [sflag:s29], $0x1  }
0xb3: {  	[sflag:s29] =	ssyncadd.s32 $0xFFFFFFFF  }
0xb4: {  	_ =	strace $0x90000048  }
0xb5: {  	_ =	sfence  }
0xb6: {  	s30 =	sld [smem:$0x0];
	_ =	sdelay $0x2  }
0xb7: {  	s31 =	sshll.u32 s1, $0xD;
	s1 =	sshrl.u32 s1, $0x2  }
0xb8: {  	s3 =	sand.u32 $0x4000, s31;
	s1 =	sadd.s32 s1, s30  }
0xb9: {  	s0 =	sor.u32 s3, s0;
	s1 =	sshll.u32 s1, $0x11  }
0xba: {  	s0 =	sor.u32 s1, s0  }
0xbb: {  	s0 =	sadd.s32 $0x8F2B, s0  }
0xbc: {  	[sflag:s0] =	ssyncadd.remote.s32 $0x1  }
0xbd: {  	_ =	sfence.sel $0xFFFF  }
0xbe: {  	[dreg:$0x0] =	wrdreg $0xFFFFFFFF;
	(pc) =	sbr.abs _section_cstart, $3  }
0xbf: {  	[dreg:$0x1] =	wrdreg $0xFFFFFFFF  }
0xc0: {  	_ =	task.clear_ibuf [dreg:s6], $0x2FFFF;
	_ =	strace $0x9FFFFFFF  }
0xc1: {  	(tm) =	ssettm $0x7FFFFFFF  }
tec
execute0_lowered:
.L_overlay_start_1:
0x0: {  	(tag) =	ssettag $0x1  }
0x1: {  	s1 =	srdreg.scid  }
0x2: {  	s0 =	stileid.u32;
	s2 =	rddreg [dreg:$0x0];
	s3 =	simm.s32 $0x0  }
0x3: {  	s9 =	simm.s32 $0x3;
	s10 =	simm.s32 $0x4F00;
	s11 =	simm.s32 $0x80  }
0x4: {  	s12 =	simm.s32 $0x9E00;
	s13 =	simm.s32 $0xBE00;
	s14 =	simm.s32 $0xDE00  }
0x5: {  	v0 =	vlaneseq.u32;
	s15 =	simm.s32 $0x4F80;
	s16 =	simm.s32 $0xFE00;
	s17 =	simm.s32 $0x1  }
0x6: {  	s18 =	simm.s32 $0x11E00;
	s19 =	simm.s32 $0x2;
	s20 =	simm.s32 $0x11F00;
	v0 =	vmul.u32 $0x10, v0  }
0x7: {  	s21 =	simm.s32 $0x0;
	s4 =	sand.u32 $0x1, s1;
	s5 =	sshll.u32 s0, $0x1  }
.Ltmp0:
0x8: {  	s5 =	sor.u32 s4, s5;
	s6 =	ssub.s32 $0x2, s4;
	v1 =	vor.u32 $0x1, v0;
	v2 =	vor.u32 $0x2, v0;
	v3 =	vor.u32 $0x3, v0;
	(pc) =	sbr.rel .LBB2_1-.Ltmp0, $4  }
0x9: {  	[smem:$0x7FF] =	sst s3;
	s5 =	smul.u32 $0x9E0, s5;
	s31 =	sshrl.u32 s6, $0x1;
	v4 =	vor.u32 $0x4, v0;
	v5 =	vor.u32 $0x5, v0;
	v6 =	vor.u32 $0x6, v0  }
0xa: {  	s1 =	rddreg [dreg:$0x1];
	_ =	strace $0x80000047;
	v7 =	vor.u32 $0x7, v0;
	v8 =	vor.u32 $0x8, v0;
	v9 =	vor.u32 $0x9, v0;
	s8 =	ssub.s32 s6, s31  }
0xb: {  	s4 =	sadd.s32 $0x27200, s2;
	v10 =	vor.u32 $0xA, v0;
	v11 =	vor.u32 $0xB, v0;
	v12 =	vor.u32 $0xC, v0;
	s7 =	sadd.s32 s5, s2;
	s8 =	smax.u32 s8, $0x1  }
0xc: {  	v13 =	vor.u32 $0xD, v0;
	v14 =	vor.u32 $0xE, v0;
	v15 =	vor.u32 $0xF, v0;
	s5 =	sadd.s32 $0x4E800, s7;
	s6 =	sadd.s32 $0x3AC00, s7;
	s7 =	sadd.s32 $0x62400, s7  }
.LBB2_8:
0xd: {  	s21 =	sadd.s32 $0x1, s21  }
0xe: {  	p0 =	sne.s32 s21, s8  }
.Ltmp1:
0xf: {  	_ = 	snop;
	(pc) =	sbr.rel @!p0 .LBB2_9-.Ltmp1, $4  }
0x10: {  	[hbm4b:s7+s3] =	stream.linear.scatter [tilespmem:s20], [sflag:$0x3], $0x4F00, $0x38;
	[tilespmem:$0x16E00] =	vst v63  }
0x11: {  	_ =	swait.ge [sflag:s9], $0x4F00  }
0x12: {  	[sflag:s9] =	ssyncset.done $0x0  }
0x13: {  	[sflag:s9] =	ssyncadd.s32 $0xFFFFB100  }
.LBB2_1:
0x14: {  	[tilespmem:s3], [sflag:$0x3] =	stream.linear.gather [hbm4b:s5+s3], $0x4F00, $0x38;
	[tilespmem:$0x16E00] =	vst v63  }
0x15: {  	_ =	swait.ge [sflag:s9], $0x4F00  }
0x16: {  	[sflag:s9] =	ssyncset.done $0x0  }
0x17: {  	[sflag:s9] =	ssyncadd.s32 $0xFFFFB100  }
0x18: {  	[tilespmem:s10], [sflag:$0x3] =	stream.linear.gather [hbm4b:s6+s3], $0x4F00, $0x38;
	[tilespmem:$0x16E00] =	vst v63  }
0x19: {  	_ =	swait.ge [sflag:s9], $0x4F00  }
0x1a: {  	[sflag:s9] =	ssyncset.done $0x0  }
0x1b: {  	[sflag:s9] =	ssyncadd.s32 $0xFFFFB100  }
0x1c: {  	[tilespmem:s12], [sflag:$0x1] =	stream.indirect.gather [hbm4b:s4+s11], $0x40, s3, s11, $0xb8;
	[tilespmem:$0x16E00] =	vst v63  }
0x1d: {  	_ = 	snop  }
0x1e: {  	[tilespmem:s13], [sflag:$0x1] =	stream.indirect.gather [hbm4b:s2+s11], $0x40, s10, s11, $0xb8;
	[tilespmem:$0x16E00] =	vst v63  }
0x1f: {  	_ = 	snop  }
0x20: {  	[tilespmem:s14], [sflag:$0x2] =	stream.indirect.gather [hbm4b:s4+s11], $0x40, s11, s11, $0xb8;
	[tilespmem:$0x16E00] =	vst v63  }
0x21: {  	s22 =	simm.s32 $0x11F80;
	s23 =	simm.s32 $0x11F00;
	s24 =	simm.s32 $0x0  }
0x22: {  	[tilespmem:s16], [sflag:$0x2] =	stream.indirect.gather [hbm4b:s2+s11], $0x40, s15, s11, $0xb8;
	[tilespmem:$0x16E00] =	vst v63  }
.LBB2_2:
0x23: {  	_ =	swait.ge [sflag:s17], $0x2000  }
0x24: {  	[sflag:s17] =	ssyncset.done $0x0  }
0x25: {  	[sflag:s17] =	ssyncadd.s32 $0xFFFFE000  }
0x26: {  	_ =	swait.ge [sflag:s17], $0x2000  }
0x27: {  	[sflag:s17] =	ssyncset.done $0x0  }
0x28: {  	s25 =	simm.s32 $0x0;
	s26 =	smov.u32 s23;
	[sflag:s17] =	ssyncadd.s32 $0xFFFFE000  }
.LBB2_3:
0x29: {  	s28 =	sshra.s32 s25, $0x2  }
0x2a: {  	v16 =	vld [tilespmem:s28+$0x9E00]  }
0x2b: {  	v17 =	vld [tilespmem:s28+$0xBE00]  }
0x2c: {  	v18 =	vld [tilespmem:s28+$0x9E10]  }
0x2d: {  	v19 =	vld [tilespmem:s28+$0xBE10]  }
0x2e: {  	v20 =	vld [tilespmem:s28+$0x9E20]  }
0x2f: {  	v21 =	vld [tilespmem:s28+$0xBE20]  }
0x30: {  	v22 =	vld [tilespmem:s28+$0x9E30]  }
0x31: {  	v23 =	vld [tilespmem:s28+$0xBE30];
	_ =	sdelay $0x3  }
0x32: {  	v16 =	vmul.bf16 v17, v16;
	v17 =	vmul.bf16 v19, v18  }
0x33: {  	v48 =	vmul.bf16 v21, v20;
	v49 =	vmul.bf16 v23, v22;
	_ =	sdelay $0x1  }
0x34: {  	v16 =	vadd.bf16 v17, v16;
	v17 =	vadd.bf16 v49, v48;
	_ =	sdelay $0x1  }
0x35: {  	v16 =	vadd.bf16 v17, v16;
	_ =	sdelay $0x1  }
0x36: {  	v17 =	vunpack.i.u.bf16.f32 v16;
	v16 =	vunpack.i.l.bf16.f32 v16  }
0x37: {  	v16 =	vadd.f32 v16, v17;
	_ =	sdelay $0x1  }
0x38: {  	[tilespmem:$0x11E00] =	vst v16  }
0x39: {  	v16 =	vld [tilespmem:s28+$0x9E40]  }
0x3a: {  	v17 =	vld [tilespmem:s28+$0xBE40]  }
0x3b: {  	v50 =	vld [tilespmem:s28+$0x9E50]  }
0x3c: {  	v51 =	vld [tilespmem:s28+$0xBE50]  }
0x3d: {  	v52 =	vld [tilespmem:s28+$0x9E60]  }
0x3e: {  	v53 =	vld [tilespmem:s28+$0xBE60]  }
0x3f: {  	v54 =	vld [tilespmem:s28+$0x9E70]  }
0x40: {  	v55 =	vld [tilespmem:s28+$0xBE70];
	_ =	sdelay $0x3  }
0x41: {  	v16 =	vmul.bf16 v17, v16;
	v17 =	vmul.bf16 v51, v50  }
0x42: {  	v56 =	vmul.bf16 v53, v52;
	v57 =	vmul.bf16 v55, v54;
	_ =	sdelay $0x1  }
0x43: {  	v16 =	vadd.bf16 v17, v16;
	v17 =	vadd.bf16 v57, v56;
	_ =	sdelay $0x1  }
0x44: {  	v16 =	vadd.bf16 v17, v16;
	_ =	sdelay $0x1  }
0x45: {  	v17 =	vunpack.i.u.bf16.f32 v16;
	v16 =	vunpack.i.l.bf16.f32 v16  }
0x46: {  	v16 =	vadd.f32 v16, v17;
	_ =	sdelay $0x1  }
0x47: {  	[tilespmem:$0x11E10] =	vst v16  }
0x48: {  	v16 =	vld [tilespmem:s28+$0x9E80]  }
0x49: {  	v17 =	vld [tilespmem:s28+$0xBE80]  }
0x4a: {  	v58 =	vld [tilespmem:s28+$0x9E90]  }
0x4b: {  	v59 =	vld [tilespmem:s28+$0xBE90]  }
0x4c: {  	v60 =	vld [tilespmem:s28+$0x9EA0]  }
0x4d: {  	v61 =	vld [tilespmem:s28+$0xBEA0]  }
0x4e: {  	v62 =	vld [tilespmem:s28+$0x9EB0]  }
0x4f: {  	v63 =	vld [tilespmem:s28+$0xBEB0];
	_ =	sdelay $0x3  }
0x50: {  	v16 =	vmul.bf16 v17, v16;
	v17 =	vmul.bf16 v59, v58  }
0x51: {  	v24 =	vmul.bf16 v61, v60;
	v25 =	vmul.bf16 v63, v62;
	_ =	sdelay $0x1  }
0x52: {  	v16 =	vadd.bf16 v17, v16;
	v17 =	vadd.bf16 v25, v24;
	_ =	sdelay $0x1  }
0x53: {  	v16 =	vadd.bf16 v17, v16;
	_ =	sdelay $0x1  }
0x54: {  	v17 =	vunpack.i.u.bf16.f32 v16;
	v16 =	vunpack.i.l.bf16.f32 v16  }
0x55: {  	v16 =	vadd.f32 v16, v17;
	_ =	sdelay $0x1  }
0x56: {  	[tilespmem:$0x11E20] =	vst v16  }
0x57: {  	v16 =	vld [tilespmem:s28+$0x9EC0]  }
0x58: {  	v17 =	vld [tilespmem:s28+$0xBEC0]  }
0x59: {  	v26 =	vld [tilespmem:s28+$0x9ED0]  }
0x5a: {  	v27 =	vld [tilespmem:s28+$0xBED0]  }
0x5b: {  	v28 =	vld [tilespmem:s28+$0x9EE0]  }
0x5c: {  	v29 =	vld [tilespmem:s28+$0xBEE0]  }
0x5d: {  	v30 =	vld [tilespmem:s28+$0x9EF0]  }
0x5e: {  	v31 =	vld [tilespmem:s28+$0xBEF0];
	_ =	sdelay $0x3  }
0x5f: {  	v16 =	vmul.bf16 v17, v16;
	v17 =	vmul.bf16 v27, v26  }
0x60: {  	v32 =	vmul.bf16 v29, v28;
	v33 =	vmul.bf16 v31, v30;
	_ =	sdelay $0x1  }
0x61: {  	v16 =	vadd.bf16 v17, v16;
	v17 =	vadd.bf16 v33, v32;
	_ =	sdelay $0x1  }
0x62: {  	v16 =	vadd.bf16 v17, v16;
	_ =	sdelay $0x1  }
0x63: {  	v17 =	vunpack.i.u.bf16.f32 v16;
	v16 =	vunpack.i.l.bf16.f32 v16  }
0x64: {  	v16 =	vadd.f32 v16, v17;
	_ =	sdelay $0x1  }
0x65: {  	[tilespmem:$0x11E30] =	vst v16  }
0x66: {  	v16 =	vld [tilespmem:s28+$0x9F00]  }
0x67: {  	v17 =	vld [tilespmem:s28+$0xBF00]  }
0x68: {  	v34 =	vld [tilespmem:s28+$0x9F10]  }
0x69: {  	v35 =	vld [tilespmem:s28+$0xBF10]  }
0x6a: {  	v36 =	vld [tilespmem:s28+$0x9F20]  }
0x6b: {  	v37 =	vld [tilespmem:s28+$0xBF20]  }
0x6c: {  	v38 =	vld [tilespmem:s28+$0x9F30]  }
0x6d: {  	v39 =	vld [tilespmem:s28+$0xBF30];
	_ =	sdelay $0x3  }
0x6e: {  	v16 =	vmul.bf16 v17, v16;
	v17 =	vmul.bf16 v35, v34  }
0x6f: {  	v40 =	vmul.bf16 v37, v36;
	v41 =	vmul.bf16 v39, v38;
	_ =	sdelay $0x1  }
0x70: {  	v16 =	vadd.bf16 v17, v16;
	v17 =	vadd.bf16 v41, v40;
	_ =	sdelay $0x1  }
0x71: {  	v16 =	vadd.bf16 v17, v16;
	_ =	sdelay $0x1  }
0x72: {  	v17 =	vunpack.i.u.bf16.f32 v16;
	v16 =	vunpack.i.l.bf16.f32 v16  }
0x73: {  	v16 =	vadd.f32 v16, v17;
	_ =	sdelay $0x1  }
0x74: {  	[tilespmem:$0x11E40] =	vst v16  }
0x75: {  	v16 =	vld [tilespmem:s28+$0x9F40]  }
0x76: {  	v17 =	vld [tilespmem:s28+$0xBF40]  }
0x77: {  	v42 =	vld [tilespmem:s28+$0x9F50]  }
0x78: {  	v43 =	vld [tilespmem:s28+$0xBF50]  }
0x79: {  	v44 =	vld [tilespmem:s28+$0x9F60]  }
0x7a: {  	v45 =	vld [tilespmem:s28+$0xBF60]  }
0x7b: {  	v46 =	vld [tilespmem:s28+$0x9F70]  }
0x7c: {  	v47 =	vld [tilespmem:s28+$0xBF70];
	_ =	sdelay $0x3  }
0x7d: {  	v16 =	vmul.bf16 v17, v16;
	v17 =	vmul.bf16 v43, v42  }
0x7e: {  	v48 =	vmul.bf16 v45, v44;
	v49 =	vmul.bf16 v47, v46;
	_ =	sdelay $0x1  }
0x7f: {  	v16 =	vadd.bf16 v17, v16;
	v17 =	vadd.bf16 v49, v48;
	_ =	sdelay $0x1  }
0x80: {  	v16 =	vadd.bf16 v17, v16;
	_ =	sdelay $0x1  }
0x81: {  	v17 =	vunpack.i.u.bf16.f32 v16;
	v16 =	vunpack.i.l.bf16.f32 v16  }
0x82: {  	v16 =	vadd.f32 v16, v17;
	_ =	sdelay $0x1  }
0x83: {  	[tilespmem:$0x11E50] =	vst v16  }
0x84: {  	v16 =	vld [tilespmem:s28+$0x9F80]  }
0x85: {  	v17 =	vld [tilespmem:s28+$0xBF80]  }
0x86: {  	v50 =	vld [tilespmem:s28+$0x9F90]  }
0x87: {  	v51 =	vld [tilespmem:s28+$0xBF90]  }
0x88: {  	v52 =	vld [tilespmem:s28+$0x9FA0]  }
0x89: {  	v53 =	vld [tilespmem:s28+$0xBFA0]  }
0x8a: {  	v54 =	vld [tilespmem:s28+$0x9FB0]  }
0x8b: {  	v55 =	vld [tilespmem:s28+$0xBFB0];
	_ =	sdelay $0x3  }
0x8c: {  	v16 =	vmul.bf16 v17, v16;
	v17 =	vmul.bf16 v51, v50  }
0x8d: {  	v56 =	vmul.bf16 v53, v52;
	v57 =	vmul.bf16 v55, v54;
	_ =	sdelay $0x1  }
0x8e: {  	v16 =	vadd.bf16 v17, v16;
	v17 =	vadd.bf16 v57, v56;
	_ =	sdelay $0x1  }
0x8f: {  	v16 =	vadd.bf16 v17, v16;
	_ =	sdelay $0x1  }
0x90: {  	v17 =	vunpack.i.u.bf16.f32 v16;
	v16 =	vunpack.i.l.bf16.f32 v16  }
0x91: {  	v16 =	vadd.f32 v16, v17;
	_ =	sdelay $0x1  }
0x92: {  	[tilespmem:$0x11E60] =	vst v16  }
0x93: {  	v16 =	vld [tilespmem:s28+$0x9FC0]  }
0x94: {  	v17 =	vld [tilespmem:s28+$0xBFC0]  }
0x95: {  	v58 =	vld [tilespmem:s28+$0x9FD0]  }
0x96: {  	v59 =	vld [tilespmem:s28+$0xBFD0]  }
0x97: {  	v60 =	vld [tilespmem:s28+$0x9FE0]  }
0x98: {  	v61 =	vld [tilespmem:s28+$0xBFE0]  }
0x99: {  	v62 =	vld [tilespmem:s28+$0x9FF0]  }
0x9a: {  	v63 =	vld [tilespmem:s28+$0xBFF0];
	_ =	sdelay $0x3  }
0x9b: {  	v16 =	vmul.bf16 v17, v16;
	v17 =	vmul.bf16 v59, v58  }
0x9c: {  	v24 =	vmul.bf16 v61, v60;
	v25 =	vmul.bf16 v63, v62;
	_ =	sdelay $0x1  }
0x9d: {  	v16 =	vadd.bf16 v17, v16;
	v17 =	vadd.bf16 v25, v24;
	_ =	sdelay $0x1  }
0x9e: {  	v16 =	vadd.bf16 v17, v16;
	_ =	sdelay $0x1  }
0x9f: {  	v17 =	vunpack.i.u.bf16.f32 v16;
	v16 =	vunpack.i.l.bf16.f32 v16  }
0xa0: {  	v16 =	vadd.f32 v16, v17;
	_ =	sdelay $0x1  }
0xa1: {  	[tilespmem:$0x11E70] =	vst v16  }
0xa2: {  	v16 =	vld [tilespmem:s28+$0xA000]  }
0xa3: {  	v17 =	vld [tilespmem:s28+$0xC000]  }
0xa4: {  	v26 =	vld [tilespmem:s28+$0xA010]  }
0xa5: {  	v27 =	vld [tilespmem:s28+$0xC010]  }
0xa6: {  	v28 =	vld [tilespmem:s28+$0xA020]  }
0xa7: {  	v29 =	vld [tilespmem:s28+$0xC020]  }
0xa8: {  	v30 =	vld [tilespmem:s28+$0xA030]  }
0xa9: {  	v31 =	vld [tilespmem:s28+$0xC030];
	_ =	sdelay $0x3  }
0xaa: {  	v16 =	vmul.bf16 v17, v16;
	v17 =	vmul.bf16 v27, v26  }
0xab: {  	v32 =	vmul.bf16 v29, v28;
	v33 =	vmul.bf16 v31, v30;
	_ =	sdelay $0x1  }
0xac: {  	v16 =	vadd.bf16 v17, v16;
	v17 =	vadd.bf16 v33, v32;
	_ =	sdelay $0x1  }
0xad: {  	v16 =	vadd.bf16 v17, v16;
	_ =	sdelay $0x1  }
0xae: {  	v17 =	vunpack.i.u.bf16.f32 v16;
	v16 =	vunpack.i.l.bf16.f32 v16  }
0xaf: {  	v16 =	vadd.f32 v16, v17;
	_ =	sdelay $0x1  }
0xb0: {  	[tilespmem:$0x11E80] =	vst v16  }
0xb1: {  	v16 =	vld [tilespmem:s28+$0xA040]  }
0xb2: {  	v17 =	vld [tilespmem:s28+$0xC040]  }
0xb3: {  	v34 =	vld [tilespmem:s28+$0xA050]  }
0xb4: {  	v35 =	vld [tilespmem:s28+$0xC050]  }
0xb5: {  	v36 =	vld [tilespmem:s28+$0xA060]  }
0xb6: {  	v37 =	vld [tilespmem:s28+$0xC060]  }
0xb7: {  	v38 =	vld [tilespmem:s28+$0xA070]  }
0xb8: {  	v39 =	vld [tilespmem:s28+$0xC070];
	_ =	sdelay $0x3  }
0xb9: {  	v16 =	vmul.bf16 v17, v16;
	v17 =	vmul.bf16 v35, v34  }
0xba: {  	v40 =	vmul.bf16 v37, v36;
	v41 =	vmul.bf16 v39, v38;
	_ =	sdelay $0x1  }
0xbb: {  	v16 =	vadd.bf16 v17, v16;
	v17 =	vadd.bf16 v41, v40;
	_ =	sdelay $0x1  }
0xbc: {  	v16 =	vadd.bf16 v17, v16;
	_ =	sdelay $0x1  }
0xbd: {  	v17 =	vunpack.i.u.bf16.f32 v16;
	v16 =	vunpack.i.l.bf16.f32 v16  }
0xbe: {  	v16 =	vadd.f32 v16, v17;
	_ =	sdelay $0x1  }
0xbf: {  	[tilespmem:$0x11E90] =	vst v16  }
0xc0: {  	v16 =	vld [tilespmem:s28+$0xA080]  }
0xc1: {  	v17 =	vld [tilespmem:s28+$0xC080]  }
0xc2: {  	v42 =	vld [tilespmem:s28+$0xA090]  }
0xc3: {  	v43 =	vld [tilespmem:s28+$0xC090]  }
0xc4: {  	v44 =	vld [tilespmem:s28+$0xA0A0]  }
0xc5: {  	v45 =	vld [tilespmem:s28+$0xC0A0]  }
0xc6: {  	v46 =	vld [tilespmem:s28+$0xA0B0]  }
0xc7: {  	v47 =	vld [tilespmem:s28+$0xC0B0];
	_ =	sdelay $0x3  }
0xc8: {  	v16 =	vmul.bf16 v17, v16;
	v17 =	vmul.bf16 v43, v42  }
0xc9: {  	v48 =	vmul.bf16 v45, v44;
	v49 =	vmul.bf16 v47, v46;
	_ =	sdelay $0x1  }
0xca: {  	v16 =	vadd.bf16 v17, v16;
	v17 =	vadd.bf16 v49, v48;
	_ =	sdelay $0x1  }
0xcb: {  	v16 =	vadd.bf16 v17, v16;
	_ =	sdelay $0x1  }
0xcc: {  	v17 =	vunpack.i.u.bf16.f32 v16;
	v16 =	vunpack.i.l.bf16.f32 v16  }
0xcd: {  	v16 =	vadd.f32 v16, v17;
	_ =	sdelay $0x1  }
0xce: {  	[tilespmem:$0x11EA0] =	vst v16  }
0xcf: {  	v16 =	vld [tilespmem:s28+$0xA0C0]  }
0xd0: {  	v17 =	vld [tilespmem:s28+$0xC0C0]  }
0xd1: {  	v50 =	vld [tilespmem:s28+$0xA0D0]  }
0xd2: {  	v51 =	vld [tilespmem:s28+$0xC0D0]  }
0xd3: {  	v52 =	vld [tilespmem:s28+$0xA0E0]  }
0xd4: {  	v53 =	vld [tilespmem:s28+$0xC0E0]  }
0xd5: {  	v54 =	vld [tilespmem:s28+$0xA0F0]  }
0xd6: {  	v55 =	vld [tilespmem:s28+$0xC0F0];
	_ =	sdelay $0x3  }
0xd7: {  	v16 =	vmul.bf16 v17, v16;
	v17 =	vmul.bf16 v51, v50  }
0xd8: {  	v56 =	vmul.bf16 v53, v52;
	v57 =	vmul.bf16 v55, v54;
	_ =	sdelay $0x1  }
0xd9: {  	v16 =	vadd.bf16 v17, v16;
	v17 =	vadd.bf16 v57, v56;
	_ =	sdelay $0x1  }
0xda: {  	v16 =	vadd.bf16 v17, v16;
	_ =	sdelay $0x1  }
0xdb: {  	v17 =	vunpack.i.u.bf16.f32 v16;
	v16 =	vunpack.i.l.bf16.f32 v16  }
0xdc: {  	v16 =	vadd.f32 v16, v17;
	_ =	sdelay $0x1  }
0xdd: {  	[tilespmem:$0x11EB0] =	vst v16  }
0xde: {  	v16 =	vld [tilespmem:s28+$0xA100]  }
0xdf: {  	v17 =	vld [tilespmem:s28+$0xC100]  }
0xe0: {  	v58 =	vld [tilespmem:s28+$0xA110]  }
0xe1: {  	v59 =	vld [tilespmem:s28+$0xC110]  }
0xe2: {  	v60 =	vld [tilespmem:s28+$0xA120]  }
0xe3: {  	v61 =	vld [tilespmem:s28+$0xC120]  }
0xe4: {  	v62 =	vld [tilespmem:s28+$0xA130]  }
0xe5: {  	v63 =	vld [tilespmem:s28+$0xC130];
	_ =	sdelay $0x3  }
0xe6: {  	v16 =	vmul.bf16 v17, v16;
	v17 =	vmul.bf16 v59, v58  }
0xe7: {  	v24 =	vmul.bf16 v61, v60;
	v25 =	vmul.bf16 v63, v62;
	_ =	sdelay $0x1  }
0xe8: {  	v16 =	vadd.bf16 v17, v16;
	v17 =	vadd.bf16 v25, v24;
	_ =	sdelay $0x1  }
0xe9: {  	v16 =	vadd.bf16 v17, v16;
	_ =	sdelay $0x1  }
0xea: {  	v17 =	vunpack.i.u.bf16.f32 v16;
	v16 =	vunpack.i.l.bf16.f32 v16  }
0xeb: {  	v16 =	vadd.f32 v16, v17;
	_ =	sdelay $0x1  }
0xec: {  	[tilespmem:$0x11EC0] =	vst v16  }
0xed: {  	v16 =	vld [tilespmem:s28+$0xA140]  }
0xee: {  	v17 =	vld [tilespmem:s28+$0xC140]  }
0xef: {  	v26 =	vld [tilespmem:s28+$0xA150]  }
0xf0: {  	v27 =	vld [tilespmem:s28+$0xC150]  }
0xf1: {  	v28 =	vld [tilespmem:s28+$0xA160]  }
0xf2: {  	v29 =	vld [tilespmem:s28+$0xC160]  }
0xf3: {  	v30 =	vld [tilespmem:s28+$0xA170]  }
0xf4: {  	v31 =	vld [tilespmem:s28+$0xC170];
	_ =	sdelay $0x3  }
0xf5: {  	v16 =	vmul.bf16 v17, v16;
	v17 =	vmul.bf16 v27, v26  }
0xf6: {  	v32 =	vmul.bf16 v29, v28;
	v33 =	vmul.bf16 v31, v30;
	_ =	sdelay $0x1  }
0xf7: {  	v16 =	vadd.bf16 v17, v16;
	v17 =	vadd.bf16 v33, v32;
	_ =	sdelay $0x1  }
0xf8: {  	v16 =	vadd.bf16 v17, v16;
	_ =	sdelay $0x1  }
0xf9: {  	v17 =	vunpack.i.u.bf16.f32 v16;
	v16 =	vunpack.i.l.bf16.f32 v16  }
0xfa: {  	v16 =	vadd.f32 v16, v17;
	_ =	sdelay $0x1  }
0xfb: {  	[tilespmem:$0x11ED0] =	vst v16  }
0xfc: {  	v16 =	vld [tilespmem:s28+$0xA180]  }
0xfd: {  	v17 =	vld [tilespmem:s28+$0xC180]  }
0xfe: {  	v34 =	vld [tilespmem:s28+$0xA190]  }
0xff: {  	v35 =	vld [tilespmem:s28+$0xC190]  }
0x100: {  	v36 =	vld [tilespmem:s28+$0xA1A0]  }
0x101: {  	v37 =	vld [tilespmem:s28+$0xC1A0]  }
0x102: {  	v38 =	vld [tilespmem:s28+$0xA1B0]  }
0x103: {  	v39 =	vld [tilespmem:s28+$0xC1B0];
	_ =	sdelay $0x3  }
0x104: {  	v16 =	vmul.bf16 v17, v16;
	v17 =	vmul.bf16 v35, v34  }
0x105: {  	v40 =	vmul.bf16 v37, v36;
	v41 =	vmul.bf16 v39, v38;
	_ =	sdelay $0x1  }
0x106: {  	v16 =	vadd.bf16 v17, v16;
	v17 =	vadd.bf16 v41, v40;
	_ =	sdelay $0x1  }
0x107: {  	v16 =	vadd.bf16 v17, v16;
	_ =	sdelay $0x1  }
0x108: {  	v17 =	vunpack.i.u.bf16.f32 v16;
	v16 =	vunpack.i.l.bf16.f32 v16  }
0x109: {  	v16 =	vadd.f32 v16, v17;
	_ =	sdelay $0x1  }
0x10a: {  	[tilespmem:$0x11EE0] =	vst v16  }
0x10b: {  	v16 =	vld [tilespmem:s28+$0xA1C0]  }
0x10c: {  	v17 =	vld [tilespmem:s28+$0xC1C0]  }
0x10d: {  	v42 =	vld [tilespmem:s28+$0xA1D0]  }
0x10e: {  	v43 =	vld [tilespmem:s28+$0xC1D0]  }
0x10f: {  	v44 =	vld [tilespmem:s28+$0xA1E0]  }
0x110: {  	v45 =	vld [tilespmem:s28+$0xC1E0]  }
0x111: {  	v46 =	vld [tilespmem:s28+$0xA1F0]  }
0x112: {  	v47 =	vld [tilespmem:s28+$0xC1F0];
	_ =	sdelay $0x3  }
0x113: {  	v16 =	vmul.bf16 v17, v16;
	v17 =	vmul.bf16 v43, v42  }
0x114: {  	v48 =	vmul.bf16 v45, v44;
	v49 =	vmul.bf16 v47, v46;
	_ =	sdelay $0x1  }
0x115: {  	v16 =	vadd.bf16 v17, v16;
	v17 =	vadd.bf16 v49, v48;
	_ =	sdelay $0x1  }
0x116: {  	v16 =	vadd.bf16 v17, v16;
	_ =	sdelay $0x1  }
0x117: {  	v17 =	vunpack.i.u.bf16.f32 v16;
	v16 =	vunpack.i.l.bf16.f32 v16  }
0x118: {  	v16 =	vadd.f32 v16, v17;
	_ =	sdelay $0x1  }
0x119: {  	[tilespmem:$0x11EF0] =	vst v16  }
0x11a: {  	v16 =	vld.idx.msk [tilespmem:v0+s18+$0x0], $0xffff  }
0x11b: {  	v17 =	vld.idx.msk [tilespmem:v1+s18+$0x0], $0xffff  }
0x11c: {  	v50 =	vld.idx.msk [tilespmem:v2+s18+$0x0], $0xffff  }
0x11d: {  	v51 =	vld.idx.msk [tilespmem:v3+s18+$0x0], $0xffff  }
0x11e: {  	v52 =	vld.idx.msk [tilespmem:v4+s18+$0x0], $0xffff  }
0x11f: {  	v53 =	vld.idx.msk [tilespmem:v5+s18+$0x0], $0xffff  }
0x120: {  	v54 =	vld.idx.msk [tilespmem:v6+s18+$0x0], $0xffff  }
0x121: {  	v55 =	vld.idx.msk [tilespmem:v7+s18+$0x0], $0xffff  }
0x122: {  	v24 =	vld.idx.msk [tilespmem:v8+s18+$0x0], $0xffff  }
0x123: {  	v25 =	vld.idx.msk [tilespmem:v9+s18+$0x0], $0xffff  }
0x124: {  	v26 =	vld.idx.msk [tilespmem:v10+s18+$0x0], $0xffff  }
0x125: {  	v27 =	vld.idx.msk [tilespmem:v11+s18+$0x0], $0xffff  }
0x126: {  	v28 =	vld.idx.msk [tilespmem:v12+s18+$0x0], $0xffff  }
0x127: {  	v29 =	vld.idx.msk [tilespmem:v13+s18+$0x0], $0xffff  }
0x128: {  	v30 =	vld.idx.msk [tilespmem:v14+s18+$0x0], $0xffff  }
0x129: {  	v31 =	vld.idx.msk [tilespmem:v15+s18+$0x0], $0xffff;
	_ =	sdelay $0x1  }
0x12a: {  	v16 =	vadd.f32 v17, v16;
	v17 =	vadd.f32 v51, v50  }
0x12b: {  	v56 =	vadd.f32 v53, v52;
	v57 =	vadd.f32 v55, v54  }
0x12c: {  	v58 =	vadd.f32 v25, v24;
	v59 =	vadd.f32 v27, v26  }
0x12d: {  	v60 =	vadd.f32 v29, v28;
	v61 =	vadd.f32 v31, v30  }
0x12e: {  	v16 =	vadd.f32 v17, v16;
	v17 =	vadd.f32 v57, v56  }
0x12f: {  	v62 =	vadd.f32 v59, v58;
	v63 =	vadd.f32 v61, v60  }
0x130: {  	p0 =	sne.s32 s25, $0x7000  }
.Ltmp2:
0x131: {  	v16 =	vadd.f32 v17, v16;
	v17 =	vadd.f32 v63, v62;
	(pc) =	sbr.rel @p0 .LBB2_3-.Ltmp2, $3  }
0x132: {  	_ = 	snop  }
0x133: {  	v16 =	vadd.f32 v17, v16;
	_ =	sdelay $0x1  }
0x134: {  	s25 =	sadd.s32 $0x1000, s25;
	[tilespmem:s26+$0x0] =	vst v16;
	s26 =	sadd.s32 $0x10, s26  }
0x135: {  	s25 =	sshll.u32 s24, $0x8;
	p0 =	seq.s32 s24, $0x4E  }
0x136: {  	s26 =	sadd.s32 @!p0 $0x100, s25;
	s28 =	simm.s32 @!p0 $0x80;
	s29 =	simm.s32 @!p0 $0x9E00  }
0x137: {  	[tilespmem:s29], [sflag:$0x1] =	stream.indirect.gather @!p0 [hbm4b:s4+s28], $0x40, s26, s28, $0xb8;
	[tilespmem:$0x16E00] =	vst v63  }
0x138: {  	s26 =	sadd.s32 @!p0 $0x5000, s25;
	s29 =	simm.s32 @!p0 $0xBE00  }
0x139: {  	[tilespmem:s29], [sflag:$0x1] =	stream.indirect.gather @!p0 [hbm4b:s2+s28], $0x40, s26, s28, $0xb8;
	[tilespmem:$0x16E00] =	vst v63  }
0x13a: {  	_ =	swait.ge [sflag:s19], $0x2000  }
0x13b: {  	[sflag:s19] =	ssyncset.done $0x0  }
0x13c: {  	[sflag:s19] =	ssyncadd.s32 $0xFFFFE000  }
0x13d: {  	_ =	swait.ge [sflag:s19], $0x2000  }
0x13e: {  	[sflag:s19] =	ssyncset.done $0x0  }
0x13f: {  	s26 =	simm.s32 $0x0;
	s28 =	smov.u32 s22;
	[sflag:s19] =	ssyncadd.s32 $0xFFFFE000  }
.LBB2_5:
0x140: {  	s29 =	sshra.s32 s26, $0x2  }
0x141: {  	v16 =	vld [tilespmem:s29+$0xDE00]  }
0x142: {  	v17 =	vld [tilespmem:s29+$0xFE00]  }
0x143: {  	v18 =	vld [tilespmem:s29+$0xDE10]  }
0x144: {  	v19 =	vld [tilespmem:s29+$0xFE10]  }
0x145: {  	v20 =	vld [tilespmem:s29+$0xDE20]  }
0x146: {  	v21 =	vld [tilespmem:s29+$0xFE20]  }
0x147: {  	v22 =	vld [tilespmem:s29+$0xDE30]  }
0x148: {  	v23 =	vld [tilespmem:s29+$0xFE30];
	_ =	sdelay $0x3  }
0x149: {  	v16 =	vmul.bf16 v17, v16;
	v17 =	vmul.bf16 v19, v18  }
0x14a: {  	v48 =	vmul.bf16 v21, v20;
	v49 =	vmul.bf16 v23, v22;
	_ =	sdelay $0x1  }
0x14b: {  	v16 =	vadd.bf16 v17, v16;
	v17 =	vadd.bf16 v49, v48;
	_ =	sdelay $0x1  }
0x14c: {  	v16 =	vadd.bf16 v17, v16;
	_ =	sdelay $0x1  }
0x14d: {  	v17 =	vunpack.i.u.bf16.f32 v16;
	v16 =	vunpack.i.l.bf16.f32 v16  }
0x14e: {  	v16 =	vadd.f32 v16, v17;
	_ =	sdelay $0x1  }
0x14f: {  	[tilespmem:$0x11E00] =	vst v16  }
0x150: {  	v16 =	vld [tilespmem:s29+$0xDE40]  }
0x151: {  	v17 =	vld [tilespmem:s29+$0xFE40]  }
0x152: {  	v50 =	vld [tilespmem:s29+$0xDE50]  }
0x153: {  	v51 =	vld [tilespmem:s29+$0xFE50]  }
0x154: {  	v52 =	vld [tilespmem:s29+$0xDE60]  }
0x155: {  	v53 =	vld [tilespmem:s29+$0xFE60]  }
0x156: {  	v54 =	vld [tilespmem:s29+$0xDE70]  }
0x157: {  	v55 =	vld [tilespmem:s29+$0xFE70];
	_ =	sdelay $0x3  }
0x158: {  	v16 =	vmul.bf16 v17, v16;
	v17 =	vmul.bf16 v51, v50  }
0x159: {  	v56 =	vmul.bf16 v53, v52;
	v57 =	vmul.bf16 v55, v54;
	_ =	sdelay $0x1  }
0x15a: {  	v16 =	vadd.bf16 v17, v16;
	v17 =	vadd.bf16 v57, v56;
	_ =	sdelay $0x1  }
0x15b: {  	v16 =	vadd.bf16 v17, v16;
	_ =	sdelay $0x1  }
0x15c: {  	v17 =	vunpack.i.u.bf16.f32 v16;
	v16 =	vunpack.i.l.bf16.f32 v16  }
0x15d: {  	v16 =	vadd.f32 v16, v17;
	_ =	sdelay $0x1  }
0x15e: {  	[tilespmem:$0x11E10] =	vst v16  }
0x15f: {  	v16 =	vld [tilespmem:s29+$0xDE80]  }
0x160: {  	v17 =	vld [tilespmem:s29+$0xFE80]  }
0x161: {  	v58 =	vld [tilespmem:s29+$0xDE90]  }
0x162: {  	v59 =	vld [tilespmem:s29+$0xFE90]  }
0x163: {  	v60 =	vld [tilespmem:s29+$0xDEA0]  }
0x164: {  	v61 =	vld [tilespmem:s29+$0xFEA0]  }
0x165: {  	v62 =	vld [tilespmem:s29+$0xDEB0]  }
0x166: {  	v63 =	vld [tilespmem:s29+$0xFEB0];
	_ =	sdelay $0x3  }
0x167: {  	v16 =	vmul.bf16 v17, v16;
	v17 =	vmul.bf16 v59, v58  }
0x168: {  	v24 =	vmul.bf16 v61, v60;
	v25 =	vmul.bf16 v63, v62;
	_ =	sdelay $0x1  }
0x169: {  	v16 =	vadd.bf16 v17, v16;
	v17 =	vadd.bf16 v25, v24;
	_ =	sdelay $0x1  }
0x16a: {  	v16 =	vadd.bf16 v17, v16;
	_ =	sdelay $0x1  }
0x16b: {  	v17 =	vunpack.i.u.bf16.f32 v16;
	v16 =	vunpack.i.l.bf16.f32 v16  }
0x16c: {  	v16 =	vadd.f32 v16, v17;
	_ =	sdelay $0x1  }
0x16d: {  	[tilespmem:$0x11E20] =	vst v16  }
0x16e: {  	v16 =	vld [tilespmem:s29+$0xDEC0]  }
0x16f: {  	v17 =	vld [tilespmem:s29+$0xFEC0]  }
0x170: {  	v26 =	vld [tilespmem:s29+$0xDED0]  }
0x171: {  	v27 =	vld [tilespmem:s29+$0xFED0]  }
0x172: {  	v28 =	vld [tilespmem:s29+$0xDEE0]  }
0x173: {  	v29 =	vld [tilespmem:s29+$0xFEE0]  }
0x174: {  	v30 =	vld [tilespmem:s29+$0xDEF0]  }
0x175: {  	v31 =	vld [tilespmem:s29+$0xFEF0];
	_ =	sdelay $0x3  }
0x176: {  	v16 =	vmul.bf16 v17, v16;
	v17 =	vmul.bf16 v27, v26  }
0x177: {  	v32 =	vmul.bf16 v29, v28;
	v33 =	vmul.bf16 v31, v30;
	_ =	sdelay $0x1  }
0x178: {  	v16 =	vadd.bf16 v17, v16;
	v17 =	vadd.bf16 v33, v32;
	_ =	sdelay $0x1  }
0x179: {  	v16 =	vadd.bf16 v17, v16;
	_ =	sdelay $0x1  }
0x17a: {  	v17 =	vunpack.i.u.bf16.f32 v16;
	v16 =	vunpack.i.l.bf16.f32 v16  }
0x17b: {  	v16 =	vadd.f32 v16, v17;
	_ =	sdelay $0x1  }
0x17c: {  	[tilespmem:$0x11E30] =	vst v16  }
0x17d: {  	v16 =	vld [tilespmem:s29+$0xDF00]  }
0x17e: {  	v17 =	vld [tilespmem:s29+$0xFF00]  }
0x17f: {  	v34 =	vld [tilespmem:s29+$0xDF10]  }
0x180: {  	v35 =	vld [tilespmem:s29+$0xFF10]  }
0x181: {  	v36 =	vld [tilespmem:s29+$0xDF20]  }
0x182: {  	v37 =	vld [tilespmem:s29+$0xFF20]  }
0x183: {  	v38 =	vld [tilespmem:s29+$0xDF30]  }
0x184: {  	v39 =	vld [tilespmem:s29+$0xFF30];
	_ =	sdelay $0x3  }
0x185: {  	v16 =	vmul.bf16 v17, v16;
	v17 =	vmul.bf16 v35, v34  }
0x186: {  	v40 =	vmul.bf16 v37, v36;
	v41 =	vmul.bf16 v39, v38;
	_ =	sdelay $0x1  }
0x187: {  	v16 =	vadd.bf16 v17, v16;
	v17 =	vadd.bf16 v41, v40;
	_ =	sdelay $0x1  }
0x188: {  	v16 =	vadd.bf16 v17, v16;
	_ =	sdelay $0x1  }
0x189: {  	v17 =	vunpack.i.u.bf16.f32 v16;
	v16 =	vunpack.i.l.bf16.f32 v16  }
0x18a: {  	v16 =	vadd.f32 v16, v17;
	_ =	sdelay $0x1  }
0x18b: {  	[tilespmem:$0x11E40] =	vst v16  }
0x18c: {  	v16 =	vld [tilespmem:s29+$0xDF40]  }
0x18d: {  	v17 =	vld [tilespmem:s29+$0xFF40]  }
0x18e: {  	v42 =	vld [tilespmem:s29+$0xDF50]  }
0x18f: {  	v43 =	vld [tilespmem:s29+$0xFF50]  }
0x190: {  	v44 =	vld [tilespmem:s29+$0xDF60]  }
0x191: {  	v45 =	vld [tilespmem:s29+$0xFF60]  }
0x192: {  	v46 =	vld [tilespmem:s29+$0xDF70]  }
0x193: {  	v47 =	vld [tilespmem:s29+$0xFF70];
	_ =	sdelay $0x3  }
0x194: {  	v16 =	vmul.bf16 v17, v16;
	v17 =	vmul.bf16 v43, v42  }
0x195: {  	v48 =	vmul.bf16 v45, v44;
	v49 =	vmul.bf16 v47, v46;
	_ =	sdelay $0x1  }
0x196: {  	v16 =	vadd.bf16 v17, v16;
	v17 =	vadd.bf16 v49, v48;
	_ =	sdelay $0x1  }
0x197: {  	v16 =	vadd.bf16 v17, v16;
	_ =	sdelay $0x1  }
0x198: {  	v17 =	vunpack.i.u.bf16.f32 v16;
	v16 =	vunpack.i.l.bf16.f32 v16  }
0x199: {  	v16 =	vadd.f32 v16, v17;
	_ =	sdelay $0x1  }
0x19a: {  	[tilespmem:$0x11E50] =	vst v16  }
0x19b: {  	v16 =	vld [tilespmem:s29+$0xDF80]  }
0x19c: {  	v17 =	vld [tilespmem:s29+$0xFF80]  }
0x19d: {  	v50 =	vld [tilespmem:s29+$0xDF90]  }
0x19e: {  	v51 =	vld [tilespmem:s29+$0xFF90]  }
0x19f: {  	v52 =	vld [tilespmem:s29+$0xDFA0]  }
0x1a0: {  	v53 =	vld [tilespmem:s29+$0xFFA0]  }
0x1a1: {  	v54 =	vld [tilespmem:s29+$0xDFB0]  }
0x1a2: {  	v55 =	vld [tilespmem:s29+$0xFFB0];
	_ =	sdelay $0x3  }
0x1a3: {  	v16 =	vmul.bf16 v17, v16;
	v17 =	vmul.bf16 v51, v50  }
0x1a4: {  	v56 =	vmul.bf16 v53, v52;
	v57 =	vmul.bf16 v55, v54;
	_ =	sdelay $0x1  }
0x1a5: {  	v16 =	vadd.bf16 v17, v16;
	v17 =	vadd.bf16 v57, v56;
	_ =	sdelay $0x1  }
0x1a6: {  	v16 =	vadd.bf16 v17, v16;
	_ =	sdelay $0x1  }
0x1a7: {  	v17 =	vunpack.i.u.bf16.f32 v16;
	v16 =	vunpack.i.l.bf16.f32 v16  }
0x1a8: {  	v16 =	vadd.f32 v16, v17;
	_ =	sdelay $0x1  }
0x1a9: {  	[tilespmem:$0x11E60] =	vst v16  }
0x1aa: {  	v16 =	vld [tilespmem:s29+$0xDFC0]  }
0x1ab: {  	v17 =	vld [tilespmem:s29+$0xFFC0]  }
0x1ac: {  	v58 =	vld [tilespmem:s29+$0xDFD0]  }
0x1ad: {  	v59 =	vld [tilespmem:s29+$0xFFD0]  }
0x1ae: {  	v60 =	vld [tilespmem:s29+$0xDFE0]  }
0x1af: {  	v61 =	vld [tilespmem:s29+$0xFFE0]  }
0x1b0: {  	v62 =	vld [tilespmem:s29+$0xDFF0]  }
0x1b1: {  	v63 =	vld [tilespmem:s29+$0xFFF0];
	_ =	sdelay $0x3  }
0x1b2: {  	v16 =	vmul.bf16 v17, v16;
	v17 =	vmul.bf16 v59, v58  }
0x1b3: {  	v24 =	vmul.bf16 v61, v60;
	v25 =	vmul.bf16 v63, v62;
	_ =	sdelay $0x1  }
0x1b4: {  	v16 =	vadd.bf16 v17, v16;
	v17 =	vadd.bf16 v25, v24;
	_ =	sdelay $0x1  }
0x1b5: {  	v16 =	vadd.bf16 v17, v16;
	_ =	sdelay $0x1  }
0x1b6: {  	v17 =	vunpack.i.u.bf16.f32 v16;
	v16 =	vunpack.i.l.bf16.f32 v16  }
0x1b7: {  	v16 =	vadd.f32 v16, v17;
	_ =	sdelay $0x1  }
0x1b8: {  	[tilespmem:$0x11E70] =	vst v16  }
0x1b9: {  	v16 =	vld [tilespmem:s29+$0xE000]  }
0x1ba: {  	v17 =	vld [tilespmem:s29+$0x10000]  }
0x1bb: {  	v26 =	vld [tilespmem:s29+$0xE010]  }
0x1bc: {  	v27 =	vld [tilespmem:s29+$0x10010]  }
0x1bd: {  	v28 =	vld [tilespmem:s29+$0xE020]  }
0x1be: {  	v29 =	vld [tilespmem:s29+$0x10020]  }
0x1bf: {  	v30 =	vld [tilespmem:s29+$0xE030]  }
0x1c0: {  	v31 =	vld [tilespmem:s29+$0x10030];
	_ =	sdelay $0x3  }
0x1c1: {  	v16 =	vmul.bf16 v17, v16;
	v17 =	vmul.bf16 v27, v26  }
0x1c2: {  	v32 =	vmul.bf16 v29, v28;
	v33 =	vmul.bf16 v31, v30;
	_ =	sdelay $0x1  }
0x1c3: {  	v16 =	vadd.bf16 v17, v16;
	v17 =	vadd.bf16 v33, v32;
	_ =	sdelay $0x1  }
0x1c4: {  	v16 =	vadd.bf16 v17, v16;
	_ =	sdelay $0x1  }
0x1c5: {  	v17 =	vunpack.i.u.bf16.f32 v16;
	v16 =	vunpack.i.l.bf16.f32 v16  }
0x1c6: {  	v16 =	vadd.f32 v16, v17;
	_ =	sdelay $0x1  }
0x1c7: {  	[tilespmem:$0x11E80] =	vst v16  }
0x1c8: {  	v16 =	vld [tilespmem:s29+$0xE040]  }
0x1c9: {  	v17 =	vld [tilespmem:s29+$0x10040]  }
0x1ca: {  	v34 =	vld [tilespmem:s29+$0xE050]  }
0x1cb: {  	v35 =	vld [tilespmem:s29+$0x10050]  }
0x1cc: {  	v36 =	vld [tilespmem:s29+$0xE060]  }
0x1cd: {  	v37 =	vld [tilespmem:s29+$0x10060]  }
0x1ce: {  	v38 =	vld [tilespmem:s29+$0xE070]  }
0x1cf: {  	v39 =	vld [tilespmem:s29+$0x10070];
	_ =	sdelay $0x3  }
0x1d0: {  	v16 =	vmul.bf16 v17, v16;
	v17 =	vmul.bf16 v35, v34  }
0x1d1: {  	v40 =	vmul.bf16 v37, v36;
	v41 =	vmul.bf16 v39, v38;
	_ =	sdelay $0x1  }
0x1d2: {  	v16 =	vadd.bf16 v17, v16;
	v17 =	vadd.bf16 v41, v40;
	_ =	sdelay $0x1  }
0x1d3: {  	v16 =	vadd.bf16 v17, v16;
	_ =	sdelay $0x1  }
0x1d4: {  	v17 =	vunpack.i.u.bf16.f32 v16;
	v16 =	vunpack.i.l.bf16.f32 v16  }
0x1d5: {  	v16 =	vadd.f32 v16, v17;
	_ =	sdelay $0x1  }
0x1d6: {  	[tilespmem:$0x11E90] =	vst v16  }
0x1d7: {  	v16 =	vld [tilespmem:s29+$0xE080]  }
0x1d8: {  	v17 =	vld [tilespmem:s29+$0x10080]  }
0x1d9: {  	v42 =	vld [tilespmem:s29+$0xE090]  }
0x1da: {  	v43 =	vld [tilespmem:s29+$0x10090]  }
0x1db: {  	v44 =	vld [tilespmem:s29+$0xE0A0]  }
0x1dc: {  	v45 =	vld [tilespmem:s29+$0x100A0]  }
0x1dd: {  	v46 =	vld [tilespmem:s29+$0xE0B0]  }
0x1de: {  	v47 =	vld [tilespmem:s29+$0x100B0];
	_ =	sdelay $0x3  }
0x1df: {  	v16 =	vmul.bf16 v17, v16;
	v17 =	vmul.bf16 v43, v42  }
0x1e0: {  	v48 =	vmul.bf16 v45, v44;
	v49 =	vmul.bf16 v47, v46;
	_ =	sdelay $0x1  }
0x1e1: {  	v16 =	vadd.bf16 v17, v16;
	v17 =	vadd.bf16 v49, v48;
	_ =	sdelay $0x1  }
0x1e2: {  	v16 =	vadd.bf16 v17, v16;
	_ =	sdelay $0x1  }
0x1e3: {  	v17 =	vunpack.i.u.bf16.f32 v16;
	v16 =	vunpack.i.l.bf16.f32 v16  }
0x1e4: {  	v16 =	vadd.f32 v16, v17;
	_ =	sdelay $0x1  }
0x1e5: {  	[tilespmem:$0x11EA0] =	vst v16  }
0x1e6: {  	v16 =	vld [tilespmem:s29+$0xE0C0]  }
0x1e7: {  	v17 =	vld [tilespmem:s29+$0x100C0]  }
0x1e8: {  	v50 =	vld [tilespmem:s29+$0xE0D0]  }
0x1e9: {  	v51 =	vld [tilespmem:s29+$0x100D0]  }
0x1ea: {  	v52 =	vld [tilespmem:s29+$0xE0E0]  }
0x1eb: {  	v53 =	vld [tilespmem:s29+$0x100E0]  }
0x1ec: {  	v54 =	vld [tilespmem:s29+$0xE0F0]  }
0x1ed: {  	v55 =	vld [tilespmem:s29+$0x100F0];
	_ =	sdelay $0x3  }
0x1ee: {  	v16 =	vmul.bf16 v17, v16;
	v17 =	vmul.bf16 v51, v50  }
0x1ef: {  	v56 =	vmul.bf16 v53, v52;
	v57 =	vmul.bf16 v55, v54;
	_ =	sdelay $0x1  }
0x1f0: {  	v16 =	vadd.bf16 v17, v16;
	v17 =	vadd.bf16 v57, v56;
	_ =	sdelay $0x1  }
0x1f1: {  	v16 =	vadd.bf16 v17, v16;
	_ =	sdelay $0x1  }
0x1f2: {  	v17 =	vunpack.i.u.bf16.f32 v16;
	v16 =	vunpack.i.l.bf16.f32 v16  }
0x1f3: {  	v16 =	vadd.f32 v16, v17;
	_ =	sdelay $0x1  }
0x1f4: {  	[tilespmem:$0x11EB0] =	vst v16  }
0x1f5: {  	v16 =	vld [tilespmem:s29+$0xE100]  }
0x1f6: {  	v17 =	vld [tilespmem:s29+$0x10100]  }
0x1f7: {  	v58 =	vld [tilespmem:s29+$0xE110]  }
0x1f8: {  	v59 =	vld [tilespmem:s29+$0x10110]  }
0x1f9: {  	v60 =	vld [tilespmem:s29+$0xE120]  }
0x1fa: {  	v61 =	vld [tilespmem:s29+$0x10120]  }
0x1fb: {  	v62 =	vld [tilespmem:s29+$0xE130]  }
0x1fc: {  	v63 =	vld [tilespmem:s29+$0x10130];
	_ =	sdelay $0x3  }
0x1fd: {  	v16 =	vmul.bf16 v17, v16;
	v17 =	vmul.bf16 v59, v58  }
0x1fe: {  	v24 =	vmul.bf16 v61, v60;
	v25 =	vmul.bf16 v63, v62;
	_ =	sdelay $0x1  }
0x1ff: {  	v16 =	vadd.bf16 v17, v16;
	v17 =	vadd.bf16 v25, v24;
	_ =	sdelay $0x1  }
0x200: {  	v16 =	vadd.bf16 v17, v16;
	_ =	sdelay $0x1  }
0x201: {  	v17 =	vunpack.i.u.bf16.f32 v16;
	v16 =	vunpack.i.l.bf16.f32 v16  }
0x202: {  	v16 =	vadd.f32 v16, v17;
	_ =	sdelay $0x1  }
0x203: {  	[tilespmem:$0x11EC0] =	vst v16  }
0x204: {  	v16 =	vld [tilespmem:s29+$0xE140]  }
0x205: {  	v17 =	vld [tilespmem:s29+$0x10140]  }
0x206: {  	v26 =	vld [tilespmem:s29+$0xE150]  }
0x207: {  	v27 =	vld [tilespmem:s29+$0x10150]  }
0x208: {  	v28 =	vld [tilespmem:s29+$0xE160]  }
0x209: {  	v29 =	vld [tilespmem:s29+$0x10160]  }
0x20a: {  	v30 =	vld [tilespmem:s29+$0xE170]  }
0x20b: {  	v31 =	vld [tilespmem:s29+$0x10170];
	_ =	sdelay $0x3  }
0x20c: {  	v16 =	vmul.bf16 v17, v16;
	v17 =	vmul.bf16 v27, v26  }
0x20d: {  	v32 =	vmul.bf16 v29, v28;
	v33 =	vmul.bf16 v31, v30;
	_ =	sdelay $0x1  }
0x20e: {  	v16 =	vadd.bf16 v17, v16;
	v17 =	vadd.bf16 v33, v32;
	_ =	sdelay $0x1  }
0x20f: {  	v16 =	vadd.bf16 v17, v16;
	_ =	sdelay $0x1  }
0x210: {  	v17 =	vunpack.i.u.bf16.f32 v16;
	v16 =	vunpack.i.l.bf16.f32 v16  }
0x211: {  	v16 =	vadd.f32 v16, v17;
	_ =	sdelay $0x1  }
0x212: {  	[tilespmem:$0x11ED0] =	vst v16  }
0x213: {  	v16 =	vld [tilespmem:s29+$0xE180]  }
0x214: {  	v17 =	vld [tilespmem:s29+$0x10180]  }
0x215: {  	v34 =	vld [tilespmem:s29+$0xE190]  }
0x216: {  	v35 =	vld [tilespmem:s29+$0x10190]  }
0x217: {  	v36 =	vld [tilespmem:s29+$0xE1A0]  }
0x218: {  	v37 =	vld [tilespmem:s29+$0x101A0]  }
0x219: {  	v38 =	vld [tilespmem:s29+$0xE1B0]  }
0x21a: {  	v39 =	vld [tilespmem:s29+$0x101B0];
	_ =	sdelay $0x3  }
0x21b: {  	v16 =	vmul.bf16 v17, v16;
	v17 =	vmul.bf16 v35, v34  }
0x21c: {  	v40 =	vmul.bf16 v37, v36;
	v41 =	vmul.bf16 v39, v38;
	_ =	sdelay $0x1  }
0x21d: {  	v16 =	vadd.bf16 v17, v16;
	v17 =	vadd.bf16 v41, v40;
	_ =	sdelay $0x1  }
0x21e: {  	v16 =	vadd.bf16 v17, v16;
	_ =	sdelay $0x1  }
0x21f: {  	v17 =	vunpack.i.u.bf16.f32 v16;
	v16 =	vunpack.i.l.bf16.f32 v16  }
0x220: {  	v16 =	vadd.f32 v16, v17;
	_ =	sdelay $0x1  }
0x221: {  	[tilespmem:$0x11EE0] =	vst v16  }
0x222: {  	v16 =	vld [tilespmem:s29+$0xE1C0]  }
0x223: {  	v17 =	vld [tilespmem:s29+$0x101C0]  }
0x224: {  	v42 =	vld [tilespmem:s29+$0xE1D0]  }
0x225: {  	v43 =	vld [tilespmem:s29+$0x101D0]  }
0x226: {  	v44 =	vld [tilespmem:s29+$0xE1E0]  }
0x227: {  	v45 =	vld [tilespmem:s29+$0x101E0]  }
0x228: {  	v46 =	vld [tilespmem:s29+$0xE1F0]  }
0x229: {  	v47 =	vld [tilespmem:s29+$0x101F0];
	_ =	sdelay $0x3  }
0x22a: {  	v16 =	vmul.bf16 v17, v16;
	v17 =	vmul.bf16 v43, v42  }
0x22b: {  	v48 =	vmul.bf16 v45, v44;
	v49 =	vmul.bf16 v47, v46;
	_ =	sdelay $0x1  }
0x22c: {  	v16 =	vadd.bf16 v17, v16;
	v17 =	vadd.bf16 v49, v48;
	_ =	sdelay $0x1  }
0x22d: {  	v16 =	vadd.bf16 v17, v16;
	_ =	sdelay $0x1  }
0x22e: {  	v17 =	vunpack.i.u.bf16.f32 v16;
	v16 =	vunpack.i.l.bf16.f32 v16  }
0x22f: {  	v16 =	vadd.f32 v16, v17;
	_ =	sdelay $0x1  }
0x230: {  	[tilespmem:$0x11EF0] =	vst v16  }
0x231: {  	v16 =	vld.idx.msk [tilespmem:v0+s18+$0x0], $0xffff  }
0x232: {  	v17 =	vld.idx.msk [tilespmem:v1+s18+$0x0], $0xffff  }
0x233: {  	v50 =	vld.idx.msk [tilespmem:v2+s18+$0x0], $0xffff  }
0x234: {  	v51 =	vld.idx.msk [tilespmem:v3+s18+$0x0], $0xffff  }
0x235: {  	v52 =	vld.idx.msk [tilespmem:v4+s18+$0x0], $0xffff  }
0x236: {  	v53 =	vld.idx.msk [tilespmem:v5+s18+$0x0], $0xffff  }
0x237: {  	v54 =	vld.idx.msk [tilespmem:v6+s18+$0x0], $0xffff  }
0x238: {  	v55 =	vld.idx.msk [tilespmem:v7+s18+$0x0], $0xffff  }
0x239: {  	v24 =	vld.idx.msk [tilespmem:v8+s18+$0x0], $0xffff  }
0x23a: {  	v25 =	vld.idx.msk [tilespmem:v9+s18+$0x0], $0xffff  }
0x23b: {  	v26 =	vld.idx.msk [tilespmem:v10+s18+$0x0], $0xffff  }
0x23c: {  	v27 =	vld.idx.msk [tilespmem:v11+s18+$0x0], $0xffff  }
0x23d: {  	v28 =	vld.idx.msk [tilespmem:v12+s18+$0x0], $0xffff  }
0x23e: {  	v29 =	vld.idx.msk [tilespmem:v13+s18+$0x0], $0xffff  }
0x23f: {  	v30 =	vld.idx.msk [tilespmem:v14+s18+$0x0], $0xffff  }
0x240: {  	v31 =	vld.idx.msk [tilespmem:v15+s18+$0x0], $0xffff;
	_ =	sdelay $0x1  }
0x241: {  	v16 =	vadd.f32 v17, v16;
	v17 =	vadd.f32 v51, v50  }
0x242: {  	v56 =	vadd.f32 v53, v52;
	v57 =	vadd.f32 v55, v54  }
0x243: {  	v58 =	vadd.f32 v25, v24;
	v59 =	vadd.f32 v27, v26  }
0x244: {  	v60 =	vadd.f32 v29, v28;
	v61 =	vadd.f32 v31, v30  }
0x245: {  	v16 =	vadd.f32 v17, v16;
	v17 =	vadd.f32 v57, v56  }
0x246: {  	v62 =	vadd.f32 v59, v58;
	v63 =	vadd.f32 v61, v60  }
0x247: {  	p1 =	sne.s32 s26, $0x7000  }
.Ltmp3:
0x248: {  	v16 =	vadd.f32 v17, v16;
	v17 =	vadd.f32 v63, v62;
	(pc) =	sbr.rel @p1 .LBB2_5-.Ltmp3, $3  }
0x249: {  	_ = 	snop  }
0x24a: {  	v16 =	vadd.f32 v17, v16;
	_ =	sdelay $0x1  }
0x24b: {  	s26 =	sadd.s32 $0x1000, s26;
	[tilespmem:s28+$0x0] =	vst v16;
	s28 =	sadd.s32 $0x10, s28  }
.Ltmp4:
0x24c: {  	(pc) =	sbr.rel @p0 .LBB2_8-.Ltmp4, $1  }
0x24d: {  	_ =	sdelay $0x3  }
.Ltmp5:
0x24e: {  	(pc) =	sbr.rel .LBB2_2-.Ltmp5, $4  }
0x24f: {  	s26 =	sadd.s32 $0x180, s25;
	s31 =	sadd.s32 $0x5080, s25  }
0x250: {  	[tilespmem:s14], [sflag:$0x2] =	stream.indirect.gather [hbm4b:s4+s11], $0x40, s26, s11, $0xb8;
	[tilespmem:$0x16E00] =	vst v63  }
0x251: {  	s24 =	sadd.s32 $0x1, s24;
	s23 =	sadd.s32 $0x100, s23;
	s22 =	sadd.s32 $0x100, s22  }
0x252: {  	[tilespmem:s16], [sflag:$0x2] =	stream.indirect.gather [hbm4b:s2+s11], $0x40, s31, s11, $0xb8;
	[tilespmem:$0x16E00] =	vst v63  }
.LBB2_9:
0x253: {  	_ =	sfence.sel $0x180000  }
0x254: {  	[bflag:$0x0] =	sbarrier.arrive $0xFFFF  }
0x255: {  	p0 =	sne.s32 s0, $0x0;
	_ =	strace $0x90000047  }
0x256: {  	s0 =	sadd.s32 @!p0 $0x100000, s1;
	[bflag:$0x2] =	sbarrier.arrive $0xFFFF  }
0x257: {  	[sflag:s0] =	ssyncadd.tile.s32 @!p0 $0x1;
	_ =	shalt  }
.Lfunc_end2:
_tile_overlayer_lowered:
.L_overlay_start_2:
0x258: {  	(tag) =	ssettag $0x2  }
0x259: {  	s0 =	rddreg [dreg:$0x0];
	s2 =	stileid.u32  }
0x25a: {  	s1 =	rddreg [dreg:$0x1];
	p0 =	sne.s32 s2, $0x0  }
0x25b: {  	s3 =	rddreg [dreg:$0x2];
	[bflag:$0x3] =	sbarrier.arrive $0xFFFF;
	s2 =	simm.s32 @!p0 $0x1C03  }
0x25c: {  	[timem:s3], [sflag:s2] =	dma.local @!p0 [hbm:s0], s1  }
0x25d: {  	s0 =	simm.s32 @!p0 $0x3  }
0x25e: {  	_ =	swait.ge @!p0 [sflag:s0], s1  }
0x25f: {  	s1 =	ssub.s32 @!p0 $0x0, s1;
	[sflag:s0] =	ssyncset.done @!p0 $0x0  }
0x260: {  	[sflag:s0] =	ssyncadd.s32 @!p0 s1  }
0x261: {  	[bflag:$0x3] =	sbarrier.arrive $0xFFFF  }
0x262: {  	_ =	shalt  }

</sc_bundles>
